<compile_context>
chip_gen: v7x
topology: tpu7x:2x2x1
jax: 0.10.2.dev20260603
libtpu: 0.0.44.dev20260713+nightly
codegen_flags: <defaults>
</compile_context>

<pallas_src>
import functools

import jax
import jax.numpy as jnp
from jax import lax
from jax.experimental import pallas as pl
from jax.experimental.pallas import tpu as pltpu
from jax.experimental.pallas import tpu_sc as plsc

_N_NODES = 10000
_N_EDGES = 320000
_L = 16
_NS = 16
_NC = 1
_HIST_PAD = 20480
_OUT_OFF = 10240
_SLICE = _HIST_PAD // _NS
_E_HIST = _N_EDGES // _NS
_E_GATH = _N_EDGES // _NS
_HC = _E_HIST // 2

_mesh = plsc.VectorSubcoreMesh(core_axis_name="c", subcore_axis_name="s",
                               num_cores=_NC)


@functools.partial(
    pl.kernel,
    mesh=_mesh,
    out_type=jax.ShapeDtypeStruct((_N_EDGES,), jnp.float32),
    scratch_types=[
        pltpu.VMEM((_HIST_PAD,), jnp.float32),
        pltpu.VMEM((_HC,), jnp.int32),
        pltpu.VMEM((_HC,), jnp.int32),
        pltpu.VMEM((_E_GATH,), jnp.int32),
        pltpu.VMEM((_E_GATH,), jnp.int32),
        pltpu.VMEM((_E_GATH,), jnp.float32),
        pltpu.VMEM((_SLICE,), jnp.float32),
        pltpu.VMEM((_SLICE,), jnp.float32),
        pltpu.VMEM((_SLICE,), jnp.float32),
        pltpu.VMEM_SHARED((_NS * _HIST_PAD,), jnp.float32),
        pltpu.SemaphoreType.DMA,
        pltpu.SemaphoreType.DMA,
        pltpu.SemaphoreType.DMA,
        pltpu.SemaphoreType.DMA,
    ],
    compiler_params=pltpu.CompilerParams(needs_layout_passes=False,
                                         use_tc_tiling_on_sc=False),
)
def _sds_kernel(ei_hbm, pei_hbm, out_hbm,
                hist, buf_a, buf_b, tail_buf, head_buf, out_buf,
                slice_a, slice_b, acc_buf, partials,
                sem_a, sem_b, sem_tail, sem_head):
    s = lax.axis_index("s")

    zeros = jnp.zeros((_L,), jnp.float32)
    ones = jnp.ones((_L,), jnp.float32)

    hbase = s * _E_HIST
    gbase = s * _E_GATH

    chunks = [(1, 0, 0), (1, _HC, 0),
              (0, 0, _OUT_OFF), (0, _HC, _OUT_OFF)]
    bufs = [buf_a, buf_b]
    sems = [sem_a, sem_b]

    def start_chunk(k):
        row, off, _ = chunks[k]
        return pltpu.async_copy(pei_hbm.at[row, pl.ds(hbase + off, _HC)],
                                bufs[k % 2], sems[k % 2])

    cps = [start_chunk(0), start_chunk(1)]

    @plsc.parallel_loop(0, _HIST_PAD, step=_L, unroll=16)
    def zero_hist(i):
        hist[pl.ds(i, _L)] = zeros

    @plsc.parallel_loop(0, _SLICE, step=_L, unroll=16)
    def zero_acc(i):
        acc_buf[pl.ds(i, _L)] = zeros

    for k in range(4):
        cps[k].wait()
        buf = bufs[k % 2]
        voff = chunks[k][2]

        @plsc.parallel_loop(0, _HC, step=_L, unroll=25)
        def scat(i, buf=buf, voff=voff):
            v = buf[pl.ds(i, _L)] + voff
            plsc.addupdate_scatter(hist, [v], ones)

        if k + 2 < 4:
            cps.append(start_chunk(k + 2))

    cp_tail = pltpu.async_copy(ei_hbm.at[1, pl.ds(gbase, _E_GATH)],
                               tail_buf, sem_tail)
    cp_head = pltpu.async_copy(ei_hbm.at[0, pl.ds(gbase, _E_GATH)],
                               head_buf, sem_head)

    pltpu.sync_copy(hist, partials.at[pl.ds(s * _HIST_PAD, _HIST_PAD)])
    plsc.subcore_barrier()

    sbufs = [slice_a, slice_b]

    def start_slice(t):
        return pltpu.async_copy(
            partials.at[pl.ds(t * _HIST_PAD + s * _SLICE, _SLICE)],
            sbufs[t % 2], sems[t % 2])

    rcps = [start_slice(0), start_slice(1)]
    for t in range(_NS):
        rcps[t].wait()
        sb = sbufs[t % 2]

        @plsc.parallel_loop(0, _SLICE, step=_L, unroll=16)
        def red_vec(i, sb=sb):
            sl = pl.ds(i, _L)
            acc_buf[sl] = acc_buf[sl] + sb[sl]

        if t + 2 < _NS:
            rcps.append(start_slice(t + 2))

    pltpu.sync_copy(acc_buf, partials.at[pl.ds(s * _SLICE, _SLICE)])
    plsc.subcore_barrier()
    pltpu.sync_copy(partials.at[pl.ds(0, _HIST_PAD)], hist)

    cp_tail.wait()
    cp_head.wait()

    ocps = []
    for w in range(2):

        @plsc.parallel_loop(w * _HC, (w + 1) * _HC, step=_L, unroll=25)
        def gath(i):
            sl = pl.ds(i, _L)
            a = plsc.load_gather(hist, [tail_buf[sl]])
            b = plsc.load_gather(hist, [head_buf[sl] + _OUT_OFF])
            out_buf[sl] = (a + b) * jnp.float32(0.5)

        ocps.append(pltpu.async_copy(out_buf.at[pl.ds(w * _HC, _HC)],
                                     out_hbm.at[pl.ds(gbase + w * _HC, _HC)],
                                     sems[w]))

    ocps[0].wait()
    ocps[1].wait()


def kernel(z, edge_index, pos_edge_index):
    del z
    return _sds_kernel(edge_index, pos_edge_index)

# --- scband reference (transcript-rebuilt; emitter-appended) ---
"""Pipeline reference for scband-symmetric-degree-sorter-9526237462978 (READ-ONLY COPY).

The authoritative reference and input builder live on the scoring server;
editing this copy changes nothing except your own understanding.
"""

import jax, jax.numpy as jnp
import numpy as np

N_NODES = 10000
N_EDGES = 320000
D_FEAT = 128


def _degree(idx, num_nodes):
    # torch_geometric.utils.degree == scatter-add of ones (bincount with fixed length)
    return jnp.zeros((num_nodes,), dtype=jnp.float32).at[idx].add(1.0)


def setup_inputs(seed: int = 0) -> dict:
    key = jax.random.key(seed)
    k1, k2, k3 = jax.random.split(key, 3)
    z = jax.random.normal(k1, (N_NODES, D_FEAT), dtype=jnp.float32)
    edge_index = jax.random.randint(k2, (2, N_EDGES), 0, N_NODES, dtype=jnp.int32)
    pos_edge_index = jax.random.randint(k3, (2, N_EDGES), 0, N_NODES, dtype=jnp.int32)
    return {"z": z, "edge_index": edge_index, "pos_edge_index": pos_edge_index}


def reference(z, edge_index, pos_edge_index):
    num_nodes = z.shape[0]
    tail_nodes = edge_index[1, :]
    head_nodes = edge_index[0, :]
    in_degrees = _degree(pos_edge_index[1, :], num_nodes)
    out_degrees = _degree(pos_edge_index[0, :], num_nodes)
    return (in_degrees[tail_nodes] + out_degrees[head_nodes]) / 2.0

if __name__ == "__main__":
    import jax
    _d = setup_inputs()
    print(jax.jit(kernel)(*tuple(_d.values())))

</pallas_src>

<mosaic_0001>
#map = affine_map<(d0, d1) -> (0, 0)>
#map1 = affine_map<(d0, d1) -> (0)>
module attributes {stable_mosaic.version = 14 : i64} {
  func.func @_sds_kernel(%arg0: i32, %arg1: i32, %arg2: memref<2x320000xi32, #tpu.memory_space<hbm>>, %arg3: memref<2x320000xi32, #tpu.memory_space<hbm>>, %arg4: memref<320000xf32, #tpu.memory_space<hbm>>, %arg5: memref<20480xf32, #tpu.memory_space<vmem>>, %arg6: memref<10000xi32, #tpu.memory_space<vmem>>, %arg7: memref<10000xi32, #tpu.memory_space<vmem>>, %arg8: memref<20000xi32, #tpu.memory_space<vmem>>, %arg9: memref<20000xi32, #tpu.memory_space<vmem>>, %arg10: memref<20000xf32, #tpu.memory_space<vmem>>, %arg11: memref<1280xf32, #tpu.memory_space<vmem>>, %arg12: memref<1280xf32, #tpu.memory_space<vmem>>, %arg13: memref<1280xf32, #tpu.memory_space<vmem>>, %arg14: memref<327680xf32, #tpu.memory_space<vmem_shared>>, %arg15: memref<!tpu.dma_semaphore, #tpu.memory_space<semaphore_mem>>, %arg16: memref<!tpu.dma_semaphore, #tpu.memory_space<semaphore_mem>>, %arg17: memref<!tpu.dma_semaphore, #tpu.memory_space<semaphore_mem>>, %arg18: memref<!tpu.dma_semaphore, #tpu.memory_space<semaphore_mem>>) attributes {dimension_semantics = [#tpu.dimension_semantics<core_parallel>, #tpu.dimension_semantics<subcore_parallel>], iteration_bounds = array<i64: 1, 16>, scalar_prefetch = 0 : i64, scratch_operands = 14 : i64, tpu.core_type = #tpu.core_type<sc_vector_subcore>, window_params = [{transform_indices = #map}, {transform_indices = #map}, {transform_indices = #map1}]} {
    %broadcast_in_dim3A = arith.constant 0.000000e+00 : f32
    %broadcast_in_dim3A_0 = vector.broadcast %broadcast_in_dim3A : f32 to vector<16xf32>
    %broadcast_in_dim3A_1 = arith.constant 1.000000e+00 : f32
    %broadcast_in_dim3A_2 = vector.broadcast %broadcast_in_dim3A_1 : f32 to vector<16xf32>
    %mul3A = arith.constant 20000 : i32
    %mul3A_3 = arith.muli %arg1, %mul3A : i32
    %mul3A_4 = arith.constant 20000 : i32
    %mul3A_5 = arith.muli %arg1, %mul3A_4 : i32
    %add3A = arith.constant 0 : i32
    %add3A_6 = arith.addi %mul3A_3, %add3A : i32
    %dma_start3A = arith.constant 1 : i32
    %dma_start3A_7 = tpu.memref_slice %arg3[%dma_start3A, %add3A_6] : memref<2x320000xi32, #tpu.memory_space<hbm>> -> memref<1x10000xi32, #tpu.memory_space<hbm>>
    %dma_start3A_8 = tpu.memref_squeeze %dma_start3A_7 : memref<1x10000xi32, #tpu.memory_space<hbm>> -> memref<10000xi32, #tpu.memory_space<hbm>>
    %dma_start3A_9 = tpu.memref_slice %arg3[%dma_start3A, %add3A_6] : memref<2x320000xi32, #tpu.memory_space<hbm>> -> memref<1x10000xi32, #tpu.memory_space<hbm>>
    %dma_start3A_10 = tpu.memref_squeeze %dma_start3A_9 : memref<1x10000xi32, #tpu.memory_space<hbm>> -> memref<10000xi32, #tpu.memory_space<hbm>>
    tpu.enqueue_dma source(%dma_start3A_10 : memref<10000xi32, #tpu.memory_space<hbm>>) target(%arg6 : memref<10000xi32, #tpu.memory_space<vmem>>) target_semaphore(%arg15 : memref<!tpu.dma_semaphore, #tpu.memory_space<semaphore_mem>>)
    %add3A_11 = arith.constant 10000 : i32
    %add3A_12 = arith.addi %mul3A_3, %add3A_11 : i32
    %dma_start3A_13 = arith.constant 1 : i32
    %dma_start3A_14 = tpu.memref_slice %arg3[%dma_start3A_13, %add3A_12] : memref<2x320000xi32, #tpu.memory_space<hbm>> -> memref<1x10000xi32, #tpu.memory_space<hbm>>
    %dma_start3A_15 = tpu.memref_squeeze %dma_start3A_14 : memref<1x10000xi32, #tpu.memory_space<hbm>> -> memref<10000xi32, #tpu.memory_space<hbm>>
    %dma_start3A_16 = tpu.memref_slice %arg3[%dma_start3A_13, %add3A_12] : memref<2x320000xi32, #tpu.memory_space<hbm>> -> memref<1x10000xi32, #tpu.memory_space<hbm>>
    %dma_start3A_17 = tpu.memref_squeeze %dma_start3A_16 : memref<1x10000xi32, #tpu.memory_space<hbm>> -> memref<10000xi32, #tpu.memory_space<hbm>>
    tpu.enqueue_dma source(%dma_start3A_17 : memref<10000xi32, #tpu.memory_space<hbm>>) target(%arg7 : memref<10000xi32, #tpu.memory_space<vmem>>) target_semaphore(%arg16 : memref<!tpu.dma_semaphore, #tpu.memory_space<semaphore_mem>>)
    %parallel_loop3A = arith.constant 0 : i32
    %parallel_loop3A_18 = arith.constant 20480 : i32
    %parallel_loop3A_19 = arith.constant 16 : i32
    scf.for %parallel_loop3A_303 = %parallel_loop3A to %parallel_loop3A_18 step %parallel_loop3A_19  : i32 {
      %parallel_loop3A_304 = arith.index_cast %parallel_loop3A_303 : i32 to index
      %parallel_loop3A_305 = tpu.vector_load %arg5[%parallel_loop3A_304] {strides = array<i32>} : memref<20480xf32, #tpu.memory_space<vmem>>, vector<16xf32>,
      tpu.vector_store %arg5[%parallel_loop3A_304], %broadcast_in_dim3A_0 {strides = array<i32>} : memref<20480xf32, #tpu.memory_space<vmem>>, vector<16xf32>,
    } {sc.loop_unroll_factor = 16 : i64, sc.parallel_access}
    %parallel_loop3A_20 = arith.constant 0 : i32
    %parallel_loop3A_21 = arith.constant 1280 : i32
    %parallel_loop3A_22 = arith.constant 16 : i32
    scf.for %parallel_loop3A_303 = %parallel_loop3A_20 to %parallel_loop3A_21 step %parallel_loop3A_22  : i32 {
      %parallel_loop3A_304 = arith.index_cast %parallel_loop3A_303 : i32 to index
      %parallel_loop3A_305 = tpu.vector_load %arg13[%parallel_loop3A_304] {strides = array<i32>} : memref<1280xf32, #tpu.memory_space<vmem>>, vector<16xf32>,
      tpu.vector_store %arg13[%parallel_loop3A_304], %broadcast_in_dim3A_0 {strides = array<i32>} : memref<1280xf32, #tpu.memory_space<vmem>>, vector<16xf32>,
    } {sc.loop_unroll_factor = 16 : i64, sc.parallel_access}
    %dma_wait3A = arith.constant 1 : i32
    %dma_wait3A_23 = tpu.memref_slice %arg3[%dma_wait3A, %add3A_6] : memref<2x320000xi32, #tpu.memory_space<hbm>> -> memref<1x10000xi32, #tpu.memory_space<hbm>>
    %dma_wait3A_24 = tpu.memref_squeeze %dma_wait3A_23 : memref<1x10000xi32, #tpu.memory_space<hbm>> -> memref<10000xi32, #tpu.memory_space<hbm>>
    %dma_wait3A_25 = tpu.memref_slice %arg3[%dma_wait3A, %add3A_6] : memref<2x320000xi32, #tpu.memory_space<hbm>> -> memref<1x10000xi32, #tpu.memory_space<hbm>>
    %dma_wait3A_26 = tpu.memref_squeeze %dma_wait3A_25 : memref<1x10000xi32, #tpu.memory_space<hbm>> -> memref<10000xi32, #tpu.memory_space<hbm>>
    tpu.wait_dma2 semaphore(%arg15 : memref<!tpu.dma_semaphore, #tpu.memory_space<semaphore_mem>>) src(%dma_wait3A_26 : memref<10000xi32, #tpu.memory_space<hbm>>) dst(%arg6 : memref<10000xi32, #tpu.memory_space<vmem>>)
    %parallel_loop3A_27 = arith.constant 0 : i32
    %parallel_loop3A_28 = arith.constant 10000 : i32
    %parallel_loop3A_29 = arith.constant 16 : i32
    scf.for %parallel_loop3A_303 = %parallel_loop3A_27 to %parallel_loop3A_28 step %parallel_loop3A_29  : i32 {
      %parallel_loop3A_304 = arith.index_cast %parallel_loop3A_303 : i32 to index
      %parallel_loop3A_305 = tpu.vector_load %arg6[%parallel_loop3A_304] {strides = array<i32>} : memref<10000xi32, #tpu.memory_space<vmem>>, vector<16xi32>,
      %parallel_loop3A_306 = arith.constant 0 : i32
      %parallel_loop3A_307 = vector.broadcast %parallel_loop3A_306 : i32 to vector<16xi32>
      %parallel_loop3A_308 = arith.addi %parallel_loop3A_305, %parallel_loop3A_307 : vector<16xi32>
      tpu.vector_store_idx %arg5[%parallel_loop3A_308], %broadcast_in_dim3A_2 {add = true} : memref<20480xf32, #tpu.memory_space<vmem>>[vector<16xi32>], vector<16xf32>,
    } {sc.loop_unroll_factor = 25 : i64, sc.parallel_access}
    %add3A_30 = arith.constant 0 : i32
    %add3A_31 = arith.addi %mul3A_3, %add3A_30 : i32
    %dma_start3A_32 = arith.constant 0 : i32
    %dma_start3A_33 = tpu.memref_slice %arg3[%dma_start3A_32, %add3A_31] : memref<2x320000xi32, #tpu.memory_space<hbm>> -> memref<1x10000xi32, #tpu.memory_space<hbm>>
    %dma_start3A_34 = tpu.memref_squeeze %dma_start3A_33 : memref<1x10000xi32, #tpu.memory_space<hbm>> -> memref<10000xi32, #tpu.memory_space<hbm>>
    %dma_start3A_35 = tpu.memref_slice %arg3[%dma_start3A_32, %add3A_31] : memref<2x320000xi32, #tpu.memory_space<hbm>> -> memref<1x10000xi32, #tpu.memory_space<hbm>>
    %dma_start3A_36 = tpu.memref_squeeze %dma_start3A_35 : memref<1x10000xi32, #tpu.memory_space<hbm>> -> memref<10000xi32, #tpu.memory_space<hbm>>
    tpu.enqueue_dma source(%dma_start3A_36 : memref<10000xi32, #tpu.memory_space<hbm>>) target(%arg6 : memref<10000xi32, #tpu.memory_space<vmem>>) target_semaphore(%arg15 : memref<!tpu.dma_semaphore, #tpu.memory_space<semaphore_mem>>)
    %dma_wait3A_37 = arith.constant 1 : i32
    %dma_wait3A_38 = tpu.memref_slice %arg3[%dma_wait3A_37, %add3A_12] : memref<2x320000xi32, #tpu.memory_space<hbm>> -> memref<1x10000xi32, #tpu.memory_space<hbm>>
    %dma_wait3A_39 = tpu.memref_squeeze %dma_wait3A_38 : memref<1x10000xi32, #tpu.memory_space<hbm>> -> memref<10000xi32, #tpu.memory_space<hbm>>
    %dma_wait3A_40 = tpu.memref_slice %arg3[%dma_wait3A_37, %add3A_12] : memref<2x320000xi32, #tpu.memory_space<hbm>> -> memref<1x10000xi32, #tpu.memory_space<hbm>>
    %dma_wait3A_41 = tpu.memref_squeeze %dma_wait3A_40 : memref<1x10000xi32, #tpu.memory_space<hbm>> -> memref<10000xi32, #tpu.memory_space<hbm>>
    tpu.wait_dma2 semaphore(%arg16 : memref<!tpu.dma_semaphore, #tpu.memory_space<semaphore_mem>>) src(%dma_wait3A_41 : memref<10000xi32, #tpu.memory_space<hbm>>) dst(%arg7 : memref<10000xi32, #tpu.memory_space<vmem>>)
    %parallel_loop3A_42 = arith.constant 0 : i32
    %parallel_loop3A_43 = arith.constant 10000 : i32
    %parallel_loop3A_44 = arith.constant 16 : i32
    scf.for %parallel_loop3A_303 = %parallel_loop3A_42 to %parallel_loop3A_43 step %parallel_loop3A_44  : i32 {
      %parallel_loop3A_304 = arith.index_cast %parallel_loop3A_303 : i32 to index
      %parallel_loop3A_305 = tpu.vector_load %arg7[%parallel_loop3A_304] {strides = array<i32>} : memref<10000xi32, #tpu.memory_space<vmem>>, vector<16xi32>,
      %parallel_loop3A_306 = arith.constant 0 : i32
      %parallel_loop3A_307 = vector.broadcast %parallel_loop3A_306 : i32 to vector<16xi32>
      %parallel_loop3A_308 = arith.addi %parallel_loop3A_305, %parallel_loop3A_307 : vector<16xi32>
      tpu.vector_store_idx %arg5[%parallel_loop3A_308], %broadcast_in_dim3A_2 {add = true} : memref<20480xf32, #tpu.memory_space<vmem>>[vector<16xi32>], vector<16xf32>,
    } {sc.loop_unroll_factor = 25 : i64, sc.parallel_access}
    %add3A_45 = arith.constant 10000 : i32
    %add3A_46 = arith.addi %mul3A_3, %add3A_45 : i32
    %dma_start3A_47 = arith.constant 0 : i32
    %dma_start3A_48 = tpu.memref_slice %arg3[%dma_start3A_47, %add3A_46] : memref<2x320000xi32, #tpu.memory_space<hbm>> -> memref<1x10000xi32, #tpu.memory_space<hbm>>
    %dma_start3A_49 = tpu.memref_squeeze %dma_start3A_48 : memref<1x10000xi32, #tpu.memory_space<hbm>> -> memref<10000xi32, #tpu.memory_space<hbm>>
    %dma_start3A_50 = tpu.memref_slice %arg3[%dma_start3A_47, %add3A_46] : memref<2x320000xi32, #tpu.memory_space<hbm>> -> memref<1x10000xi32, #tpu.memory_space<hbm>>
    %dma_start3A_51 = tpu.memref_squeeze %dma_start3A_50 : memref<1x10000xi32, #tpu.memory_space<hbm>> -> memref<10000xi32, #tpu.memory_space<hbm>>
    tpu.enqueue_dma source(%dma_start3A_51 : memref<10000xi32, #tpu.memory_space<hbm>>) target(%arg7 : memref<10000xi32, #tpu.memory_space<vmem>>) target_semaphore(%arg16 : memref<!tpu.dma_semaphore, #tpu.memory_space<semaphore_mem>>)
    %dma_wait3A_52 = arith.constant 0 : i32
    %dma_wait3A_53 = tpu.memref_slice %arg3[%dma_wait3A_52, %add3A_31] : memref<2x320000xi32, #tpu.memory_space<hbm>> -> memref<1x10000xi32, #tpu.memory_space<hbm>>
    %dma_wait3A_54 = tpu.memref_squeeze %dma_wait3A_53 : memref<1x10000xi32, #tpu.memory_space<hbm>> -> memref<10000xi32, #tpu.memory_space<hbm>>
    %dma_wait3A_55 = tpu.memref_slice %arg3[%dma_wait3A_52, %add3A_31] : memref<2x320000xi32, #tpu.memory_space<hbm>> -> memref<1x10000xi32, #tpu.memory_space<hbm>>
    %dma_wait3A_56 = tpu.memref_squeeze %dma_wait3A_55 : memref<1x10000xi32, #tpu.memory_space<hbm>> -> memref<10000xi32, #tpu.memory_space<hbm>>
    tpu.wait_dma2 semaphore(%arg15 : memref<!tpu.dma_semaphore, #tpu.memory_space<semaphore_mem>>) src(%dma_wait3A_56 : memref<10000xi32, #tpu.memory_space<hbm>>) dst(%arg6 : memref<10000xi32, #tpu.memory_space<vmem>>)
    %parallel_loop3A_57 = arith.constant 0 : i32
    %parallel_loop3A_58 = arith.constant 10000 : i32
    %parallel_loop3A_59 = arith.constant 16 : i32
    scf.for %parallel_loop3A_303 = %parallel_loop3A_57 to %parallel_loop3A_58 step %parallel_loop3A_59  : i32 {
      %parallel_loop3A_304 = arith.index_cast %parallel_loop3A_303 : i32 to index
      %parallel_loop3A_305 = tpu.vector_load %arg6[%parallel_loop3A_304] {strides = array<i32>} : memref<10000xi32, #tpu.memory_space<vmem>>, vector<16xi32>,
      %parallel_loop3A_306 = arith.constant 10240 : i32
      %parallel_loop3A_307 = vector.broadcast %parallel_loop3A_306 : i32 to vector<16xi32>
      %parallel_loop3A_308 = arith.addi %parallel_loop3A_305, %parallel_loop3A_307 : vector<16xi32>
      tpu.vector_store_idx %arg5[%parallel_loop3A_308], %broadcast_in_dim3A_2 {add = true} : memref<20480xf32, #tpu.memory_space<vmem>>[vector<16xi32>], vector<16xf32>,
    } {sc.loop_unroll_factor = 25 : i64, sc.parallel_access}
    %dma_wait3A_60 = arith.constant 0 : i32
    %dma_wait3A_61 = tpu.memref_slice %arg3[%dma_wait3A_60, %add3A_46] : memref<2x320000xi32, #tpu.memory_space<hbm>> -> memref<1x10000xi32, #tpu.memory_space<hbm>>
    %dma_wait3A_62 = tpu.memref_squeeze %dma_wait3A_61 : memref<1x10000xi32, #tpu.memory_space<hbm>> -> memref<10000xi32, #tpu.memory_space<hbm>>
    %dma_wait3A_63 = tpu.memref_slice %arg3[%dma_wait3A_60, %add3A_46] : memref<2x320000xi32, #tpu.memory_space<hbm>> -> memref<1x10000xi32, #tpu.memory_space<hbm>>
    %dma_wait3A_64 = tpu.memref_squeeze %dma_wait3A_63 : memref<1x10000xi32, #tpu.memory_space<hbm>> -> memref<10000xi32, #tpu.memory_space<hbm>>
    tpu.wait_dma2 semaphore(%arg16 : memref<!tpu.dma_semaphore, #tpu.memory_space<semaphore_mem>>) src(%dma_wait3A_64 : memref<10000xi32, #tpu.memory_space<hbm>>) dst(%arg7 : memref<10000xi32, #tpu.memory_space<vmem>>)
    %parallel_loop3A_65 = arith.constant 0 : i32
    %parallel_loop3A_66 = arith.constant 10000 : i32
    %parallel_loop3A_67 = arith.constant 16 : i32
    scf.for %parallel_loop3A_303 = %parallel_loop3A_65 to %parallel_loop3A_66 step %parallel_loop3A_67  : i32 {
      %parallel_loop3A_304 = arith.index_cast %parallel_loop3A_303 : i32 to index
      %parallel_loop3A_305 = tpu.vector_load %arg7[%parallel_loop3A_304] {strides = array<i32>} : memref<10000xi32, #tpu.memory_space<vmem>>, vector<16xi32>,
      %parallel_loop3A_306 = arith.constant 10240 : i32
      %parallel_loop3A_307 = vector.broadcast %parallel_loop3A_306 : i32 to vector<16xi32>
      %parallel_loop3A_308 = arith.addi %parallel_loop3A_305, %parallel_loop3A_307 : vector<16xi32>
      tpu.vector_store_idx %arg5[%parallel_loop3A_308], %broadcast_in_dim3A_2 {add = true} : memref<20480xf32, #tpu.memory_space<vmem>>[vector<16xi32>], vector<16xf32>,
    } {sc.loop_unroll_factor = 25 : i64, sc.parallel_access}
    %dma_start3A_68 = arith.constant 1 : i32
    %dma_start3A_69 = tpu.memref_slice %arg2[%dma_start3A_68, %mul3A_5] : memref<2x320000xi32, #tpu.memory_space<hbm>> -> memref<1x20000xi32, #tpu.memory_space<hbm>>
    %dma_start3A_70 = tpu.memref_squeeze %dma_start3A_69 : memref<1x20000xi32, #tpu.memory_space<hbm>> -> memref<20000xi32, #tpu.memory_space<hbm>>
    %dma_start3A_71 = tpu.memref_slice %arg2[%dma_start3A_68, %mul3A_5] : memref<2x320000xi32, #tpu.memory_space<hbm>> -> memref<1x20000xi32, #tpu.memory_space<hbm>>
    %dma_start3A_72 = tpu.memref_squeeze %dma_start3A_71 : memref<1x20000xi32, #tpu.memory_space<hbm>> -> memref<20000xi32, #tpu.memory_space<hbm>>
    tpu.enqueue_dma source(%dma_start3A_72 : memref<20000xi32, #tpu.memory_space<hbm>>) target(%arg8 : memref<20000xi32, #tpu.memory_space<vmem>>) target_semaphore(%arg17 : memref<!tpu.dma_semaphore, #tpu.memory_space<semaphore_mem>>)
    %dma_start3A_73 = arith.constant 0 : i32
    %dma_start3A_74 = tpu.memref_slice %arg2[%dma_start3A_73, %mul3A_5] : memref<2x320000xi32, #tpu.memory_space<hbm>> -> memref<1x20000xi32, #tpu.memory_space<hbm>>
    %dma_start3A_75 = tpu.memref_squeeze %dma_start3A_74 : memref<1x20000xi32, #tpu.memory_space<hbm>> -> memref<20000xi32, #tpu.memory_space<hbm>>
    %dma_start3A_76 = tpu.memref_slice %arg2[%dma_start3A_73, %mul3A_5] : memref<2x320000xi32, #tpu.memory_space<hbm>> -> memref<1x20000xi32, #tpu.memory_space<hbm>>
    %dma_start3A_77 = tpu.memref_squeeze %dma_start3A_76 : memref<1x20000xi32, #tpu.memory_space<hbm>> -> memref<20000xi32, #tpu.memory_space<hbm>>
    tpu.enqueue_dma source(%dma_start3A_77 : memref<20000xi32, #tpu.memory_space<hbm>>) target(%arg9 : memref<20000xi32, #tpu.memory_space<vmem>>) target_semaphore(%arg18 : memref<!tpu.dma_semaphore, #tpu.memory_space<semaphore_mem>>)
    %mul3A_78 = arith.constant 20480 : i32
    %mul3A_79 = arith.muli %arg1, %mul3A_78 : i32
    "tpu.region"() ({
      %run_scoped3A = tpu.sem_alloc : memref<!tpu.dma_semaphore, #tpu.memory_space<semaphore_mem>>
      %dma_start3A_303 = tpu.memref_slice %arg14[%mul3A_79] : memref<327680xf32, #tpu.memory_space<vmem_shared>> -> memref<20480xf32, #tpu.memory_space<vmem_shared>>
      %dma_start3A_304 = tpu.memref_slice %arg14[%mul3A_79] : memref<327680xf32, #tpu.memory_space<vmem_shared>> -> memref<20480xf32, #tpu.memory_space<vmem_shared>>
      tpu.enqueue_dma source(%arg5 : memref<20480xf32, #tpu.memory_space<vmem>>) target(%dma_start3A_304 : memref<20480xf32, #tpu.memory_space<vmem_shared>>) target_semaphore(%run_scoped3A : memref<!tpu.dma_semaphore, #tpu.memory_space<semaphore_mem>>)
      %dma_wait3A_305 = tpu.memref_slice %arg14[%mul3A_79] : memref<327680xf32, #tpu.memory_space<vmem_shared>> -> memref<20480xf32, #tpu.memory_space<vmem_shared>>
      %dma_wait3A_306 = tpu.memref_slice %arg14[%mul3A_79] : memref<327680xf32, #tpu.memory_space<vmem_shared>> -> memref<20480xf32, #tpu.memory_space<vmem_shared>>
      tpu.wait_dma2 semaphore(%run_scoped3A : memref<!tpu.dma_semaphore, #tpu.memory_space<semaphore_mem>>) src(%arg5 : memref<20480xf32, #tpu.memory_space<vmem>>) dst(%dma_wait3A_306 : memref<20480xf32, #tpu.memory_space<vmem_shared>>)
      tpu.yield
    }) : () -> ()
    %barrier3A = arith.constant 0 : index
    tpu.barrier barrier_id(%barrier3A)
    %mul3A_80 = arith.constant 1280 : i32
    %mul3A_81 = arith.muli %arg1, %mul3A_80 : i32
    %add3A_82 = arith.constant 0 : i32
    %add3A_83 = arith.addi %add3A_82, %mul3A_81 : i32
    %dma_start3A_84 = tpu.memref_slice %arg14[%add3A_83] : memref<327680xf32, #tpu.memory_space<vmem_shared>> -> memref<1280xf32, #tpu.memory_space<vmem_shared>>
    %dma_start3A_85 = tpu.memref_slice %arg14[%add3A_83] : memref<327680xf32, #tpu.memory_space<vmem_shared>> -> memref<1280xf32, #tpu.memory_space<vmem_shared>>
    tpu.enqueue_dma source(%dma_start3A_85 : memref<1280xf32, #tpu.memory_space<vmem_shared>>) target(%arg11 : memref<1280xf32, #tpu.memory_space<vmem>>) target_semaphore(%arg15 : memref<!tpu.dma_semaphore, #tpu.memory_space<semaphore_mem>>)
    %mul3A_86 = arith.constant 1280 : i32
    %mul3A_87 = arith.muli %arg1, %mul3A_86 : i32
    %add3A_88 = arith.constant 20480 : i32
    %add3A_89 = arith.addi %add3A_88, %mul3A_87 : i32
    %dma_start3A_90 = tpu.memref_slice %arg14[%add3A_89] : memref<327680xf32, #tpu.memory_space<vmem_shared>> -> memref<1280xf32, #tpu.memory_space<vmem_shared>>
    %dma_start3A_91 = tpu.memref_slice %arg14[%add3A_89] : memref<327680xf32, #tpu.memory_space<vmem_shared>> -> memref<1280xf32, #tpu.memory_space<vmem_shared>>
    tpu.enqueue_dma source(%dma_start3A_91 : memref<1280xf32, #tpu.memory_space<vmem_shared>>) target(%arg12 : memref<1280xf32, #tpu.memory_space<vmem>>) target_semaphore(%arg16 : memref<!tpu.dma_semaphore, #tpu.memory_space<semaphore_mem>>)
    %dma_wait3A_92 = tpu.memref_slice %arg14[%add3A_83] : memref<327680xf32, #tpu.memory_space<vmem_shared>> -> memref<1280xf32, #tpu.memory_space<vmem_shared>>
    %dma_wait3A_93 = tpu.memref_slice %arg14[%add3A_83] : memref<327680xf32, #tpu.memory_space<vmem_shared>> -> memref<1280xf32, #tpu.memory_space<vmem_shared>>
    tpu.wait_dma2 semaphore(%arg15 : memref<!tpu.dma_semaphore, #tpu.memory_space<semaphore_mem>>) src(%dma_wait3A_93 : memref<1280xf32, #tpu.memory_space<vmem_shared>>) dst(%arg11 : memref<1280xf32, #tpu.memory_space<vmem>>)
    %parallel_loop3A_94 = arith.constant 0 : i32
    %parallel_loop3A_95 = arith.constant 1280 : i32
    %parallel_loop3A_96 = arith.constant 16 : i32
    scf.for %parallel_loop3A_303 = %parallel_loop3A_94 to %parallel_loop3A_95 step %parallel_loop3A_96  : i32 {
      %parallel_loop3A_304 = arith.index_cast %parallel_loop3A_303 : i32 to index
      %parallel_loop3A_305 = tpu.vector_load %arg13[%parallel_loop3A_304] {strides = array<i32>} : memref<1280xf32, #tpu.memory_space<vmem>>, vector<16xf32>,
      %parallel_loop3A_306 = arith.index_cast %parallel_loop3A_303 : i32 to index
      %parallel_loop3A_307 = tpu.vector_load %arg11[%parallel_loop3A_306] {strides = array<i32>} : memref<1280xf32, #tpu.memory_space<vmem>>, vector<16xf32>,
      %parallel_loop3A_308 = arith.addf %parallel_loop3A_305, %parallel_loop3A_307 : vector<16xf32>
      %parallel_loop3A_309 = arith.index_cast %parallel_loop3A_303 : i32 to index
      %parallel_loop3A_310 = tpu.vector_load %arg13[%parallel_loop3A_309] {strides = array<i32>} : memref<1280xf32, #tpu.memory_space<vmem>>, vector<16xf32>,
      tpu.vector_store %arg13[%parallel_loop3A_309], %parallel_loop3A_308 {strides = array<i32>} : memref<1280xf32, #tpu.memory_space<vmem>>, vector<16xf32>,
    } {sc.loop_unroll_factor = 16 : i64, sc.parallel_access}
    %mul3A_97 = arith.constant 1280 : i32
    %mul3A_98 = arith.muli %arg1, %mul3A_97 : i32
    %add3A_99 = arith.constant 40960 : i32
    %add3A_100 = arith.addi %add3A_99, %mul3A_98 : i32
    %dma_start3A_101 = tpu.memref_slice %arg14[%add3A_100] : memref<327680xf32, #tpu.memory_space<vmem_shared>> -> memref<1280xf32, #tpu.memory_space<vmem_shared>>
    %dma_start3A_102 = tpu.memref_slice %arg14[%add3A_100] : memref<327680xf32, #tpu.memory_space<vmem_shared>> -> memref<1280xf32, #tpu.memory_space<vmem_shared>>
    tpu.enqueue_dma source(%dma_start3A_102 : memref<1280xf32, #tpu.memory_space<vmem_shared>>) target(%arg11 : memref<1280xf32, #tpu.memory_space<vmem>>) target_semaphore(%arg15 : memref<!tpu.dma_semaphore, #tpu.memory_space<semaphore_mem>>)
    %dma_wait3A_103 = tpu.memref_slice %arg14[%add3A_89] : memref<327680xf32, #tpu.memory_space<vmem_shared>> -> memref<1280xf32, #tpu.memory_space<vmem_shared>>
    %dma_wait3A_104 = tpu.memref_slice %arg14[%add3A_89] : memref<327680xf32, #tpu.memory_space<vmem_shared>> -> memref<1280xf32, #tpu.memory_space<vmem_shared>>
    tpu.wait_dma2 semaphore(%arg16 : memref<!tpu.dma_semaphore, #tpu.memory_space<semaphore_mem>>) src(%dma_wait3A_104 : memref<1280xf32, #tpu.memory_space<vmem_shared>>) dst(%arg12 : memref<1280xf32, #tpu.memory_space<vmem>>)
    %parallel_loop3A_105 = arith.constant 0 : i32
    %parallel_loop3A_106 = arith.constant 1280 : i32
    %parallel_loop3A_107 = arith.constant 16 : i32
    scf.for %parallel_loop3A_303 = %parallel_loop3A_105 to %parallel_loop3A_106 step %parallel_loop3A_107  : i32 {
      %parallel_loop3A_304 = arith.index_cast %parallel_loop3A_303 : i32 to index
      %parallel_loop3A_305 = tpu.vector_load %arg13[%parallel_loop3A_304] {strides = array<i32>} : memref<1280xf32, #tpu.memory_space<vmem>>, vector<16xf32>,
      %parallel_loop3A_306 = arith.index_cast %parallel_loop3A_303 : i32 to index
      %parallel_loop3A_307 = tpu.vector_load %arg12[%parallel_loop3A_306] {strides = array<i32>} : memref<1280xf32, #tpu.memory_space<vmem>>, vector<16xf32>,
      %parallel_loop3A_308 = arith.addf %parallel_loop3A_305, %parallel_loop3A_307 : vector<16xf32>
      %parallel_loop3A_309 = arith.index_cast %parallel_loop3A_303 : i32 to index
      %parallel_loop3A_310 = tpu.vector_load %arg13[%parallel_loop3A_309] {strides = array<i32>} : memref<1280xf32, #tpu.memory_space<vmem>>, vector<16xf32>,
      tpu.vector_store %arg13[%parallel_loop3A_309], %parallel_loop3A_308 {strides = array<i32>} : memref<1280xf32, #tpu.memory_space<vmem>>, vector<16xf32>,
    } {sc.loop_unroll_factor = 16 : i64, sc.parallel_access}
    %mul3A_108 = arith.constant 1280 : i32
    %mul3A_109 = arith.muli %arg1, %mul3A_108 : i32
    %add3A_110 = arith.constant 61440 : i32
    %add3A_111 = arith.addi %add3A_110, %mul3A_109 : i32
    %dma_start3A_112 = tpu.memref_slice %arg14[%add3A_111] : memref<327680xf32, #tpu.memory_space<vmem_shared>> -> memref<1280xf32, #tpu.memory_space<vmem_shared>>
    %dma_start3A_113 = tpu.memref_slice %arg14[%add3A_111] : memref<327680xf32, #tpu.memory_space<vmem_shared>> -> memref<1280xf32, #tpu.memory_space<vmem_shared>>
    tpu.enqueue_dma source(%dma_start3A_113 : memref<1280xf32, #tpu.memory_space<vmem_shared>>) target(%arg12 : memref<1280xf32, #tpu.memory_space<vmem>>) target_semaphore(%arg16 : memref<!tpu.dma_semaphore, #tpu.memory_space<semaphore_mem>>)
    %dma_wait3A_114 = tpu.memref_slice %arg14[%add3A_100] : memref<327680xf32, #tpu.memory_space<vmem_shared>> -> memref<1280xf32, #tpu.memory_space<vmem_shared>>
    %dma_wait3A_115 = tpu.memref_slice %arg14[%add3A_100] : memref<327680xf32, #tpu.memory_space<vmem_shared>> -> memref<1280xf32, #tpu.memory_space<vmem_shared>>
    tpu.wait_dma2 semaphore(%arg15 : memref<!tpu.dma_semaphore, #tpu.memory_space<semaphore_mem>>) src(%dma_wait3A_115 : memref<1280xf32, #tpu.memory_space<vmem_shared>>) dst(%arg11 : memref<1280xf32, #tpu.memory_space<vmem>>)
    %parallel_loop3A_116 = arith.constant 0 : i32
    %parallel_loop3A_117 = arith.constant 1280 : i32
    %parallel_loop3A_118 = arith.constant 16 : i32
    scf.for %parallel_loop3A_303 = %parallel_loop3A_116 to %parallel_loop3A_117 step %parallel_loop3A_118  : i32 {
      %parallel_loop3A_304 = arith.index_cast %parallel_loop3A_303 : i32 to index
      %parallel_loop3A_305 = tpu.vector_load %arg13[%parallel_loop3A_304] {strides = array<i32>} : memref<1280xf32, #tpu.memory_space<vmem>>, vector<16xf32>,
      %parallel_loop3A_306 = arith.index_cast %parallel_loop3A_303 : i32 to index
      %parallel_loop3A_307 = tpu.vector_load %arg11[%parallel_loop3A_306] {strides = array<i32>} : memref<1280xf32, #tpu.memory_space<vmem>>, vector<16xf32>,
      %parallel_loop3A_308 = arith.addf %parallel_loop3A_305, %parallel_loop3A_307 : vector<16xf32>
      %parallel_loop3A_309 = arith.index_cast %parallel_loop3A_303 : i32 to index
      %parallel_loop3A_310 = tpu.vector_load %arg13[%parallel_loop3A_309] {strides = array<i32>} : memref<1280xf32, #tpu.memory_space<vmem>>, vector<16xf32>,
      tpu.vector_store %arg13[%parallel_loop3A_309], %parallel_loop3A_308 {strides = array<i32>} : memref<1280xf32, #tpu.memory_space<vmem>>, vector<16xf32>,
    } {sc.loop_unroll_factor = 16 : i64, sc.parallel_access}
    %mul3A_119 = arith.constant 1280 : i32
    %mul3A_120 = arith.muli %arg1, %mul3A_119 : i32
    %add3A_121 = arith.constant 81920 : i32
    %add3A_122 = arith.addi %add3A_121, %mul3A_120 : i32
    %dma_start3A_123 = tpu.memref_slice %arg14[%add3A_122] : memref<327680xf32, #tpu.memory_space<vmem_shared>> -> memref<1280xf32, #tpu.memory_space<vmem_shared>>
    %dma_start3A_124 = tpu.memref_slice %arg14[%add3A_122] : memref<327680xf32, #tpu.memory_space<vmem_shared>> -> memref<1280xf32, #tpu.memory_space<vmem_shared>>
    tpu.enqueue_dma source(%dma_start3A_124 : memref<1280xf32, #tpu.memory_space<vmem_shared>>) target(%arg11 : memref<1280xf32, #tpu.memory_space<vmem>>) target_semaphore(%arg15 : memref<!tpu.dma_semaphore, #tpu.memory_space<semaphore_mem>>)
    %dma_wait3A_125 = tpu.memref_slice %arg14[%add3A_111] : memref<327680xf32, #tpu.memory_space<vmem_shared>> -> memref<1280xf32, #tpu.memory_space<vmem_shared>>
    %dma_wait3A_126 = tpu.memref_slice %arg14[%add3A_111] : memref<327680xf32, #tpu.memory_space<vmem_shared>> -> memref<1280xf32, #tpu.memory_space<vmem_shared>>
    tpu.wait_dma2 semaphore(%arg16 : memref<!tpu.dma_semaphore, #tpu.memory_space<semaphore_mem>>) src(%dma_wait3A_126 : memref<1280xf32, #tpu.memory_space<vmem_shared>>) dst(%arg12 : memref<1280xf32, #tpu.memory_space<vmem>>)
    %parallel_loop3A_127 = arith.constant 0 : i32
    %parallel_loop3A_128 = arith.constant 1280 : i32
    %parallel_loop3A_129 = arith.constant 16 : i32
    scf.for %parallel_loop3A_303 = %parallel_loop3A_127 to %parallel_loop3A_128 step %parallel_loop3A_129  : i32 {
      %parallel_loop3A_304 = arith.index_cast %parallel_loop3A_303 : i32 to index
      %parallel_loop3A_305 = tpu.vector_load %arg13[%parallel_loop3A_304] {strides = array<i32>} : memref<1280xf32, #tpu.memory_space<vmem>>, vector<16xf32>,
      %parallel_loop3A_306 = arith.index_cast %parallel_loop3A_303 : i32 to index
      %parallel_loop3A_307 = tpu.vector_load %arg12[%parallel_loop3A_306] {strides = array<i32>} : memref<1280xf32, #tpu.memory_space<vmem>>, vector<16xf32>,
      %parallel_loop3A_308 = arith.addf %parallel_loop3A_305, %parallel_loop3A_307 : vector<16xf32>
      %parallel_loop3A_309 = arith.index_cast %parallel_loop3A_303 : i32 to index
      %parallel_loop3A_310 = tpu.vector_load %arg13[%parallel_loop3A_309] {strides = array<i32>} : memref<1280xf32, #tpu.memory_space<vmem>>, vector<16xf32>,
      tpu.vector_store %arg13[%parallel_loop3A_309], %parallel_loop3A_308 {strides = array<i32>} : memref<1280xf32, #tpu.memory_space<vmem>>, vector<16xf32>,
    } {sc.loop_unroll_factor = 16 : i64, sc.parallel_access}
    %mul3A_130 = arith.constant 1280 : i32
    %mul3A_131 = arith.muli %arg1, %mul3A_130 : i32
    %add3A_132 = arith.constant 102400 : i32
    %add3A_133 = arith.addi %add3A_132, %mul3A_131 : i32
    %dma_start3A_134 = tpu.memref_slice %arg14[%add3A_133] : memref<327680xf32, #tpu.memory_space<vmem_shared>> -> memref<1280xf32, #tpu.memory_space<vmem_shared>>
    %dma_start3A_135 = tpu.memref_slice %arg14[%add3A_133] : memref<327680xf32, #tpu.memory_space<vmem_shared>> -> memref<1280xf32, #tpu.memory_space<vmem_shared>>
    tpu.enqueue_dma source(%dma_start3A_135 : memref<1280xf32, #tpu.memory_space<vmem_shared>>) target(%arg12 : memref<1280xf32, #tpu.memory_space<vmem>>) target_semaphore(%arg16 : memref<!tpu.dma_semaphore, #tpu.memory_space<semaphore_mem>>)
    %dma_wait3A_136 = tpu.memref_slice %arg14[%add3A_122] : memref<327680xf32, #tpu.memory_space<vmem_shared>> -> memref<1280xf32, #tpu.memory_space<vmem_shared>>
    %dma_wait3A_137 = tpu.memref_slice %arg14[%add3A_122] : memref<327680xf32, #tpu.memory_space<vmem_shared>> -> memref<1280xf32, #tpu.memory_space<vmem_shared>>
    tpu.wait_dma2 semaphore(%arg15 : memref<!tpu.dma_semaphore, #tpu.memory_space<semaphore_mem>>) src(%dma_wait3A_137 : memref<1280xf32, #tpu.memory_space<vmem_shared>>) dst(%arg11 : memref<1280xf32, #tpu.memory_space<vmem>>)
    %parallel_loop3A_138 = arith.constant 0 : i32
    %parallel_loop3A_139 = arith.constant 1280 : i32
    %parallel_loop3A_140 = arith.constant 16 : i32
    scf.for %parallel_loop3A_303 = %parallel_loop3A_138 to %parallel_loop3A_139 step %parallel_loop3A_140  : i32 {
      %parallel_loop3A_304 = arith.index_cast %parallel_loop3A_303 : i32 to index
      %parallel_loop3A_305 = tpu.vector_load %arg13[%parallel_loop3A_304] {strides = array<i32>} : memref<1280xf32, #tpu.memory_space<vmem>>, vector<16xf32>,
      %parallel_loop3A_306 = arith.index_cast %parallel_loop3A_303 : i32 to index
      %parallel_loop3A_307 = tpu.vector_load %arg11[%parallel_loop3A_306] {strides = array<i32>} : memref<1280xf32, #tpu.memory_space<vmem>>, vector<16xf32>,
      %parallel_loop3A_308 = arith.addf %parallel_loop3A_305, %parallel_loop3A_307 : vector<16xf32>
      %parallel_loop3A_309 = arith.index_cast %parallel_loop3A_303 : i32 to index
      %parallel_loop3A_310 = tpu.vector_load %arg13[%parallel_loop3A_309] {strides = array<i32>} : memref<1280xf32, #tpu.memory_space<vmem>>, vector<16xf32>,
      tpu.vector_store %arg13[%parallel_loop3A_309], %parallel_loop3A_308 {strides = array<i32>} : memref<1280xf32, #tpu.memory_space<vmem>>, vector<16xf32>,
    } {sc.loop_unroll_factor = 16 : i64, sc.parallel_access}
    %mul3A_141 = arith.constant 1280 : i32
    %mul3A_142 = arith.muli %arg1, %mul3A_141 : i32
    %add3A_143 = arith.constant 122880 : i32
    %add3A_144 = arith.addi %add3A_143, %mul3A_142 : i32
    %dma_start3A_145 = tpu.memref_slice %arg14[%add3A_144] : memref<327680xf32, #tpu.memory_space<vmem_shared>> -> memref<1280xf32, #tpu.memory_space<vmem_shared>>
    %dma_start3A_146 = tpu.memref_slice %arg14[%add3A_144] : memref<327680xf32, #tpu.memory_space<vmem_shared>> -> memref<1280xf32, #tpu.memory_space<vmem_shared>>
    tpu.enqueue_dma source(%dma_start3A_146 : memref<1280xf32, #tpu.memory_space<vmem_shared>>) target(%arg11 : memref<1280xf32, #tpu.memory_space<vmem>>) target_semaphore(%arg15 : memref<!tpu.dma_semaphore, #tpu.memory_space<semaphore_mem>>)
    %dma_wait3A_147 = tpu.memref_slice %arg14[%add3A_133] : memref<327680xf32, #tpu.memory_space<vmem_shared>> -> memref<1280xf32, #tpu.memory_space<vmem_shared>>
    %dma_wait3A_148 = tpu.memref_slice %arg14[%add3A_133] : memref<327680xf32, #tpu.memory_space<vmem_shared>> -> memref<1280xf32, #tpu.memory_space<vmem_shared>>
    tpu.wait_dma2 semaphore(%arg16 : memref<!tpu.dma_semaphore, #tpu.memory_space<semaphore_mem>>) src(%dma_wait3A_148 : memref<1280xf32, #tpu.memory_space<vmem_shared>>) dst(%arg12 : memref<1280xf32, #tpu.memory_space<vmem>>)
    %parallel_loop3A_149 = arith.constant 0 : i32
    %parallel_loop3A_150 = arith.constant 1280 : i32
    %parallel_loop3A_151 = arith.constant 16 : i32
    scf.for %parallel_loop3A_303 = %parallel_loop3A_149 to %parallel_loop3A_150 step %parallel_loop3A_151  : i32 {
      %parallel_loop3A_304 = arith.index_cast %parallel_loop3A_303 : i32 to index
      %parallel_loop3A_305 = tpu.vector_load %arg13[%parallel_loop3A_304] {strides = array<i32>} : memref<1280xf32, #tpu.memory_space<vmem>>, vector<16xf32>,
      %parallel_loop3A_306 = arith.index_cast %parallel_loop3A_303 : i32 to index
      %parallel_loop3A_307 = tpu.vector_load %arg12[%parallel_loop3A_306] {strides = array<i32>} : memref<1280xf32, #tpu.memory_space<vmem>>, vector<16xf32>,
      %parallel_loop3A_308 = arith.addf %parallel_loop3A_305, %parallel_loop3A_307 : vector<16xf32>
      %parallel_loop3A_309 = arith.index_cast %parallel_loop3A_303 : i32 to index
      %parallel_loop3A_310 = tpu.vector_load %arg13[%parallel_loop3A_309] {strides = array<i32>} : memref<1280xf32, #tpu.memory_space<vmem>>, vector<16xf32>,
      tpu.vector_store %arg13[%parallel_loop3A_309], %parallel_loop3A_308 {strides = array<i32>} : memref<1280xf32, #tpu.memory_space<vmem>>, vector<16xf32>,
    } {sc.loop_unroll_factor = 16 : i64, sc.parallel_access}
    %mul3A_152 = arith.constant 1280 : i32
    %mul3A_153 = arith.muli %arg1, %mul3A_152 : i32
    %add3A_154 = arith.constant 143360 : i32
    %add3A_155 = arith.addi %add3A_154, %mul3A_153 : i32
    %dma_start3A_156 = tpu.memref_slice %arg14[%add3A_155] : memref<327680xf32, #tpu.memory_space<vmem_shared>> -> memref<1280xf32, #tpu.memory_space<vmem_shared>>
    %dma_start3A_157 = tpu.memref_slice %arg14[%add3A_155] : memref<327680xf32, #tpu.memory_space<vmem_shared>> -> memref<1280xf32, #tpu.memory_space<vmem_shared>>
    tpu.enqueue_dma source(%dma_start3A_157 : memref<1280xf32, #tpu.memory_space<vmem_shared>>) target(%arg12 : memref<1280xf32, #tpu.memory_space<vmem>>) target_semaphore(%arg16 : memref<!tpu.dma_semaphore, #tpu.memory_space<semaphore_mem>>)
    %dma_wait3A_158 = tpu.memref_slice %arg14[%add3A_144] : memref<327680xf32, #tpu.memory_space<vmem_shared>> -> memref<1280xf32, #tpu.memory_space<vmem_shared>>
    %dma_wait3A_159 = tpu.memref_slice %arg14[%add3A_144] : memref<327680xf32, #tpu.memory_space<vmem_shared>> -> memref<1280xf32, #tpu.memory_space<vmem_shared>>
    tpu.wait_dma2 semaphore(%arg15 : memref<!tpu.dma_semaphore, #tpu.memory_space<semaphore_mem>>) src(%dma_wait3A_159 : memref<1280xf32, #tpu.memory_space<vmem_shared>>) dst(%arg11 : memref<1280xf32, #tpu.memory_space<vmem>>)
    %parallel_loop3A_160 = arith.constant 0 : i32
    %parallel_loop3A_161 = arith.constant 1280 : i32
    %parallel_loop3A_162 = arith.constant 16 : i32
    scf.for %parallel_loop3A_303 = %parallel_loop3A_160 to %parallel_loop3A_161 step %parallel_loop3A_162  : i32 {
      %parallel_loop3A_304 = arith.index_cast %parallel_loop3A_303 : i32 to index
      %parallel_loop3A_305 = tpu.vector_load %arg13[%parallel_loop3A_304] {strides = array<i32>} : memref<1280xf32, #tpu.memory_space<vmem>>, vector<16xf32>,
      %parallel_loop3A_306 = arith.index_cast %parallel_loop3A_303 : i32 to index
      %parallel_loop3A_307 = tpu.vector_load %arg11[%parallel_loop3A_306] {strides = array<i32>} : memref<1280xf32, #tpu.memory_space<vmem>>, vector<16xf32>,
      %parallel_loop3A_308 = arith.addf %parallel_loop3A_305, %parallel_loop3A_307 : vector<16xf32>
      %parallel_loop3A_309 = arith.index_cast %parallel_loop3A_303 : i32 to index
      %parallel_loop3A_310 = tpu.vector_load %arg13[%parallel_loop3A_309] {strides = array<i32>} : memref<1280xf32, #tpu.memory_space<vmem>>, vector<16xf32>,
      tpu.vector_store %arg13[%parallel_loop3A_309], %parallel_loop3A_308 {strides = array<i32>} : memref<1280xf32, #tpu.memory_space<vmem>>, vector<16xf32>,
    } {sc.loop_unroll_factor = 16 : i64, sc.parallel_access}
    %mul3A_163 = arith.constant 1280 : i32
    %mul3A_164 = arith.muli %arg1, %mul3A_163 : i32
    %add3A_165 = arith.constant 163840 : i32
    %add3A_166 = arith.addi %add3A_165, %mul3A_164 : i32
    %dma_start3A_167 = tpu.memref_slice %arg14[%add3A_166] : memref<327680xf32, #tpu.memory_space<vmem_shared>> -> memref<1280xf32, #tpu.memory_space<vmem_shared>>
    %dma_start3A_168 = tpu.memref_slice %arg14[%add3A_166] : memref<327680xf32, #tpu.memory_space<vmem_shared>> -> memref<1280xf32, #tpu.memory_space<vmem_shared>>
    tpu.enqueue_dma source(%dma_start3A_168 : memref<1280xf32, #tpu.memory_space<vmem_shared>>) target(%arg11 : memref<1280xf32, #tpu.memory_space<vmem>>) target_semaphore(%arg15 : memref<!tpu.dma_semaphore, #tpu.memory_space<semaphore_mem>>)
    %dma_wait3A_169 = tpu.memref_slice %arg14[%add3A_155] : memref<327680xf32, #tpu.memory_space<vmem_shared>> -> memref<1280xf32, #tpu.memory_space<vmem_shared>>
    %dma_wait3A_170 = tpu.memref_slice %arg14[%add3A_155] : memref<327680xf32, #tpu.memory_space<vmem_shared>> -> memref<1280xf32, #tpu.memory_space<vmem_shared>>
    tpu.wait_dma2 semaphore(%arg16 : memref<!tpu.dma_semaphore, #tpu.memory_space<semaphore_mem>>) src(%dma_wait3A_170 : memref<1280xf32, #tpu.memory_space<vmem_shared>>) dst(%arg12 : memref<1280xf32, #tpu.memory_space<vmem>>)
    %parallel_loop3A_171 = arith.constant 0 : i32
    %parallel_loop3A_172 = arith.constant 1280 : i32
    %parallel_loop3A_173 = arith.constant 16 : i32
    scf.for %parallel_loop3A_303 = %parallel_loop3A_171 to %parallel_loop3A_172 step %parallel_loop3A_173  : i32 {
      %parallel_loop3A_304 = arith.index_cast %parallel_loop3A_303 : i32 to index
      %parallel_loop3A_305 = tpu.vector_load %arg13[%parallel_loop3A_304] {strides = array<i32>} : memref<1280xf32, #tpu.memory_space<vmem>>, vector<16xf32>,
      %parallel_loop3A_306 = arith.index_cast %parallel_loop3A_303 : i32 to index
      %parallel_loop3A_307 = tpu.vector_load %arg12[%parallel_loop3A_306] {strides = array<i32>} : memref<1280xf32, #tpu.memory_space<vmem>>, vector<16xf32>,
      %parallel_loop3A_308 = arith.addf %parallel_loop3A_305, %parallel_loop3A_307 : vector<16xf32>
      %parallel_loop3A_309 = arith.index_cast %parallel_loop3A_303 : i32 to index
      %parallel_loop3A_310 = tpu.vector_load %arg13[%parallel_loop3A_309] {strides = array<i32>} : memref<1280xf32, #tpu.memory_space<vmem>>, vector<16xf32>,
      tpu.vector_store %arg13[%parallel_loop3A_309], %parallel_loop3A_308 {strides = array<i32>} : memref<1280xf32, #tpu.memory_space<vmem>>, vector<16xf32>,
    } {sc.loop_unroll_factor = 16 : i64, sc.parallel_access}
    %mul3A_174 = arith.constant 1280 : i32
    %mul3A_175 = arith.muli %arg1, %mul3A_174 : i32
    %add3A_176 = arith.constant 184320 : i32
    %add3A_177 = arith.addi %add3A_176, %mul3A_175 : i32
    %dma_start3A_178 = tpu.memref_slice %arg14[%add3A_177] : memref<327680xf32, #tpu.memory_space<vmem_shared>> -> memref<1280xf32, #tpu.memory_space<vmem_shared>>
    %dma_start3A_179 = tpu.memref_slice %arg14[%add3A_177] : memref<327680xf32, #tpu.memory_space<vmem_shared>> -> memref<1280xf32, #tpu.memory_space<vmem_shared>>
    tpu.enqueue_dma source(%dma_start3A_179 : memref<1280xf32, #tpu.memory_space<vmem_shared>>) target(%arg12 : memref<1280xf32, #tpu.memory_space<vmem>>) target_semaphore(%arg16 : memref<!tpu.dma_semaphore, #tpu.memory_space<semaphore_mem>>)
    %dma_wait3A_180 = tpu.memref_slice %arg14[%add3A_166] : memref<327680xf32, #tpu.memory_space<vmem_shared>> -> memref<1280xf32, #tpu.memory_space<vmem_shared>>
    %dma_wait3A_181 = tpu.memref_slice %arg14[%add3A_166] : memref<327680xf32, #tpu.memory_space<vmem_shared>> -> memref<1280xf32, #tpu.memory_space<vmem_shared>>
    tpu.wait_dma2 semaphore(%arg15 : memref<!tpu.dma_semaphore, #tpu.memory_space<semaphore_mem>>) src(%dma_wait3A_181 : memref<1280xf32, #tpu.memory_space<vmem_shared>>) dst(%arg11 : memref<1280xf32, #tpu.memory_space<vmem>>)
    %parallel_loop3A_182 = arith.constant 0 : i32
    %parallel_loop3A_183 = arith.constant 1280 : i32
    %parallel_loop3A_184 = arith.constant 16 : i32
    scf.for %parallel_loop3A_303 = %parallel_loop3A_182 to %parallel_loop3A_183 step %parallel_loop3A_184  : i32 {
      %parallel_loop3A_304 = arith.index_cast %parallel_loop3A_303 : i32 to index
      %parallel_loop3A_305 = tpu.vector_load %arg13[%parallel_loop3A_304] {strides = array<i32>} : memref<1280xf32, #tpu.memory_space<vmem>>, vector<16xf32>,
      %parallel_loop3A_306 = arith.index_cast %parallel_loop3A_303 : i32 to index
      %parallel_loop3A_307 = tpu.vector_load %arg11[%parallel_loop3A_306] {strides = array<i32>} : memref<1280xf32, #tpu.memory_space<vmem>>, vector<16xf32>,
      %parallel_loop3A_308 = arith.addf %parallel_loop3A_305, %parallel_loop3A_307 : vector<16xf32>
      %parallel_loop3A_309 = arith.index_cast %parallel_loop3A_303 : i32 to index
      %parallel_loop3A_310 = tpu.vector_load %arg13[%parallel_loop3A_309] {strides = array<i32>} : memref<1280xf32, #tpu.memory_space<vmem>>, vector<16xf32>,
      tpu.vector_store %arg13[%parallel_loop3A_309], %parallel_loop3A_308 {strides = array<i32>} : memref<1280xf32, #tpu.memory_space<vmem>>, vector<16xf32>,
    } {sc.loop_unroll_factor = 16 : i64, sc.parallel_access}
    %mul3A_185 = arith.constant 1280 : i32
    %mul3A_186 = arith.muli %arg1, %mul3A_185 : i32
    %add3A_187 = arith.constant 204800 : i32
    %add3A_188 = arith.addi %add3A_187, %mul3A_186 : i32
    %dma_start3A_189 = tpu.memref_slice %arg14[%add3A_188] : memref<327680xf32, #tpu.memory_space<vmem_shared>> -> memref<1280xf32, #tpu.memory_space<vmem_shared>>
    %dma_start3A_190 = tpu.memref_slice %arg14[%add3A_188] : memref<327680xf32, #tpu.memory_space<vmem_shared>> -> memref<1280xf32, #tpu.memory_space<vmem_shared>>
    tpu.enqueue_dma source(%dma_start3A_190 : memref<1280xf32, #tpu.memory_space<vmem_shared>>) target(%arg11 : memref<1280xf32, #tpu.memory_space<vmem>>) target_semaphore(%arg15 : memref<!tpu.dma_semaphore, #tpu.memory_space<semaphore_mem>>)
    %dma_wait3A_191 = tpu.memref_slice %arg14[%add3A_177] : memref<327680xf32, #tpu.memory_space<vmem_shared>> -> memref<1280xf32, #tpu.memory_space<vmem_shared>>
    %dma_wait3A_192 = tpu.memref_slice %arg14[%add3A_177] : memref<327680xf32, #tpu.memory_space<vmem_shared>> -> memref<1280xf32, #tpu.memory_space<vmem_shared>>
    tpu.wait_dma2 semaphore(%arg16 : memref<!tpu.dma_semaphore, #tpu.memory_space<semaphore_mem>>) src(%dma_wait3A_192 : memref<1280xf32, #tpu.memory_space<vmem_shared>>) dst(%arg12 : memref<1280xf32, #tpu.memory_space<vmem>>)
    %parallel_loop3A_193 = arith.constant 0 : i32
    %parallel_loop3A_194 = arith.constant 1280 : i32
    %parallel_loop3A_195 = arith.constant 16 : i32
    scf.for %parallel_loop3A_303 = %parallel_loop3A_193 to %parallel_loop3A_194 step %parallel_loop3A_195  : i32 {
      %parallel_loop3A_304 = arith.index_cast %parallel_loop3A_303 : i32 to index
      %parallel_loop3A_305 = tpu.vector_load %arg13[%parallel_loop3A_304] {strides = array<i32>} : memref<1280xf32, #tpu.memory_space<vmem>>, vector<16xf32>,
      %parallel_loop3A_306 = arith.index_cast %parallel_loop3A_303 : i32 to index
      %parallel_loop3A_307 = tpu.vector_load %arg12[%parallel_loop3A_306] {strides = array<i32>} : memref<1280xf32, #tpu.memory_space<vmem>>, vector<16xf32>,
      %parallel_loop3A_308 = arith.addf %parallel_loop3A_305, %parallel_loop3A_307 : vector<16xf32>
      %parallel_loop3A_309 = arith.index_cast %parallel_loop3A_303 : i32 to index
      %parallel_loop3A_310 = tpu.vector_load %arg13[%parallel_loop3A_309] {strides = array<i32>} : memref<1280xf32, #tpu.memory_space<vmem>>, vector<16xf32>,
      tpu.vector_store %arg13[%parallel_loop3A_309], %parallel_loop3A_308 {strides = array<i32>} : memref<1280xf32, #tpu.memory_space<vmem>>, vector<16xf32>,
    } {sc.loop_unroll_factor = 16 : i64, sc.parallel_access}
    %mul3A_196 = arith.constant 1280 : i32
    %mul3A_197 = arith.muli %arg1, %mul3A_196 : i32
    %add3A_198 = arith.constant 225280 : i32
    %add3A_199 = arith.addi %add3A_198, %mul3A_197 : i32
    %dma_start3A_200 = tpu.memref_slice %arg14[%add3A_199] : memref<327680xf32, #tpu.memory_space<vmem_shared>> -> memref<1280xf32, #tpu.memory_space<vmem_shared>>
    %dma_start3A_201 = tpu.memref_slice %arg14[%add3A_199] : memref<327680xf32, #tpu.memory_space<vmem_shared>> -> memref<1280xf32, #tpu.memory_space<vmem_shared>>
    tpu.enqueue_dma source(%dma_start3A_201 : memref<1280xf32, #tpu.memory_space<vmem_shared>>) target(%arg12 : memref<1280xf32, #tpu.memory_space<vmem>>) target_semaphore(%arg16 : memref<!tpu.dma_semaphore, #tpu.memory_space<semaphore_mem>>)
    %dma_wait3A_202 = tpu.memref_slice %arg14[%add3A_188] : memref<327680xf32, #tpu.memory_space<vmem_shared>> -> memref<1280xf32, #tpu.memory_space<vmem_shared>>
    %dma_wait3A_203 = tpu.memref_slice %arg14[%add3A_188] : memref<327680xf32, #tpu.memory_space<vmem_shared>> -> memref<1280xf32, #tpu.memory_space<vmem_shared>>
    tpu.wait_dma2 semaphore(%arg15 : memref<!tpu.dma_semaphore, #tpu.memory_space<semaphore_mem>>) src(%dma_wait3A_203 : memref<1280xf32, #tpu.memory_space<vmem_shared>>) dst(%arg11 : memref<1280xf32, #tpu.memory_space<vmem>>)
    %parallel_loop3A_204 = arith.constant 0 : i32
    %parallel_loop3A_205 = arith.constant 1280 : i32
    %parallel_loop3A_206 = arith.constant 16 : i32
    scf.for %parallel_loop3A_303 = %parallel_loop3A_204 to %parallel_loop3A_205 step %parallel_loop3A_206  : i32 {
      %parallel_loop3A_304 = arith.index_cast %parallel_loop3A_303 : i32 to index
      %parallel_loop3A_305 = tpu.vector_load %arg13[%parallel_loop3A_304] {strides = array<i32>} : memref<1280xf32, #tpu.memory_space<vmem>>, vector<16xf32>,
      %parallel_loop3A_306 = arith.index_cast %parallel_loop3A_303 : i32 to index
      %parallel_loop3A_307 = tpu.vector_load %arg11[%parallel_loop3A_306] {strides = array<i32>} : memref<1280xf32, #tpu.memory_space<vmem>>, vector<16xf32>,
      %parallel_loop3A_308 = arith.addf %parallel_loop3A_305, %parallel_loop3A_307 : vector<16xf32>
      %parallel_loop3A_309 = arith.index_cast %parallel_loop3A_303 : i32 to index
      %parallel_loop3A_310 = tpu.vector_load %arg13[%parallel_loop3A_309] {strides = array<i32>} : memref<1280xf32, #tpu.memory_space<vmem>>, vector<16xf32>,
      tpu.vector_store %arg13[%parallel_loop3A_309], %parallel_loop3A_308 {strides = array<i32>} : memref<1280xf32, #tpu.memory_space<vmem>>, vector<16xf32>,
    } {sc.loop_unroll_factor = 16 : i64, sc.parallel_access}
    %mul3A_207 = arith.constant 1280 : i32
    %mul3A_208 = arith.muli %arg1, %mul3A_207 : i32
    %add3A_209 = arith.constant 245760 : i32
    %add3A_210 = arith.addi %add3A_209, %mul3A_208 : i32
    %dma_start3A_211 = tpu.memref_slice %arg14[%add3A_210] : memref<327680xf32, #tpu.memory_space<vmem_shared>> -> memref<1280xf32, #tpu.memory_space<vmem_shared>>
    %dma_start3A_212 = tpu.memref_slice %arg14[%add3A_210] : memref<327680xf32, #tpu.memory_space<vmem_shared>> -> memref<1280xf32, #tpu.memory_space<vmem_shared>>
    tpu.enqueue_dma source(%dma_start3A_212 : memref<1280xf32, #tpu.memory_space<vmem_shared>>) target(%arg11 : memref<1280xf32, #tpu.memory_space<vmem>>) target_semaphore(%arg15 : memref<!tpu.dma_semaphore, #tpu.memory_space<semaphore_mem>>)
    %dma_wait3A_213 = tpu.memref_slice %arg14[%add3A_199] : memref<327680xf32, #tpu.memory_space<vmem_shared>> -> memref<1280xf32, #tpu.memory_space<vmem_shared>>
    %dma_wait3A_214 = tpu.memref_slice %arg14[%add3A_199] : memref<327680xf32, #tpu.memory_space<vmem_shared>> -> memref<1280xf32, #tpu.memory_space<vmem_shared>>
    tpu.wait_dma2 semaphore(%arg16 : memref<!tpu.dma_semaphore, #tpu.memory_space<semaphore_mem>>) src(%dma_wait3A_214 : memref<1280xf32, #tpu.memory_space<vmem_shared>>) dst(%arg12 : memref<1280xf32, #tpu.memory_space<vmem>>)
    %parallel_loop3A_215 = arith.constant 0 : i32
    %parallel_loop3A_216 = arith.constant 1280 : i32
    %parallel_loop3A_217 = arith.constant 16 : i32
    scf.for %parallel_loop3A_303 = %parallel_loop3A_215 to %parallel_loop3A_216 step %parallel_loop3A_217  : i32 {
      %parallel_loop3A_304 = arith.index_cast %parallel_loop3A_303 : i32 to index
      %parallel_loop3A_305 = tpu.vector_load %arg13[%parallel_loop3A_304] {strides = array<i32>} : memref<1280xf32, #tpu.memory_space<vmem>>, vector<16xf32>,
      %parallel_loop3A_306 = arith.index_cast %parallel_loop3A_303 : i32 to index
      %parallel_loop3A_307 = tpu.vector_load %arg12[%parallel_loop3A_306] {strides = array<i32>} : memref<1280xf32, #tpu.memory_space<vmem>>, vector<16xf32>,
      %parallel_loop3A_308 = arith.addf %parallel_loop3A_305, %parallel_loop3A_307 : vector<16xf32>
      %parallel_loop3A_309 = arith.index_cast %parallel_loop3A_303 : i32 to index
      %parallel_loop3A_310 = tpu.vector_load %arg13[%parallel_loop3A_309] {strides = array<i32>} : memref<1280xf32, #tpu.memory_space<vmem>>, vector<16xf32>,
      tpu.vector_store %arg13[%parallel_loop3A_309], %parallel_loop3A_308 {strides = array<i32>} : memref<1280xf32, #tpu.memory_space<vmem>>, vector<16xf32>,
    } {sc.loop_unroll_factor = 16 : i64, sc.parallel_access}
    %mul3A_218 = arith.constant 1280 : i32
    %mul3A_219 = arith.muli %arg1, %mul3A_218 : i32
    %add3A_220 = arith.constant 266240 : i32
    %add3A_221 = arith.addi %add3A_220, %mul3A_219 : i32
    %dma_start3A_222 = tpu.memref_slice %arg14[%add3A_221] : memref<327680xf32, #tpu.memory_space<vmem_shared>> -> memref<1280xf32, #tpu.memory_space<vmem_shared>>
    %dma_start3A_223 = tpu.memref_slice %arg14[%add3A_221] : memref<327680xf32, #tpu.memory_space<vmem_shared>> -> memref<1280xf32, #tpu.memory_space<vmem_shared>>
    tpu.enqueue_dma source(%dma_start3A_223 : memref<1280xf32, #tpu.memory_space<vmem_shared>>) target(%arg12 : memref<1280xf32, #tpu.memory_space<vmem>>) target_semaphore(%arg16 : memref<!tpu.dma_semaphore, #tpu.memory_space<semaphore_mem>>)
    %dma_wait3A_224 = tpu.memref_slice %arg14[%add3A_210] : memref<327680xf32, #tpu.memory_space<vmem_shared>> -> memref<1280xf32, #tpu.memory_space<vmem_shared>>
    %dma_wait3A_225 = tpu.memref_slice %arg14[%add3A_210] : memref<327680xf32, #tpu.memory_space<vmem_shared>> -> memref<1280xf32, #tpu.memory_space<vmem_shared>>
    tpu.wait_dma2 semaphore(%arg15 : memref<!tpu.dma_semaphore, #tpu.memory_space<semaphore_mem>>) src(%dma_wait3A_225 : memref<1280xf32, #tpu.memory_space<vmem_shared>>) dst(%arg11 : memref<1280xf32, #tpu.memory_space<vmem>>)
    %parallel_loop3A_226 = arith.constant 0 : i32
    %parallel_loop3A_227 = arith.constant 1280 : i32
    %parallel_loop3A_228 = arith.constant 16 : i32
    scf.for %parallel_loop3A_303 = %parallel_loop3A_226 to %parallel_loop3A_227 step %parallel_loop3A_228  : i32 {
      %parallel_loop3A_304 = arith.index_cast %parallel_loop3A_303 : i32 to index
      %parallel_loop3A_305 = tpu.vector_load %arg13[%parallel_loop3A_304] {strides = array<i32>} : memref<1280xf32, #tpu.memory_space<vmem>>, vector<16xf32>,
      %parallel_loop3A_306 = arith.index_cast %parallel_loop3A_303 : i32 to index
      %parallel_loop3A_307 = tpu.vector_load %arg11[%parallel_loop3A_306] {strides = array<i32>} : memref<1280xf32, #tpu.memory_space<vmem>>, vector<16xf32>,
      %parallel_loop3A_308 = arith.addf %parallel_loop3A_305, %parallel_loop3A_307 : vector<16xf32>
      %parallel_loop3A_309 = arith.index_cast %parallel_loop3A_303 : i32 to index
      %parallel_loop3A_310 = tpu.vector_load %arg13[%parallel_loop3A_309] {strides = array<i32>} : memref<1280xf32, #tpu.memory_space<vmem>>, vector<16xf32>,
      tpu.vector_store %arg13[%parallel_loop3A_309], %parallel_loop3A_308 {strides = array<i32>} : memref<1280xf32, #tpu.memory_space<vmem>>, vector<16xf32>,
    } {sc.loop_unroll_factor = 16 : i64, sc.parallel_access}
    %mul3A_229 = arith.constant 1280 : i32
    %mul3A_230 = arith.muli %arg1, %mul3A_229 : i32
    %add3A_231 = arith.constant 286720 : i32
    %add3A_232 = arith.addi %add3A_231, %mul3A_230 : i32
    %dma_start3A_233 = tpu.memref_slice %arg14[%add3A_232] : memref<327680xf32, #tpu.memory_space<vmem_shared>> -> memref<1280xf32, #tpu.memory_space<vmem_shared>>
    %dma_start3A_234 = tpu.memref_slice %arg14[%add3A_232] : memref<327680xf32, #tpu.memory_space<vmem_shared>> -> memref<1280xf32, #tpu.memory_space<vmem_shared>>
    tpu.enqueue_dma source(%dma_start3A_234 : memref<1280xf32, #tpu.memory_space<vmem_shared>>) target(%arg11 : memref<1280xf32, #tpu.memory_space<vmem>>) target_semaphore(%arg15 : memref<!tpu.dma_semaphore, #tpu.memory_space<semaphore_mem>>)
    %dma_wait3A_235 = tpu.memref_slice %arg14[%add3A_221] : memref<327680xf32, #tpu.memory_space<vmem_shared>> -> memref<1280xf32, #tpu.memory_space<vmem_shared>>
    %dma_wait3A_236 = tpu.memref_slice %arg14[%add3A_221] : memref<327680xf32, #tpu.memory_space<vmem_shared>> -> memref<1280xf32, #tpu.memory_space<vmem_shared>>
    tpu.wait_dma2 semaphore(%arg16 : memref<!tpu.dma_semaphore, #tpu.memory_space<semaphore_mem>>) src(%dma_wait3A_236 : memref<1280xf32, #tpu.memory_space<vmem_shared>>) dst(%arg12 : memref<1280xf32, #tpu.memory_space<vmem>>)
    %parallel_loop3A_237 = arith.constant 0 : i32
    %parallel_loop3A_238 = arith.constant 1280 : i32
    %parallel_loop3A_239 = arith.constant 16 : i32
    scf.for %parallel_loop3A_303 = %parallel_loop3A_237 to %parallel_loop3A_238 step %parallel_loop3A_239  : i32 {
      %parallel_loop3A_304 = arith.index_cast %parallel_loop3A_303 : i32 to index
      %parallel_loop3A_305 = tpu.vector_load %arg13[%parallel_loop3A_304] {strides = array<i32>} : memref<1280xf32, #tpu.memory_space<vmem>>, vector<16xf32>,
      %parallel_loop3A_306 = arith.index_cast %parallel_loop3A_303 : i32 to index
      %parallel_loop3A_307 = tpu.vector_load %arg12[%parallel_loop3A_306] {strides = array<i32>} : memref<1280xf32, #tpu.memory_space<vmem>>, vector<16xf32>,
      %parallel_loop3A_308 = arith.addf %parallel_loop3A_305, %parallel_loop3A_307 : vector<16xf32>
      %parallel_loop3A_309 = arith.index_cast %parallel_loop3A_303 : i32 to index
      %parallel_loop3A_310 = tpu.vector_load %arg13[%parallel_loop3A_309] {strides = array<i32>} : memref<1280xf32, #tpu.memory_space<vmem>>, vector<16xf32>,
      tpu.vector_store %arg13[%parallel_loop3A_309], %parallel_loop3A_308 {strides = array<i32>} : memref<1280xf32, #tpu.memory_space<vmem>>, vector<16xf32>,
    } {sc.loop_unroll_factor = 16 : i64, sc.parallel_access}
    %mul3A_240 = arith.constant 1280 : i32
    %mul3A_241 = arith.muli %arg1, %mul3A_240 : i32
    %add3A_242 = arith.constant 307200 : i32
    %add3A_243 = arith.addi %add3A_242, %mul3A_241 : i32
    %dma_start3A_244 = tpu.memref_slice %arg14[%add3A_243] : memref<327680xf32, #tpu.memory_space<vmem_shared>> -> memref<1280xf32, #tpu.memory_space<vmem_shared>>
    %dma_start3A_245 = tpu.memref_slice %arg14[%add3A_243] : memref<327680xf32, #tpu.memory_space<vmem_shared>> -> memref<1280xf32, #tpu.memory_space<vmem_shared>>
    tpu.enqueue_dma source(%dma_start3A_245 : memref<1280xf32, #tpu.memory_space<vmem_shared>>) target(%arg12 : memref<1280xf32, #tpu.memory_space<vmem>>) target_semaphore(%arg16 : memref<!tpu.dma_semaphore, #tpu.memory_space<semaphore_mem>>)
    %dma_wait3A_246 = tpu.memref_slice %arg14[%add3A_232] : memref<327680xf32, #tpu.memory_space<vmem_shared>> -> memref<1280xf32, #tpu.memory_space<vmem_shared>>
    %dma_wait3A_247 = tpu.memref_slice %arg14[%add3A_232] : memref<327680xf32, #tpu.memory_space<vmem_shared>> -> memref<1280xf32, #tpu.memory_space<vmem_shared>>
    tpu.wait_dma2 semaphore(%arg15 : memref<!tpu.dma_semaphore, #tpu.memory_space<semaphore_mem>>) src(%dma_wait3A_247 : memref<1280xf32, #tpu.memory_space<vmem_shared>>) dst(%arg11 : memref<1280xf32, #tpu.memory_space<vmem>>)
    %parallel_loop3A_248 = arith.constant 0 : i32
    %parallel_loop3A_249 = arith.constant 1280 : i32
    %parallel_loop3A_250 = arith.constant 16 : i32
    scf.for %parallel_loop3A_303 = %parallel_loop3A_248 to %parallel_loop3A_249 step %parallel_loop3A_250  : i32 {
      %parallel_loop3A_304 = arith.index_cast %parallel_loop3A_303 : i32 to index
      %parallel_loop3A_305 = tpu.vector_load %arg13[%parallel_loop3A_304] {strides = array<i32>} : memref<1280xf32, #tpu.memory_space<vmem>>, vector<16xf32>,
      %parallel_loop3A_306 = arith.index_cast %parallel_loop3A_303 : i32 to index
      %parallel_loop3A_307 = tpu.vector_load %arg11[%parallel_loop3A_306] {strides = array<i32>} : memref<1280xf32, #tpu.memory_space<vmem>>, vector<16xf32>,
      %parallel_loop3A_308 = arith.addf %parallel_loop3A_305, %parallel_loop3A_307 : vector<16xf32>
      %parallel_loop3A_309 = arith.index_cast %parallel_loop3A_303 : i32 to index
      %parallel_loop3A_310 = tpu.vector_load %arg13[%parallel_loop3A_309] {strides = array<i32>} : memref<1280xf32, #tpu.memory_space<vmem>>, vector<16xf32>,
      tpu.vector_store %arg13[%parallel_loop3A_309], %parallel_loop3A_308 {strides = array<i32>} : memref<1280xf32, #tpu.memory_space<vmem>>, vector<16xf32>,
    } {sc.loop_unroll_factor = 16 : i64, sc.parallel_access}
    %dma_wait3A_251 = tpu.memref_slice %arg14[%add3A_243] : memref<327680xf32, #tpu.memory_space<vmem_shared>> -> memref<1280xf32, #tpu.memory_space<vmem_shared>>
    %dma_wait3A_252 = tpu.memref_slice %arg14[%add3A_243] : memref<327680xf32, #tpu.memory_space<vmem_shared>> -> memref<1280xf32, #tpu.memory_space<vmem_shared>>
    tpu.wait_dma2 semaphore(%arg16 : memref<!tpu.dma_semaphore, #tpu.memory_space<semaphore_mem>>) src(%dma_wait3A_252 : memref<1280xf32, #tpu.memory_space<vmem_shared>>) dst(%arg12 : memref<1280xf32, #tpu.memory_space<vmem>>)
    %parallel_loop3A_253 = arith.constant 0 : i32
    %parallel_loop3A_254 = arith.constant 1280 : i32
    %parallel_loop3A_255 = arith.constant 16 : i32
    scf.for %parallel_loop3A_303 = %parallel_loop3A_253 to %parallel_loop3A_254 step %parallel_loop3A_255  : i32 {
      %parallel_loop3A_304 = arith.index_cast %parallel_loop3A_303 : i32 to index
      %parallel_loop3A_305 = tpu.vector_load %arg13[%parallel_loop3A_304] {strides = array<i32>} : memref<1280xf32, #tpu.memory_space<vmem>>, vector<16xf32>,
      %parallel_loop3A_306 = arith.index_cast %parallel_loop3A_303 : i32 to index
      %parallel_loop3A_307 = tpu.vector_load %arg12[%parallel_loop3A_306] {strides = array<i32>} : memref<1280xf32, #tpu.memory_space<vmem>>, vector<16xf32>,
      %parallel_loop3A_308 = arith.addf %parallel_loop3A_305, %parallel_loop3A_307 : vector<16xf32>
      %parallel_loop3A_309 = arith.index_cast %parallel_loop3A_303 : i32 to index
      %parallel_loop3A_310 = tpu.vector_load %arg13[%parallel_loop3A_309] {strides = array<i32>} : memref<1280xf32, #tpu.memory_space<vmem>>, vector<16xf32>,
      tpu.vector_store %arg13[%parallel_loop3A_309], %parallel_loop3A_308 {strides = array<i32>} : memref<1280xf32, #tpu.memory_space<vmem>>, vector<16xf32>,
    } {sc.loop_unroll_factor = 16 : i64, sc.parallel_access}
    %mul3A_256 = arith.constant 1280 : i32
    %mul3A_257 = arith.muli %arg1, %mul3A_256 : i32
    "tpu.region"() ({
      %run_scoped3A = tpu.sem_alloc : memref<!tpu.dma_semaphore, #tpu.memory_space<semaphore_mem>>
      %dma_start3A_303 = tpu.memref_slice %arg14[%mul3A_257] : memref<327680xf32, #tpu.memory_space<vmem_shared>> -> memref<1280xf32, #tpu.memory_space<vmem_shared>>
      %dma_start3A_304 = tpu.memref_slice %arg14[%mul3A_257] : memref<327680xf32, #tpu.memory_space<vmem_shared>> -> memref<1280xf32, #tpu.memory_space<vmem_shared>>
      tpu.enqueue_dma source(%arg13 : memref<1280xf32, #tpu.memory_space<vmem>>) target(%dma_start3A_304 : memref<1280xf32, #tpu.memory_space<vmem_shared>>) target_semaphore(%run_scoped3A : memref<!tpu.dma_semaphore, #tpu.memory_space<semaphore_mem>>)
      %dma_wait3A_305 = tpu.memref_slice %arg14[%mul3A_257] : memref<327680xf32, #tpu.memory_space<vmem_shared>> -> memref<1280xf32, #tpu.memory_space<vmem_shared>>
      %dma_wait3A_306 = tpu.memref_slice %arg14[%mul3A_257] : memref<327680xf32, #tpu.memory_space<vmem_shared>> -> memref<1280xf32, #tpu.memory_space<vmem_shared>>
      tpu.wait_dma2 semaphore(%run_scoped3A : memref<!tpu.dma_semaphore, #tpu.memory_space<semaphore_mem>>) src(%arg13 : memref<1280xf32, #tpu.memory_space<vmem>>) dst(%dma_wait3A_306 : memref<1280xf32, #tpu.memory_space<vmem_shared>>)
      tpu.yield
    }) : () -> ()
    %barrier3A_258 = arith.constant 0 : index
    tpu.barrier barrier_id(%barrier3A_258)
    "tpu.region"() ({
      %run_scoped3A = tpu.sem_alloc : memref<!tpu.dma_semaphore, #tpu.memory_space<semaphore_mem>>
      %dma_start3A_303 = arith.constant 0 : i32
      %dma_start3A_304 = tpu.memref_slice %arg14[%dma_start3A_303] : memref<327680xf32, #tpu.memory_space<vmem_shared>> -> memref<20480xf32, #tpu.memory_space<vmem_shared>>
      %dma_start3A_305 = arith.constant 0 : i32
      %dma_start3A_306 = tpu.memref_slice %arg14[%dma_start3A_305] : memref<327680xf32, #tpu.memory_space<vmem_shared>> -> memref<20480xf32, #tpu.memory_space<vmem_shared>>
      tpu.enqueue_dma source(%dma_start3A_306 : memref<20480xf32, #tpu.memory_space<vmem_shared>>) target(%arg5 : memref<20480xf32, #tpu.memory_space<vmem>>) target_semaphore(%run_scoped3A : memref<!tpu.dma_semaphore, #tpu.memory_space<semaphore_mem>>)
      %dma_wait3A_307 = arith.constant 0 : i32
      %dma_wait3A_308 = tpu.memref_slice %arg14[%dma_wait3A_307] : memref<327680xf32, #tpu.memory_space<vmem_shared>> -> memref<20480xf32, #tpu.memory_space<vmem_shared>>
      %dma_wait3A_309 = arith.constant 0 : i32
      %dma_wait3A_310 = tpu.memref_slice %arg14[%dma_wait3A_309] : memref<327680xf32, #tpu.memory_space<vmem_shared>> -> memref<20480xf32, #tpu.memory_space<vmem_shared>>
      tpu.wait_dma2 semaphore(%run_scoped3A : memref<!tpu.dma_semaphore, #tpu.memory_space<semaphore_mem>>) src(%dma_wait3A_310 : memref<20480xf32, #tpu.memory_space<vmem_shared>>) dst(%arg5 : memref<20480xf32, #tpu.memory_space<vmem>>)
      tpu.yield
    }) : () -> ()
    %dma_wait3A_259 = arith.constant 1 : i32
    %dma_wait3A_260 = tpu.memref_slice %arg2[%dma_wait3A_259, %mul3A_5] : memref<2x320000xi32, #tpu.memory_space<hbm>> -> memref<1x20000xi32, #tpu.memory_space<hbm>>
    %dma_wait3A_261 = tpu.memref_squeeze %dma_wait3A_260 : memref<1x20000xi32, #tpu.memory_space<hbm>> -> memref<20000xi32, #tpu.memory_space<hbm>>
    %dma_wait3A_262 = tpu.memref_slice %arg2[%dma_wait3A_259, %mul3A_5] : memref<2x320000xi32, #tpu.memory_space<hbm>> -> memref<1x20000xi32, #tpu.memory_space<hbm>>
    %dma_wait3A_263 = tpu.memref_squeeze %dma_wait3A_262 : memref<1x20000xi32, #tpu.memory_space<hbm>> -> memref<20000xi32, #tpu.memory_space<hbm>>
    tpu.wait_dma2 semaphore(%arg17 : memref<!tpu.dma_semaphore, #tpu.memory_space<semaphore_mem>>) src(%dma_wait3A_263 : memref<20000xi32, #tpu.memory_space<hbm>>) dst(%arg8 : memref<20000xi32, #tpu.memory_space<vmem>>)
    %dma_wait3A_264 = arith.constant 0 : i32
    %dma_wait3A_265 = tpu.memref_slice %arg2[%dma_wait3A_264, %mul3A_5] : memref<2x320000xi32, #tpu.memory_space<hbm>> -> memref<1x20000xi32, #tpu.memory_space<hbm>>
    %dma_wait3A_266 = tpu.memref_squeeze %dma_wait3A_265 : memref<1x20000xi32, #tpu.memory_space<hbm>> -> memref<20000xi32, #tpu.memory_space<hbm>>
    %dma_wait3A_267 = tpu.memref_slice %arg2[%dma_wait3A_264, %mul3A_5] : memref<2x320000xi32, #tpu.memory_space<hbm>> -> memref<1x20000xi32, #tpu.memory_space<hbm>>
    %dma_wait3A_268 = tpu.memref_squeeze %dma_wait3A_267 : memref<1x20000xi32, #tpu.memory_space<hbm>> -> memref<20000xi32, #tpu.memory_space<hbm>>
    tpu.wait_dma2 semaphore(%arg18 : memref<!tpu.dma_semaphore, #tpu.memory_space<semaphore_mem>>) src(%dma_wait3A_268 : memref<20000xi32, #tpu.memory_space<hbm>>) dst(%arg9 : memref<20000xi32, #tpu.memory_space<vmem>>)
    %parallel_loop3A_269 = arith.constant 0 : i32
    %parallel_loop3A_270 = arith.constant 10000 : i32
    %parallel_loop3A_271 = arith.constant 16 : i32
    scf.for %parallel_loop3A_303 = %parallel_loop3A_269 to %parallel_loop3A_270 step %parallel_loop3A_271  : i32 {
      %parallel_loop3A_304 = arith.index_cast %parallel_loop3A_303 : i32 to index
      %parallel_loop3A_305 = tpu.vector_load %arg8[%parallel_loop3A_304] {strides = array<i32>} : memref<20000xi32, #tpu.memory_space<vmem>>, vector<16xi32>,
      %parallel_loop3A_306 = tpu.vector_load_idx %arg5[%parallel_loop3A_305] : memref<20480xf32, #tpu.memory_space<vmem>>[vector<16xi32>], vector<16xf32>,
      %parallel_loop3A_307 = arith.index_cast %parallel_loop3A_303 : i32 to index
      %parallel_loop3A_308 = tpu.vector_load %arg9[%parallel_loop3A_307] {strides = array<i32>} : memref<20000xi32, #tpu.memory_space<vmem>>, vector<16xi32>,
      %parallel_loop3A_309 = arith.constant 10240 : i32
      %parallel_loop3A_310 = vector.broadcast %parallel_loop3A_309 : i32 to vector<16xi32>
      %parallel_loop3A_311 = arith.addi %parallel_loop3A_308, %parallel_loop3A_310 : vector<16xi32>
      %parallel_loop3A_312 = tpu.vector_load_idx %arg5[%parallel_loop3A_311] : memref<20480xf32, #tpu.memory_space<vmem>>[vector<16xi32>], vector<16xf32>,
      %parallel_loop3A_313 = arith.addf %parallel_loop3A_306, %parallel_loop3A_312 : vector<16xf32>
      %parallel_loop3A_314 = arith.constant 5.000000e-01 : f32
      %parallel_loop3A_315 = vector.broadcast %parallel_loop3A_314 : f32 to vector<16xf32>
      %parallel_loop3A_316 = arith.mulf %parallel_loop3A_313, %parallel_loop3A_315 : vector<16xf32>
      %parallel_loop3A_317 = arith.index_cast %parallel_loop3A_303 : i32 to index
      %parallel_loop3A_318 = tpu.vector_load %arg10[%parallel_loop3A_317] {strides = array<i32>} : memref<20000xf32, #tpu.memory_space<vmem>>, vector<16xf32>,
      tpu.vector_store %arg10[%parallel_loop3A_317], %parallel_loop3A_316 {strides = array<i32>} : memref<20000xf32, #tpu.memory_space<vmem>>, vector<16xf32>,
    } {sc.loop_unroll_factor = 25 : i64, sc.parallel_access}
    %add3A_272 = arith.constant 0 : i32
    %add3A_273 = arith.addi %mul3A_5, %add3A_272 : i32
    %dma_start3A_274 = arith.constant 0 : i32
    %dma_start3A_275 = tpu.memref_slice %arg10[%dma_start3A_274] : memref<20000xf32, #tpu.memory_space<vmem>> -> memref<10000xf32, #tpu.memory_space<vmem>>
    %dma_start3A_276 = tpu.memref_slice %arg4[%add3A_273] : memref<320000xf32, #tpu.memory_space<hbm>> -> memref<10000xf32, #tpu.memory_space<hbm>>
    %dma_start3A_277 = tpu.memref_slice %arg4[%add3A_273] : memref<320000xf32, #tpu.memory_space<hbm>> -> memref<10000xf32, #tpu.memory_space<hbm>>
    %dma_start3A_278 = arith.constant 0 : i32
    %dma_start3A_279 = tpu.memref_slice %arg10[%dma_start3A_278] : memref<20000xf32, #tpu.memory_space<vmem>> -> memref<10000xf32, #tpu.memory_space<vmem>>
    tpu.enqueue_dma source(%dma_start3A_279 : memref<10000xf32, #tpu.memory_space<vmem>>) target(%dma_start3A_277 : memref<10000xf32, #tpu.memory_space<hbm>>) target_semaphore(%arg15 : memref<!tpu.dma_semaphore, #tpu.memory_space<semaphore_mem>>)
    %parallel_loop3A_280 = arith.constant 10000 : i32
    %parallel_loop3A_281 = arith.constant 20000 : i32
    %parallel_loop3A_282 = arith.constant 16 : i32
    scf.for %parallel_loop3A_303 = %parallel_loop3A_280 to %parallel_loop3A_281 step %parallel_loop3A_282  : i32 {
      %parallel_loop3A_304 = arith.index_cast %parallel_loop3A_303 : i32 to index
      %parallel_loop3A_305 = tpu.vector_load %arg8[%parallel_loop3A_304] {strides = array<i32>} : memref<20000xi32, #tpu.memory_space<vmem>>, vector<16xi32>,
      %parallel_loop3A_306 = tpu.vector_load_idx %arg5[%parallel_loop3A_305] : memref<20480xf32, #tpu.memory_space<vmem>>[vector<16xi32>], vector<16xf32>,
      %parallel_loop3A_307 = arith.index_cast %parallel_loop3A_303 : i32 to index
      %parallel_loop3A_308 = tpu.vector_load %arg9[%parallel_loop3A_307] {strides = array<i32>} : memref<20000xi32, #tpu.memory_space<vmem>>, vector<16xi32>,
      %parallel_loop3A_309 = arith.constant 10240 : i32
      %parallel_loop3A_310 = vector.broadcast %parallel_loop3A_309 : i32 to vector<16xi32>
      %parallel_loop3A_311 = arith.addi %parallel_loop3A_308, %parallel_loop3A_310 : vector<16xi32>
      %parallel_loop3A_312 = tpu.vector_load_idx %arg5[%parallel_loop3A_311] : memref<20480xf32, #tpu.memory_space<vmem>>[vector<16xi32>], vector<16xf32>,
      %parallel_loop3A_313 = arith.addf %parallel_loop3A_306, %parallel_loop3A_312 : vector<16xf32>
      %parallel_loop3A_314 = arith.constant 5.000000e-01 : f32
      %parallel_loop3A_315 = vector.broadcast %parallel_loop3A_314 : f32 to vector<16xf32>
      %parallel_loop3A_316 = arith.mulf %parallel_loop3A_313, %parallel_loop3A_315 : vector<16xf32>
      %parallel_loop3A_317 = arith.index_cast %parallel_loop3A_303 : i32 to index
      %parallel_loop3A_318 = tpu.vector_load %arg10[%parallel_loop3A_317] {strides = array<i32>} : memref<20000xf32, #tpu.memory_space<vmem>>, vector<16xf32>,
      tpu.vector_store %arg10[%parallel_loop3A_317], %parallel_loop3A_316 {strides = array<i32>} : memref<20000xf32, #tpu.memory_space<vmem>>, vector<16xf32>,
    } {sc.loop_unroll_factor = 25 : i64, sc.parallel_access}
    %add3A_283 = arith.constant 10000 : i32
    %add3A_284 = arith.addi %mul3A_5, %add3A_283 : i32
    %dma_start3A_285 = arith.constant 10000 : i32
    %dma_start3A_286 = tpu.memref_slice %arg10[%dma_start3A_285] : memref<20000xf32, #tpu.memory_space<vmem>> -> memref<10000xf32, #tpu.memory_space<vmem>>
    %dma_start3A_287 = tpu.memref_slice %arg4[%add3A_284] : memref<320000xf32, #tpu.memory_space<hbm>> -> memref<10000xf32, #tpu.memory_space<hbm>>
    %dma_start3A_288 = tpu.memref_slice %arg4[%add3A_284] : memref<320000xf32, #tpu.memory_space<hbm>> -> memref<10000xf32, #tpu.memory_space<hbm>>
    %dma_start3A_289 = arith.constant 10000 : i32
    %dma_start3A_290 = tpu.memref_slice %arg10[%dma_start3A_289] : memref<20000xf32, #tpu.memory_space<vmem>> -> memref<10000xf32, #tpu.memory_space<vmem>>
    tpu.enqueue_dma source(%dma_start3A_290 : memref<10000xf32, #tpu.memory_space<vmem>>) target(%dma_start3A_288 : memref<10000xf32, #tpu.memory_space<hbm>>) target_semaphore(%arg16 : memref<!tpu.dma_semaphore, #tpu.memory_space<semaphore_mem>>)
    %dma_wait3A_291 = arith.constant 0 : i32
    %dma_wait3A_292 = tpu.memref_slice %arg10[%dma_wait3A_291] : memref<20000xf32, #tpu.memory_space<vmem>> -> memref<10000xf32, #tpu.memory_space<vmem>>
    %dma_wait3A_293 = tpu.memref_slice %arg4[%add3A_273] : memref<320000xf32, #tpu.memory_space<hbm>> -> memref<10000xf32, #tpu.memory_space<hbm>>
    %dma_wait3A_294 = tpu.memref_slice %arg4[%add3A_273] : memref<320000xf32, #tpu.memory_space<hbm>> -> memref<10000xf32, #tpu.memory_space<hbm>>
    %dma_wait3A_295 = arith.constant 0 : i32
    %dma_wait3A_296 = tpu.memref_slice %arg10[%dma_wait3A_295] : memref<20000xf32, #tpu.memory_space<vmem>> -> memref<10000xf32, #tpu.memory_space<vmem>>
    tpu.wait_dma2 semaphore(%arg15 : memref<!tpu.dma_semaphore, #tpu.memory_space<semaphore_mem>>) src(%dma_wait3A_296 : memref<10000xf32, #tpu.memory_space<vmem>>) dst(%dma_wait3A_294 : memref<10000xf32, #tpu.memory_space<hbm>>)
    %dma_wait3A_297 = arith.constant 10000 : i32
    %dma_wait3A_298 = tpu.memref_slice %arg10[%dma_wait3A_297] : memref<20000xf32, #tpu.memory_space<vmem>> -> memref<10000xf32, #tpu.memory_space<vmem>>
    %dma_wait3A_299 = tpu.memref_slice %arg4[%add3A_284] : memref<320000xf32, #tpu.memory_space<hbm>> -> memref<10000xf32, #tpu.memory_space<hbm>>
    %dma_wait3A_300 = tpu.memref_slice %arg4[%add3A_284] : memref<320000xf32, #tpu.memory_space<hbm>> -> memref<10000xf32, #tpu.memory_space<hbm>>
    %dma_wait3A_301 = arith.constant 10000 : i32
    %dma_wait3A_302 = tpu.memref_slice %arg10[%dma_wait3A_301] : memref<20000xf32, #tpu.memory_space<vmem>> -> memref<10000xf32, #tpu.memory_space<vmem>>
    tpu.wait_dma2 semaphore(%arg16 : memref<!tpu.dma_semaphore, #tpu.memory_space<semaphore_mem>>) src(%dma_wait3A_302 : memref<10000xf32, #tpu.memory_space<vmem>>) dst(%dma_wait3A_300 : memref<10000xf32, #tpu.memory_space<hbm>>)
    return
  }
}

</mosaic_0001>

<sc_bundles>
// kernel: kernel.3.cloned.1.call-start
scs
__scs_entry_jumppad:
0x0: {  	(pc) =	sbr.rel $0x88, $3  }
0x1: {  	(tag) =	ssettag $0x0;
	lr =	simm.s32 $0x1  }
0x2: {  	[smem:$0x3F9F] =	sst lr;
	_ =	strace $0xD0000000  }
0x3: {  	_ = 	snop  }
0x4: {  	_ = 	snop  }
0x5: {  	_ = 	snop  }
0x6: {  	_ = 	snop  }
0x7: {  	_ = 	snop  }
__scs_overlays_trampoline_lowered:
0x8: {  	[smem:$0x3FAE] =	sst s0  }
0x9: {  	[smem:$0x3FAF] =	sst s1  }
0xa: {  	[smem:$0x3FB0] =	sst s2  }
0xb: {  	[smem:$0x3FB1] =	sst s3  }
0xc: {  	[smem:$0x3FB2] =	sst s4  }
0xd: {  	[smem:$0x3FB3] =	sst s5  }
0xe: {  	[smem:$0x3FB4] =	sst s6  }
0xf: {  	[smem:$0x3FB5] =	sst s7  }
0x10: {  	[smem:$0x3FB6] =	sst s8  }
0x11: {  	[smem:$0x3FB7] =	sst s9;
	s0 =	simm.s32 @!p0 $0x0  }
0x12: {  	s1 =	sld [smem:$0x3F9D];
	s0 =	simm.s32 @p0 $0x1  }
0x13: {  	[smem:$0x3FB8] =	sst s0;
	s0 =	simm.s32 @!p1 $0x0  }
0x14: {  	s2 =	sld [smem:$0x3F9C];
	s0 =	simm.s32 @p1 $0x1  }
0x15: {  	[smem:$0x3FB9] =	sst s0;
	s0 =	simm.s32 @!p2 $0x0  }
0x16: {  	s3 =	sld [smem:$0x3FDB];
	s0 =	simm.s32 @p2 $0x1  }
0x17: {  	s4 =	simm.s32 $0x1BF5;
	[smem:$0x3FBB] =	sst s0  }
0x18: {  	s0 =	sld [smem:$0x3F9E];
	_ =	swait.ge [sflag:s4], $0x0  }
0x19: {  	s7 =	sld [smem:$0x3F9F]  }
0x1a: {  	s8 =	sadd.s32 $0xFFFFE003, lr  }
0x1b: {  	s9 =	sadd.s32 $0xFFFFFEF7, lr;
	s5 =	simm.s32 $0xFFFFFFFF;
	p2 =	slt.u32 s8, $0xFFFFF086  }
0x1c: {  	p1 =	slt.u32 s9, $0xF7A;
	s5 =	simm.s32 @!p2 $0x0  }
0x1d: {  	s5 =	simm.s32 @p1 $0x1;
	p0 =	seq.s32 s7, s2  }
0x1e: {  	s7 =	smul.u32 @!p0 $0xF7A, s2;
	p2 =	seq.s32 @!p0 s5, $0x0  }
0x1f: {  	s9 =	smul.u32 $0xF7A, s1;
	s8 =	simm.s32 @!p0 $0x1BF5;
	p2 =	por !p2, p0  }
0x20: {  	[sflag:s8] =	ssyncset.s32 @!p0 $0xFFFFF086;
	s6 =	sadd.s32 @!p0 s3, s7;
	s7 =	simm.s32 @!p0 $0x108  }
0x21: {  	s3 =	sadd.s32 s3, s9;
	s6 =	sadd.s32 @!p0 $0x88, s6;
	s7 =	simm.s32 @p2 $0x1082  }
0x22: {  	[simem:s7], [sflag:s8] =	dma.local @!p0 [hbm:s6], $0xF7A  }
0x23: {  	s9 =	sor.u32 $0xD0000000, s2;
	s6 =	simm.s32 $0x108;
	_ =	swait.ge @!p0 [sflag:s8], $0x0  }
0x24: {  	s3 =	sadd.s32 $0x88, s3;
	s6 =	simm.s32 @!p1 $0x1082;
	[sflag:s4] =	ssyncset.s32 $0xFFFFF086  }
0x25: {  	[simem:s6], [sflag:s4] =	dma.local [hbm:s3], $0xF7A  }
0x26: {  	[smem:$0x3F9F] =	sst s1;
	(tag) =	ssettag s2;
	_ =	strace s9  }
0x27: {  	s1 =	sld [smem:$0x3FAF]  }
0x28: {  	s2 =	sld [smem:$0x3FB0]  }
0x29: {  	s4 =	sld [smem:$0x3FB2]  }
0x2a: {  	p0 =	seq.s32 s5, $0x0;
	s5 =	sld [smem:$0x3FB3]  }
0x2b: {  	s6 =	sld [smem:$0x3FB4]  }
0x2c: {  	s7 =	sld [smem:$0x3FB5]  }
0x2d: {  	s3 =	simm.s32 $0x108;
	s8 =	sld [smem:$0x3FB6]  }
0x2e: {  	s3 =	simm.s32 @!p0 $0x1082;
	s9 =	sld [smem:$0x3FB7]  }
0x2f: {  	lr =	sadd.s32 s0, s3;
	s0 =	sld [smem:$0x3FAE]  }
0x30: {  	s3 =	sld [smem:$0x3FB1]  }
0x31: {  	[smem:$0x3FBA] =	sst s10  }
0x32: {  	s10 =	sld [smem:$0x3FB8];
	_ =	sdelay $0x3  }
0x33: {  	p0 =	seq.s32 s10, $0x1;
	s10 =	sld [smem:$0x3FBA];
	_ =	sdelay $0x3  }
0x34: {  	[smem:$0x3FBA] =	sst s10  }
0x35: {  	s10 =	sld [smem:$0x3FB9];
	_ =	sdelay $0x3  }
0x36: {  	p1 =	seq.s32 s10, $0x1;
	s10 =	sld [smem:$0x3FBA];
	_ =	sdelay $0x3  }
0x37: {  	[smem:$0x3FBA] =	sst s10  }
0x38: {  	s10 =	sld [smem:$0x3FBB]  }
0x39: {  	_ = 	snop;
	(pc) =	sbr.ind lr, $3  }
0x3a: {  	_ = 	snop  }
0x3b: {  	_ = 	snop  }
0x3c: {  	p2 =	seq.s32 s10, $0x1;
	s10 =	sld [smem:$0x3FBA]  }
0x3d: {  	_ =	shalt  }
0x3e: {  	_ =	shalt  }
0x3f: {  	_ =	shalt  }
0x40: {  	_ =	shalt  }
0x41: {  	_ =	shalt  }
0x42: {  	_ =	shalt  }
0x43: {  	_ =	shalt  }
0x44: {  	_ =	shalt  }
0x45: {  	_ =	shalt  }
0x46: {  	_ =	shalt  }
0x47: {  	_ =	shalt  }
0x48: {  	_ =	shalt  }
0x49: {  	_ =	shalt  }
0x4a: {  	_ =	shalt  }
0x4b: {  	_ =	shalt  }
0x4c: {  	_ =	shalt  }
0x4d: {  	_ =	shalt  }
0x4e: {  	_ =	shalt  }
0x4f: {  	_ =	shalt  }
0x50: {  	_ =	shalt  }
0x51: {  	_ =	shalt  }
0x52: {  	_ =	shalt  }
0x53: {  	_ =	shalt  }
0x54: {  	_ =	shalt  }
0x55: {  	_ =	shalt  }
0x56: {  	_ =	shalt  }
0x57: {  	_ =	shalt  }
0x58: {  	_ =	shalt  }
0x59: {  	_ =	shalt  }
0x5a: {  	_ =	shalt  }
0x5b: {  	_ =	shalt  }
0x5c: {  	_ =	shalt  }
0x5d: {  	_ =	shalt  }
0x5e: {  	_ =	shalt  }
0x5f: {  	_ =	shalt  }
0x60: {  	_ =	shalt  }
0x61: {  	_ =	shalt  }
0x62: {  	_ =	shalt  }
0x63: {  	_ =	shalt  }
0x64: {  	_ =	shalt  }
0x65: {  	_ =	shalt  }
0x66: {  	_ =	shalt  }
0x67: {  	_ =	shalt  }
0x68: {  	_ =	shalt  }
0x69: {  	_ =	shalt  }
0x6a: {  	_ =	shalt  }
0x6b: {  	_ =	shalt  }
0x6c: {  	_ =	shalt  }
0x6d: {  	_ =	shalt  }
0x6e: {  	_ =	shalt  }
0x6f: {  	_ =	shalt  }
0x70: {  	_ =	shalt  }
0x71: {  	_ =	shalt  }
0x72: {  	_ =	shalt  }
0x73: {  	_ =	shalt  }
0x74: {  	_ =	shalt  }
0x75: {  	_ =	shalt  }
0x76: {  	_ =	shalt  }
0x77: {  	_ =	shalt  }
0x78: {  	_ =	shalt  }
0x79: {  	_ =	shalt  }
0x7a: {  	_ =	shalt  }
0x7b: {  	_ =	shalt  }
0x7c: {  	_ =	shalt  }
0x7d: {  	_ =	shalt  }
0x7e: {  	_ =	shalt  }
0x7f: {  	_ =	shalt  }
0x80: {  	_ =	shalt  }
0x81: {  	_ =	shalt  }
0x82: {  	_ =	shalt  }
0x83: {  	_ =	shalt  }
0x84: {  	_ =	shalt  }
0x85: {  	_ =	shalt  }
0x86: {  	_ =	shalt  }
0x87: {  	_ =	shalt  }
.Lfunc_end0:
.L_simem_size_0:
called_computation_lowered:
.L_overlay_start_0:
0x88: {  	s0 =	sld [smem:$0x3FD9]  }
0x89: {  	s1 =	sld [smem:$0x3FFE];
	_ =	sdelay $0x3  }
0x8a: {  	s0 =	sadd.s32 s1, s0  }
0x8b: {  	[smem:$0x3FC6] =	sst s0  }
0x8c: {  	_ = 	snop  }
0x8d: {  	s0 =	sld [smem:$0x3FD0];
	(tm) =	ssettm $0x1  }
0x8e: {  	s16 =	sld [smem:$0x3FFB];
	_ =	sdelay $0x3  }
0x8f: {  	_ =	strace s16  }
0x90: {  	s1 =	sld [smem:$0x3FFC];
	_ =	sdelay $0x3  }
0x91: {  	_ =	strace s1  }
0x92: {  	s1 =	sld [smem:$0x3FFD];
	_ =	sdelay $0x3  }
0x93: {  	_ =	strace s1  }
0x94: {  	_ =	strace $0x8FFFFFFF  }
0x95: {  	s17 =	sld [smem:$0x3FDB];
	_ =	sdelay $0x1  }
0x96: {  	s2 =	simm.s32 $_scs_section_size  }
0x97: {  	s3 =	simm.s32 $_size__tile_overlayer_lowered;
	s4 =	simm.s32 $_tile_overlayer_lowered  }
0x98: {  	s20 =	simm.s32 $0x1BFF;
	s19 =	sshll.u32 s4, $0x1;
	s1 =	sadd.s32 s2, s17  }
0x99: {  	s5 =	simm.s32 $0x0;
	s18 =	sshll.u32 s3, $0x1;
	s3 =	sadd.s32 s19, s1  }
0x9a: {  	[timem:s5], [sflag:s20] =	dma.local [hbm:s3], s18  }
0x9b: {  	_ =	swait.ge [sflag:s20], s18  }
0x9c: {  	s2 =	ssub.s32 $0x0, s18;
	[sflag:s20] =	ssyncset.done $0x0  }
0x9d: {  	[sflag:s20] =	ssyncadd.s32 s2;
	_ =	sdelay $0x1  }
0x9e: {  	s21 =	simm.s32 $0x1B8B  }
0x9f: {  	_ =	swait.ge [sflag:s21], $0x1  }
0xa0: {  	[sflag:s21] =	ssyncset.done $0x0  }
0xa1: {  	s23 =	simm.s32 $0x1B8E;
	s22 =	sld [smem:$0x3FFE];
	[sflag:s21] =	ssyncadd.s32 $0xFFFFFFFF  }
0xa2: {  	s24 =	simm.s32 $execute0_lowered;
	[smem:$0x3FD2] =	sst s23  }
0xa3: {  	s3 =	sshll.u32 s24, $0x1;
	_ =	strace $0x80000046;
	[dreg:$0x1] =	wrdreg $0xFFFFFFFF  }
0xa4: {  	s25 =	simm.s32 $_size_execute0_lowered;
	s1 =	sadd.s32 s1, s3;
	[dreg:$0x0] =	wrdreg $0x0  }
0xa5: {  	s3 =	sshll.u32 s25, $0x1;
	[dreg:$0x2] =	wrdreg s1  }
0xa6: {  	[dreg:$0x3] =	wrdreg s3  }
0xa7: {  	[dreg:$0x4] =	wrdreg $0xC0  }
0xa8: {  	_ =	task [dreg:s5], $0x5FFFF  }
0xa9: {  	[dreg:$0x1] =	wrdreg $0xFFFFFFFF  }
0xaa: {  	[dreg:$0x0] =	wrdreg $0x60  }
0xab: {  	[dreg:$0x2] =	wrdreg s22  }
0xac: {  	[dreg:$0x3] =	wrdreg s0  }
0xad: {  	[dreg:$0x4] =	wrdreg $0x197800  }
0xae: {  	[dreg:$0x5] =	wrdreg $0x9  }
0xaf: {  	_ =	task.clear_ibuf [dreg:s5], $0x6FFFF;
	_ =	strace $0x90000046  }
0xb0: {  	s26 =	simm.s32 $0x9;
	_ =	strace $0x80000048  }
0xb1: {  	_ =	swait.ge [sflag:s26], $0x1  }
0xb2: {  	[sflag:s26] =	ssyncadd.s32 $0xFFFFFFFF  }
0xb3: {  	_ =	strace $0x90000048  }
0xb4: {  	_ =	sfence  }
0xb5: {  	s28 =	sld [smem:$0x0];
	_ =	sdelay $0x1  }
0xb6: {  	s29 =	srdreg.scid  }
0xb7: {  	s30 =	sshll.u32 s29, $0xD;
	s31 =	sshrl.u32 s29, $0x2  }
0xb8: {  	s2 =	sand.u32 $0x4000, s30;
	s1 =	sand.u32 $0x1, s29;
	s0 =	sadd.s32 s31, s28  }
0xb9: {  	s1 =	sor.u32 s2, s1;
	s0 =	sshll.u32 s0, $0x11  }
0xba: {  	s0 =	sor.u32 s0, s1  }
0xbb: {  	s0 =	sadd.s32 $0x8F2B, s0  }
0xbc: {  	[sflag:s0] =	ssyncadd.remote.s32 $0x1  }
0xbd: {  	_ =	sfence.sel $0xFFFF  }
0xbe: {  	[dreg:$0x0] =	wrdreg $0xFFFFFFFF;
	(pc) =	sbr.abs _section_cstart, $3  }
0xbf: {  	[dreg:$0x1] =	wrdreg $0xFFFFFFFF  }
0xc0: {  	_ =	task.clear_ibuf [dreg:s5], $0x2FFFF;
	_ =	strace $0x9FFFFFFF  }
0xc1: {  	(tm) =	ssettm $0x7FFFFFFF  }
tec
execute0_lowered:
.L_overlay_start_1:
0x0: {  	(tag) =	ssettag $0x1  }
0x1: {  	s7 =	rddreg [dreg:$0x0]  }
0x2: {  	s2 =	rddreg [dreg:$0x1];
	s0 =	stileid.u32  }
0x3: {  	s5 =	rddreg [dreg:$0x2];
	s3 =	smul.u32 $0x4E20, s0  }
0x4: {  	s1 =	rddreg [dreg:$0x3]  }
0x5: {  	s9 =	simm.s32 $0x0;
	s11 =	simm.s32 $0x5000;
	s4 =	sshrl.u32 s3, $0x3  }
0x6: {  	[smem:$0x7FF] =	sst s9;
	s8 =	sadd.s32 $0x14000, s7;
	s6 =	sadd.s32 $0x9C40, s4  }
0x7: {  	_ =	strace $0x80000047;
	s3 =	sadd.s32 s8, s4;
	s10 =	sadd.s32 s8, s6  }
0x8: {  	[tilespmem:s11], [sflag:$0x1] =	stream.linear.gather [hbm4b:s10+s9], $0x2710, $0x38;
	[tilespmem:$0x1E780] =	vst v63  }
0x9: {  	s31 =	simm.s32 $0x7710;
	s30 =	sadd.s32 $0xA122, s3  }
0xa: {  	[tilespmem:s31], [sflag:$0x2] =	stream.linear.gather [hbm4b:s30+s9], $0x2710, $0x38;
	[tilespmem:$0x1E780] =	vst v63  }
0xb: {  	v0 =	vimm.f32 $0.0e+00;
	s9 =	simm.s32 $0x80  }
0xc: {  	[tilespmem:s9+$0xFFFFFF80] =	vst v0  }
0xd: {  	[tilespmem:s9+$0x70] =	vst v0  }
0xe: {  	[tilespmem:s9+$0x60] =	vst v0  }
0xf: {  	[tilespmem:s9+$0x50] =	vst v0  }
0x10: {  	[tilespmem:s9+$0x40] =	vst v0  }
0x11: {  	[tilespmem:s9+$0x30] =	vst v0  }
0x12: {  	[tilespmem:s9+$0x20] =	vst v0  }
0x13: {  	[tilespmem:s9+$0x10] =	vst v0  }
0x14: {  	[tilespmem:s9+$0x0] =	vst v0  }
0x15: {  	[tilespmem:s9+$0xFFFFFFF0] =	vst v0  }
0x16: {  	[tilespmem:s9+$0xFFFFFFE0] =	vst v0  }
0x17: {  	[tilespmem:s9+$0xFFFFFFD0] =	vst v0  }
0x18: {  	[tilespmem:s9+$0xFFFFFFC0] =	vst v0  }
0x19: {  	[tilespmem:s9+$0xFFFFFFB0] =	vst v0  }
0x1a: {  	s7 =	sadd.s32 $0x600, s7;
	s10 =	simm.s32 $0x0;
	[tilespmem:s9+$0xFFFFFFA0] =	vst v0  }
.LBB2_1:
0x1b: {  	s10 =	sadd.s32 $0x100, s10;
	[tilespmem:s9+$0xFFFFFF90] =	vst v0;
	s9 =	sadd.s32 $0x100, s9  }
0x1c: {  	[tilespmem:s9+$0xFFFFFF80] =	vst v0;
	p0 =	slt.u32 s10, $0x4F00  }
0x1d: {  	[tilespmem:s9+$0x70] =	vst v0  }
0x1e: {  	[tilespmem:s9+$0x60] =	vst v0  }
0x1f: {  	[tilespmem:s9+$0x50] =	vst v0  }
0x20: {  	[tilespmem:s9+$0x40] =	vst v0  }
0x21: {  	[tilespmem:s9+$0x30] =	vst v0  }
0x22: {  	[tilespmem:s9+$0x20] =	vst v0  }
0x23: {  	[tilespmem:s9+$0x10] =	vst v0  }
0x24: {  	[tilespmem:s9+$0x0] =	vst v0  }
0x25: {  	[tilespmem:s9+$0xFFFFFFF0] =	vst v0  }
.Ltmp0:
0x26: {  	[tilespmem:s9+$0xFFFFFFE0] =	vst v0;
	(pc) =	sbr.rel @p0 .LBB2_1-.Ltmp0, $4  }
0x27: {  	[tilespmem:s9+$0xFFFFFFD0] =	vst v0  }
0x28: {  	[tilespmem:s9+$0xFFFFFFC0] =	vst v0  }
0x29: {  	[tilespmem:s9+$0xFFFFFFB0] =	vst v0  }
0x2a: {  	[tilespmem:s9+$0xFFFFFFA0] =	vst v0  }
0x2b: {  	[tilespmem:s9+$0xFFFFFF90] =	vst v0;
	s9 =	simm.s32 $0x19300;
	v0 =	vimm.f32 $0.0e+00  }
0x2c: {  	[tilespmem:s9+$0xFFFFFF80] =	vst v0  }
0x2d: {  	[tilespmem:s9+$0x70] =	vst v0  }
0x2e: {  	[tilespmem:s9+$0x60] =	vst v0  }
0x2f: {  	[tilespmem:s9+$0x50] =	vst v0  }
0x30: {  	[tilespmem:s9+$0x40] =	vst v0  }
0x31: {  	[tilespmem:s9+$0x30] =	vst v0  }
0x32: {  	[tilespmem:s9+$0x20] =	vst v0  }
0x33: {  	[tilespmem:s9+$0x10] =	vst v0  }
0x34: {  	[tilespmem:s9+$0x0] =	vst v0  }
0x35: {  	[tilespmem:s9+$0xFFFFFFF0] =	vst v0  }
0x36: {  	[tilespmem:s9+$0xFFFFFFE0] =	vst v0  }
0x37: {  	[tilespmem:s9+$0xFFFFFFD0] =	vst v0  }
0x38: {  	[tilespmem:s9+$0xFFFFFFC0] =	vst v0  }
0x39: {  	[tilespmem:s9+$0xFFFFFFB0] =	vst v0  }
0x3a: {  	s10 =	simm.s32 $0x0;
	[tilespmem:s9+$0xFFFFFFA0] =	vst v0  }
.LBB2_3:
0x3b: {  	s10 =	sadd.s32 $0x100, s10;
	[tilespmem:s9+$0xFFFFFF90] =	vst v0;
	s9 =	sadd.s32 $0x100, s9  }
0x3c: {  	[tilespmem:s9+$0xFFFFFF80] =	vst v0;
	p0 =	slt.u32 s10, $0x400  }
0x3d: {  	[tilespmem:s9+$0x70] =	vst v0  }
0x3e: {  	[tilespmem:s9+$0x60] =	vst v0  }
0x3f: {  	[tilespmem:s9+$0x50] =	vst v0  }
0x40: {  	[tilespmem:s9+$0x40] =	vst v0  }
0x41: {  	[tilespmem:s9+$0x30] =	vst v0  }
0x42: {  	[tilespmem:s9+$0x20] =	vst v0  }
0x43: {  	[tilespmem:s9+$0x10] =	vst v0  }
0x44: {  	[tilespmem:s9+$0x0] =	vst v0  }
0x45: {  	[tilespmem:s9+$0xFFFFFFF0] =	vst v0  }
.Ltmp1:
0x46: {  	[tilespmem:s9+$0xFFFFFFE0] =	vst v0;
	(pc) =	sbr.rel @p0 .LBB2_3-.Ltmp1, $4  }
0x47: {  	[tilespmem:s9+$0xFFFFFFD0] =	vst v0  }
0x48: {  	[tilespmem:s9+$0xFFFFFFC0] =	vst v0  }
0x49: {  	[tilespmem:s9+$0xFFFFFFB0] =	vst v0  }
0x4a: {  	[tilespmem:s9+$0xFFFFFFA0] =	vst v0  }
0x4b: {  	[tilespmem:s9+$0xFFFFFF90] =	vst v0;
	s31 =	simm.s32 $0x1  }
0x4c: {  	_ =	swait.ge [sflag:s31], $0x2710  }
0x4d: {  	[sflag:s31] =	ssyncset.done $0x0  }
0x4e: {  	s9 =	simm.s32 $0x50C0;
	[sflag:s31] =	ssyncadd.s32 $0xFFFFD8F0  }
0x4f: {  	v2 =	vld [tilespmem:s9+$0xFFFFFFB0]  }
0x50: {  	v1 =	vld [tilespmem:s9+$0xFFFFFF40]  }
0x51: {  	v3 =	vld [tilespmem:s9+$0x80]  }
0x52: {  	v4 =	vld [tilespmem:s9+$0x90]  }
0x53: {  	v5 =	vld [tilespmem:s9+$0xC0]  }
0x54: {  	v6 =	vld [tilespmem:s9+$0xB0]  }
0x55: {  	v7 =	vld [tilespmem:s9+$0xFFFFFF80]  }
0x56: {  	v8 =	vld [tilespmem:s9+$0xFFFFFF90]  }
0x57: {  	v9 =	vld [tilespmem:s9+$0xFFFFFFA0]  }
0x58: {  	v10 =	vld [tilespmem:s9+$0xFFFFFFC0]  }
0x59: {  	v11 =	vld [tilespmem:s9+$0xA0]  }
0x5a: {  	v58 =	vld [tilespmem:s9+$0x70]  }
0x5b: {  	v59 =	vld [tilespmem:s9+$0x60]  }
0x5c: {  	v12 =	vld [tilespmem:s9+$0xFFFFFF60]  }
0x5d: {  	v13 =	vld [tilespmem:s9+$0xFFFFFF70]  }
0x5e: {  	v60 =	vld [tilespmem:s9+$0x50]  }
0x5f: {  	v61 =	vld [tilespmem:s9+$0x40]  }
0x60: {  	v62 =	vld [tilespmem:s9+$0x30]  }
0x61: {  	v63 =	vld [tilespmem:s9+$0x20]  }
0x62: {  	v14 =	vld [tilespmem:s9+$0x10]  }
0x63: {  	v15 =	vld [tilespmem:s9+$0x0]  }
0x64: {  	v16 =	vld [tilespmem:s9+$0xFFFFFFF0]  }
0x65: {  	v0 =	vimm.f32 $1.000000000e+00;
	s10 =	simm.s32 $0x0;
	v17 =	vld [tilespmem:s9+$0xFFFFFFE0]  }
0x66: {  	[tilespmem:v1+s10+$0x0] =	vst.idx.add.f32.msk $0xffff, v0  }
0x67: {  	[tilespmem:v5+s10+$0x0] =	vst.idx.add.f32.msk $0xffff, v0  }
0x68: {  	[tilespmem:v6+s10+$0x0] =	vst.idx.add.f32.msk $0xffff, v0  }
0x69: {  	v1 =	vld [tilespmem:s9+$0xFFFFFF50]  }
0x6a: {  	[tilespmem:v11+s10+$0x0] =	vst.idx.add.f32.msk $0xffff, v0  }
0x6b: {  	[tilespmem:v4+s10+$0x0] =	vst.idx.add.f32.msk $0xffff, v0  }
0x6c: {  	[tilespmem:v3+s10+$0x0] =	vst.idx.add.f32.msk $0xffff, v0  }
0x6d: {  	[tilespmem:v58+s10+$0x0] =	vst.idx.add.f32.msk $0xffff, v0  }
0x6e: {  	[tilespmem:v59+s10+$0x0] =	vst.idx.add.f32.msk $0xffff, v0  }
0x6f: {  	v3 =	vld [tilespmem:s9+$0xFFFFFFD0]  }
0x70: {  	[tilespmem:v60+s10+$0x0] =	vst.idx.add.f32.msk $0xffff, v0  }
0x71: {  	[tilespmem:v61+s10+$0x0] =	vst.idx.add.f32.msk $0xffff, v0  }
0x72: {  	[tilespmem:v62+s10+$0x0] =	vst.idx.add.f32.msk $0xffff, v0  }
0x73: {  	[tilespmem:v63+s10+$0x0] =	vst.idx.add.f32.msk $0xffff, v0  }
0x74: {  	[tilespmem:v14+s10+$0x0] =	vst.idx.add.f32.msk $0xffff, v0  }
0x75: {  	[tilespmem:v15+s10+$0x0] =	vst.idx.add.f32.msk $0xffff, v0  }
0x76: {  	[tilespmem:v16+s10+$0x0] =	vst.idx.add.f32.msk $0xffff, v0  }
0x77: {  	[tilespmem:v17+s10+$0x0] =	vst.idx.add.f32.msk $0xffff, v0  }
0x78: {  	[tilespmem:v10+s10+$0x0] =	vst.idx.add.f32.msk $0xffff, v0  }
0x79: {  	[tilespmem:v2+s10+$0x0] =	vst.idx.add.f32.msk $0xffff, v0  }
0x7a: {  	[tilespmem:v9+s10+$0x0] =	vst.idx.add.f32.msk $0xffff, v0  }
0x7b: {  	[tilespmem:v8+s10+$0x0] =	vst.idx.add.f32.msk $0xffff, v0  }
0x7c: {  	[tilespmem:v7+s10+$0x0] =	vst.idx.add.f32.msk $0xffff, v0  }
0x7d: {  	[tilespmem:v13+s10+$0x0] =	vst.idx.add.f32.msk $0xffff, v0  }
0x7e: {  	[tilespmem:v12+s10+$0x0] =	vst.idx.add.f32.msk $0xffff, v0  }
0x7f: {  	s11 =	simm.s32 $0x0;
	[tilespmem:v3+s10+$0x0] =	vst.idx.add.f32.msk $0xffff, v0  }
.LBB2_5:
0x80: {  	s11 =	sadd.s32 $0x190, s11;
	[tilespmem:v1+s10+$0x0] =	vst.idx.add.f32.msk $0xffff, v0;
	s9 =	sadd.s32 $0x190, s9  }
0x81: {  	v2 =	vld [tilespmem:s9+$0xFFFFFFB0];
	p0 =	slt.u32 s11, $0x2580  }
0x82: {  	v1 =	vld [tilespmem:s9+$0xFFFFFF40]  }
0x83: {  	v3 =	vld [tilespmem:s9+$0x80]  }
0x84: {  	v4 =	vld [tilespmem:s9+$0x90]  }
0x85: {  	v5 =	vld [tilespmem:s9+$0xC0]  }
0x86: {  	v6 =	vld [tilespmem:s9+$0xB0]  }
0x87: {  	v7 =	vld [tilespmem:s9+$0xFFFFFF80]  }
0x88: {  	v8 =	vld [tilespmem:s9+$0xFFFFFF90]  }
0x89: {  	v9 =	vld [tilespmem:s9+$0xFFFFFFA0]  }
0x8a: {  	[tilespmem:v1+s10+$0x0] =	vst.idx.add.f32.msk $0xffff, v0  }
0x8b: {  	v10 =	vld [tilespmem:s9+$0xFFFFFFC0]  }
0x8c: {  	v11 =	vld [tilespmem:s9+$0xA0]  }
0x8d: {  	[tilespmem:v5+s10+$0x0] =	vst.idx.add.f32.msk $0xffff, v0  }
0x8e: {  	[tilespmem:v6+s10+$0x0] =	vst.idx.add.f32.msk $0xffff, v0  }
0x8f: {  	v5 =	vld [tilespmem:s9+$0x70]  }
0x90: {  	v6 =	vld [tilespmem:s9+$0x60]  }
0x91: {  	v1 =	vld [tilespmem:s9+$0xFFFFFF50]  }
0x92: {  	v12 =	vld [tilespmem:s9+$0xFFFFFF60]  }
0x93: {  	v13 =	vld [tilespmem:s9+$0xFFFFFF70]  }
0x94: {  	[tilespmem:v11+s10+$0x0] =	vst.idx.add.f32.msk $0xffff, v0  }
0x95: {  	[tilespmem:v4+s10+$0x0] =	vst.idx.add.f32.msk $0xffff, v0  }
0x96: {  	[tilespmem:v3+s10+$0x0] =	vst.idx.add.f32.msk $0xffff, v0  }
0x97: {  	[tilespmem:v5+s10+$0x0] =	vst.idx.add.f32.msk $0xffff, v0  }
0x98: {  	[tilespmem:v6+s10+$0x0] =	vst.idx.add.f32.msk $0xffff, v0  }
0x99: {  	v3 =	vld [tilespmem:s9+$0xFFFFFFD0]  }
0x9a: {  	v4 =	vld [tilespmem:s9+$0x50]  }
0x9b: {  	v5 =	vld [tilespmem:s9+$0x40]  }
0x9c: {  	v6 =	vld [tilespmem:s9+$0x30]  }
0x9d: {  	v11 =	vld [tilespmem:s9+$0x20]  }
0x9e: {  	v14 =	vld [tilespmem:s9+$0x10]  }
0x9f: {  	v15 =	vld [tilespmem:s9+$0x0]  }
0xa0: {  	v16 =	vld [tilespmem:s9+$0xFFFFFFF0]  }
0xa1: {  	v17 =	vld [tilespmem:s9+$0xFFFFFFE0]  }
0xa2: {  	[tilespmem:v4+s10+$0x0] =	vst.idx.add.f32.msk $0xffff, v0  }
0xa3: {  	[tilespmem:v5+s10+$0x0] =	vst.idx.add.f32.msk $0xffff, v0  }
0xa4: {  	[tilespmem:v6+s10+$0x0] =	vst.idx.add.f32.msk $0xffff, v0  }
0xa5: {  	[tilespmem:v11+s10+$0x0] =	vst.idx.add.f32.msk $0xffff, v0  }
0xa6: {  	[tilespmem:v14+s10+$0x0] =	vst.idx.add.f32.msk $0xffff, v0  }
0xa7: {  	[tilespmem:v15+s10+$0x0] =	vst.idx.add.f32.msk $0xffff, v0  }
0xa8: {  	[tilespmem:v16+s10+$0x0] =	vst.idx.add.f32.msk $0xffff, v0  }
0xa9: {  	[tilespmem:v17+s10+$0x0] =	vst.idx.add.f32.msk $0xffff, v0  }
0xaa: {  	[tilespmem:v3+s10+$0x0] =	vst.idx.add.f32.msk $0xffff, v0  }
0xab: {  	[tilespmem:v10+s10+$0x0] =	vst.idx.add.f32.msk $0xffff, v0  }
0xac: {  	[tilespmem:v2+s10+$0x0] =	vst.idx.add.f32.msk $0xffff, v0  }
.Ltmp2:
0xad: {  	[tilespmem:v9+s10+$0x0] =	vst.idx.add.f32.msk $0xffff, v0;
	(pc) =	sbr.rel @p0 .LBB2_5-.Ltmp2, $4  }
0xae: {  	[tilespmem:v8+s10+$0x0] =	vst.idx.add.f32.msk $0xffff, v0  }
0xaf: {  	[tilespmem:v7+s10+$0x0] =	vst.idx.add.f32.msk $0xffff, v0  }
0xb0: {  	[tilespmem:v13+s10+$0x0] =	vst.idx.add.f32.msk $0xffff, v0  }
0xb1: {  	[tilespmem:v12+s10+$0x0] =	vst.idx.add.f32.msk $0xffff, v0  }
0xb2: {  	_ =	sdelay $0x3  }
0xb3: {  	[tilespmem:v1+s10+$0x0] =	vst.idx.add.f32.msk $0xffff, v0;
	s9 =	simm.s32 $0x0;
	s30 =	simm.s32 $0x5000;
	s31 =	simm.s32 $0x2  }
0xb4: {  	[tilespmem:s30], [sflag:$0x1] =	stream.linear.gather [hbm4b:s3+s9], $0x2710, $0x38;
	[tilespmem:$0x1E780] =	vst v63  }
0xb5: {  	_ =	swait.ge [sflag:s31], $0x2710  }
0xb6: {  	[sflag:s31] =	ssyncset.done $0x0  }
0xb7: {  	s3 =	simm.s32 $0x77D0;
	[sflag:s31] =	ssyncadd.s32 $0xFFFFD8F0  }
0xb8: {  	v2 =	vld [tilespmem:s3+$0xFFFFFFB0]  }
0xb9: {  	v1 =	vld [tilespmem:s3+$0xFFFFFF40]  }
0xba: {  	v3 =	vld [tilespmem:s3+$0x80]  }
0xbb: {  	v4 =	vld [tilespmem:s3+$0x90]  }
0xbc: {  	v5 =	vld [tilespmem:s3+$0xC0]  }
0xbd: {  	v6 =	vld [tilespmem:s3+$0xB0]  }
0xbe: {  	v7 =	vld [tilespmem:s3+$0xFFFFFF80]  }
0xbf: {  	v8 =	vld [tilespmem:s3+$0xFFFFFF90]  }
0xc0: {  	v9 =	vld [tilespmem:s3+$0xFFFFFFA0]  }
0xc1: {  	v10 =	vld [tilespmem:s3+$0xFFFFFFC0]  }
0xc2: {  	v11 =	vld [tilespmem:s3+$0xA0]  }
0xc3: {  	v58 =	vld [tilespmem:s3+$0x70]  }
0xc4: {  	v59 =	vld [tilespmem:s3+$0x60]  }
0xc5: {  	v12 =	vld [tilespmem:s3+$0xFFFFFF60]  }
0xc6: {  	v13 =	vld [tilespmem:s3+$0xFFFFFF70]  }
0xc7: {  	v60 =	vld [tilespmem:s3+$0x50]  }
0xc8: {  	v61 =	vld [tilespmem:s3+$0x40]  }
0xc9: {  	v62 =	vld [tilespmem:s3+$0x30]  }
0xca: {  	v63 =	vld [tilespmem:s3+$0x20]  }
0xcb: {  	v14 =	vld [tilespmem:s3+$0x10]  }
0xcc: {  	v15 =	vld [tilespmem:s3+$0x0]  }
0xcd: {  	v16 =	vld [tilespmem:s3+$0xFFFFFFF0]  }
0xce: {  	v0 =	vimm.f32 $1.000000000e+00;
	v17 =	vld [tilespmem:s3+$0xFFFFFFE0]  }
0xcf: {  	[tilespmem:v1+s9+$0x0] =	vst.idx.add.f32.msk $0xffff, v0  }
0xd0: {  	[tilespmem:v5+s9+$0x0] =	vst.idx.add.f32.msk $0xffff, v0  }
0xd1: {  	[tilespmem:v6+s9+$0x0] =	vst.idx.add.f32.msk $0xffff, v0  }
0xd2: {  	v1 =	vld [tilespmem:s3+$0xFFFFFF50]  }
0xd3: {  	[tilespmem:v11+s9+$0x0] =	vst.idx.add.f32.msk $0xffff, v0  }
0xd4: {  	[tilespmem:v4+s9+$0x0] =	vst.idx.add.f32.msk $0xffff, v0  }
0xd5: {  	[tilespmem:v3+s9+$0x0] =	vst.idx.add.f32.msk $0xffff, v0  }
0xd6: {  	[tilespmem:v58+s9+$0x0] =	vst.idx.add.f32.msk $0xffff, v0  }
0xd7: {  	[tilespmem:v59+s9+$0x0] =	vst.idx.add.f32.msk $0xffff, v0  }
0xd8: {  	v3 =	vld [tilespmem:s3+$0xFFFFFFD0]  }
0xd9: {  	[tilespmem:v60+s9+$0x0] =	vst.idx.add.f32.msk $0xffff, v0  }
0xda: {  	[tilespmem:v61+s9+$0x0] =	vst.idx.add.f32.msk $0xffff, v0  }
0xdb: {  	[tilespmem:v62+s9+$0x0] =	vst.idx.add.f32.msk $0xffff, v0  }
0xdc: {  	[tilespmem:v63+s9+$0x0] =	vst.idx.add.f32.msk $0xffff, v0  }
0xdd: {  	[tilespmem:v14+s9+$0x0] =	vst.idx.add.f32.msk $0xffff, v0  }
0xde: {  	[tilespmem:v15+s9+$0x0] =	vst.idx.add.f32.msk $0xffff, v0  }
0xdf: {  	[tilespmem:v16+s9+$0x0] =	vst.idx.add.f32.msk $0xffff, v0  }
0xe0: {  	[tilespmem:v17+s9+$0x0] =	vst.idx.add.f32.msk $0xffff, v0  }
0xe1: {  	[tilespmem:v10+s9+$0x0] =	vst.idx.add.f32.msk $0xffff, v0  }
0xe2: {  	[tilespmem:v2+s9+$0x0] =	vst.idx.add.f32.msk $0xffff, v0  }
0xe3: {  	[tilespmem:v9+s9+$0x0] =	vst.idx.add.f32.msk $0xffff, v0  }
0xe4: {  	[tilespmem:v8+s9+$0x0] =	vst.idx.add.f32.msk $0xffff, v0  }
0xe5: {  	[tilespmem:v7+s9+$0x0] =	vst.idx.add.f32.msk $0xffff, v0  }
0xe6: {  	[tilespmem:v13+s9+$0x0] =	vst.idx.add.f32.msk $0xffff, v0  }
0xe7: {  	[tilespmem:v12+s9+$0x0] =	vst.idx.add.f32.msk $0xffff, v0  }
0xe8: {  	s10 =	simm.s32 $0x0;
	[tilespmem:v3+s9+$0x0] =	vst.idx.add.f32.msk $0xffff, v0  }
.LBB2_7:
0xe9: {  	s10 =	sadd.s32 $0x190, s10;
	[tilespmem:v1+s9+$0x0] =	vst.idx.add.f32.msk $0xffff, v0;
	s3 =	sadd.s32 $0x190, s3  }
0xea: {  	v2 =	vld [tilespmem:s3+$0xFFFFFFB0];
	p0 =	slt.u32 s10, $0x2580  }
0xeb: {  	v1 =	vld [tilespmem:s3+$0xFFFFFF40]  }
0xec: {  	v3 =	vld [tilespmem:s3+$0x80]  }
0xed: {  	v4 =	vld [tilespmem:s3+$0x90]  }
0xee: {  	v5 =	vld [tilespmem:s3+$0xC0]  }
0xef: {  	v6 =	vld [tilespmem:s3+$0xB0]  }
0xf0: {  	v7 =	vld [tilespmem:s3+$0xFFFFFF80]  }
0xf1: {  	v8 =	vld [tilespmem:s3+$0xFFFFFF90]  }
0xf2: {  	v9 =	vld [tilespmem:s3+$0xFFFFFFA0]  }
0xf3: {  	[tilespmem:v1+s9+$0x0] =	vst.idx.add.f32.msk $0xffff, v0  }
0xf4: {  	v10 =	vld [tilespmem:s3+$0xFFFFFFC0]  }
0xf5: {  	v11 =	vld [tilespmem:s3+$0xA0]  }
0xf6: {  	[tilespmem:v5+s9+$0x0] =	vst.idx.add.f32.msk $0xffff, v0  }
0xf7: {  	[tilespmem:v6+s9+$0x0] =	vst.idx.add.f32.msk $0xffff, v0  }
0xf8: {  	v5 =	vld [tilespmem:s3+$0x70]  }
0xf9: {  	v6 =	vld [tilespmem:s3+$0x60]  }
0xfa: {  	v1 =	vld [tilespmem:s3+$0xFFFFFF50]  }
0xfb: {  	v12 =	vld [tilespmem:s3+$0xFFFFFF60]  }
0xfc: {  	v13 =	vld [tilespmem:s3+$0xFFFFFF70]  }
0xfd: {  	[tilespmem:v11+s9+$0x0] =	vst.idx.add.f32.msk $0xffff, v0  }
0xfe: {  	[tilespmem:v4+s9+$0x0] =	vst.idx.add.f32.msk $0xffff, v0  }
0xff: {  	[tilespmem:v3+s9+$0x0] =	vst.idx.add.f32.msk $0xffff, v0  }
0x100: {  	[tilespmem:v5+s9+$0x0] =	vst.idx.add.f32.msk $0xffff, v0  }
0x101: {  	[tilespmem:v6+s9+$0x0] =	vst.idx.add.f32.msk $0xffff, v0  }
0x102: {  	v3 =	vld [tilespmem:s3+$0xFFFFFFD0]  }
0x103: {  	v4 =	vld [tilespmem:s3+$0x50]  }
0x104: {  	v5 =	vld [tilespmem:s3+$0x40]  }
0x105: {  	v6 =	vld [tilespmem:s3+$0x30]  }
0x106: {  	v11 =	vld [tilespmem:s3+$0x20]  }
0x107: {  	v14 =	vld [tilespmem:s3+$0x10]  }
0x108: {  	v15 =	vld [tilespmem:s3+$0x0]  }
0x109: {  	v16 =	vld [tilespmem:s3+$0xFFFFFFF0]  }
0x10a: {  	v17 =	vld [tilespmem:s3+$0xFFFFFFE0]  }
0x10b: {  	[tilespmem:v4+s9+$0x0] =	vst.idx.add.f32.msk $0xffff, v0  }
0x10c: {  	[tilespmem:v5+s9+$0x0] =	vst.idx.add.f32.msk $0xffff, v0  }
0x10d: {  	[tilespmem:v6+s9+$0x0] =	vst.idx.add.f32.msk $0xffff, v0  }
0x10e: {  	[tilespmem:v11+s9+$0x0] =	vst.idx.add.f32.msk $0xffff, v0  }
0x10f: {  	[tilespmem:v14+s9+$0x0] =	vst.idx.add.f32.msk $0xffff, v0  }
0x110: {  	[tilespmem:v15+s9+$0x0] =	vst.idx.add.f32.msk $0xffff, v0  }
0x111: {  	[tilespmem:v16+s9+$0x0] =	vst.idx.add.f32.msk $0xffff, v0  }
0x112: {  	[tilespmem:v17+s9+$0x0] =	vst.idx.add.f32.msk $0xffff, v0  }
0x113: {  	[tilespmem:v3+s9+$0x0] =	vst.idx.add.f32.msk $0xffff, v0  }
0x114: {  	[tilespmem:v10+s9+$0x0] =	vst.idx.add.f32.msk $0xffff, v0  }
0x115: {  	[tilespmem:v2+s9+$0x0] =	vst.idx.add.f32.msk $0xffff, v0  }
.Ltmp3:
0x116: {  	[tilespmem:v9+s9+$0x0] =	vst.idx.add.f32.msk $0xffff, v0;
	(pc) =	sbr.rel @p0 .LBB2_7-.Ltmp3, $4  }
0x117: {  	[tilespmem:v8+s9+$0x0] =	vst.idx.add.f32.msk $0xffff, v0  }
0x118: {  	[tilespmem:v7+s9+$0x0] =	vst.idx.add.f32.msk $0xffff, v0  }
0x119: {  	[tilespmem:v13+s9+$0x0] =	vst.idx.add.f32.msk $0xffff, v0  }
0x11a: {  	[tilespmem:v12+s9+$0x0] =	vst.idx.add.f32.msk $0xffff, v0  }
0x11b: {  	_ =	sdelay $0x2  }
0x11c: {  	s3 =	sadd.s32 $0x4E2, s4;
	s10 =	simm.s32 $0x7710  }
0x11d: {  	[tilespmem:v1+s9+$0x0] =	vst.idx.add.f32.msk $0xffff, v0;
	s31 =	simm.s32 $0x1;
	s30 =	sadd.s32 s8, s3;
	s8 =	simm.s32 $0x0  }
0x11e: {  	[tilespmem:s10], [sflag:$0x2] =	stream.linear.gather [hbm4b:s30+s8], $0x2710, $0x38;
	[tilespmem:$0x1E780] =	vst v63  }
0x11f: {  	_ =	swait.ge [sflag:s31], $0x2710  }
0x120: {  	[sflag:s31] =	ssyncset.done $0x0  }
0x121: {  	s9 =	simm.s32 $0x50C0;
	[sflag:s31] =	ssyncadd.s32 $0xFFFFD8F0  }
0x122: {  	v1 =	vld [tilespmem:s9+$0x40]  }
0x123: {  	v0 =	vld [tilespmem:s9+$0xFFFFFF40]  }
0x124: {  	v3 =	vld [tilespmem:s9+$0xFFFFFF50]  }
0x125: {  	v2 =	vld [tilespmem:s9+$0xFFFFFF60]  }
0x126: {  	v4 =	vld [tilespmem:s9+$0x60]  }
0x127: {  	v5 =	vld [tilespmem:s9+$0xC0]  }
0x128: {  	v7 =	vld [tilespmem:s9+$0xB0]  }
0x129: {  	v8 =	vld [tilespmem:s9+$0xA0]  }
0x12a: {  	v9 =	vld [tilespmem:s9+$0x20]  }
0x12b: {  	v10 =	vld [tilespmem:s9+$0x10]  }
0x12c: {  	v11 =	vld [tilespmem:s9+$0x30]  }
0x12d: {  	v49 =	vld [tilespmem:s9+$0x90]  }
0x12e: {  	v12 =	vld [tilespmem:s9+$0x80]  }
0x12f: {  	v13 =	vld [tilespmem:s9+$0x70]  }
0x130: {  	v50 =	vld [tilespmem:s9+$0xFFFFFF90]  }
0x131: {  	v52 =	vld [tilespmem:s9+$0xFFFFFFA0]  }
0x132: {  	v54 =	vld [tilespmem:s9+$0xFFFFFFB0]  }
0x133: {  	v14 =	vld [tilespmem:s9+$0x50]  }
0x134: {  	v55 =	vld [tilespmem:s9+$0xFFFFFFF0]  }
0x135: {  	v56 =	vld [tilespmem:s9+$0xFFFFFFE0];
	v6 =	vadd.s32 $0x2800, v0  }
0x136: {  	v57 =	vld [tilespmem:s9+$0xFFFFFFD0];
	v5 =	vadd.s32 $0x2800, v5  }
0x137: {  	v15 =	vld [tilespmem:s9+$0xFFFFFFC0];
	v48 =	vadd.s32 $0x2800, v7  }
0x138: {  	v58 =	vld [tilespmem:s9+$0xFFFFFF80];
	v8 =	vadd.s32 $0x2800, v8  }
0x139: {  	v60 =	vld [tilespmem:s9+$0xFFFFFF70];
	v0 =	vimm.f32 $1.000000000e+00;
	v51 =	vadd.s32 $0x2800, v12  }
0x13a: {  	v4 =	vadd.s32 $0x2800, v4;
	[tilespmem:v6+s8+$0x0] =	vst.idx.add.f32.msk $0xffff, v0  }
0x13b: {  	[tilespmem:v5+s8+$0x0] =	vst.idx.add.f32.msk $0xffff, v0  }
0x13c: {  	[tilespmem:v48+s8+$0x0] =	vst.idx.add.f32.msk $0xffff, v0;
	v5 =	vadd.s32 $0x2800, v49  }
0x13d: {  	v1 =	vadd.s32 $0x2800, v1;
	[tilespmem:v8+s8+$0x0] =	vst.idx.add.f32.msk $0xffff, v0  }
0x13e: {  	v53 =	vadd.s32 $0x2800, v13;
	[tilespmem:v51+s8+$0x0] =	vst.idx.add.f32.msk $0xffff, v0  }
0x13f: {  	v11 =	vadd.s32 $0x2800, v11;
	[tilespmem:v4+s8+$0x0] =	vst.idx.add.f32.msk $0xffff, v0  }
0x140: {  	v9 =	vadd.s32 $0x2800, v9;
	v4 =	vld [tilespmem:s9+$0x0]  }
0x141: {  	[tilespmem:v5+s8+$0x0] =	vst.idx.add.f32.msk $0xffff, v0;
	v5 =	vadd.s32 $0x2800, v14  }
0x142: {  	[tilespmem:v1+s8+$0x0] =	vst.idx.add.f32.msk $0xffff, v0;
	v1 =	vadd.s32 $0x2800, v10  }
0x143: {  	v59 =	vadd.s32 $0x2800, v56;
	[tilespmem:v53+s8+$0x0] =	vst.idx.add.f32.msk $0xffff, v0  }
0x144: {  	v61 =	vadd.s32 $0x2800, v15;
	[tilespmem:v11+s8+$0x0] =	vst.idx.add.f32.msk $0xffff, v0  }
0x145: {  	[tilespmem:v9+s8+$0x0] =	vst.idx.add.f32.msk $0xffff, v0;
	v4 =	vadd.s32 $0x2800, v4  }
0x146: {  	[tilespmem:v5+s8+$0x0] =	vst.idx.add.f32.msk $0xffff, v0;
	v5 =	vadd.s32 $0x2800, v55  }
0x147: {  	[tilespmem:v1+s8+$0x0] =	vst.idx.add.f32.msk $0xffff, v0;
	v1 =	vadd.s32 $0x2800, v50  }
0x148: {  	v62 =	vadd.s32 $0x2800, v58;
	[tilespmem:v59+s8+$0x0] =	vst.idx.add.f32.msk $0xffff, v0  }
0x149: {  	v63 =	vadd.s32 $0x2800, v60;
	[tilespmem:v61+s8+$0x0] =	vst.idx.add.f32.msk $0xffff, v0  }
0x14a: {  	[tilespmem:v4+s8+$0x0] =	vst.idx.add.f32.msk $0xffff, v0;
	v4 =	vadd.s32 $0x2800, v54  }
0x14b: {  	[tilespmem:v5+s8+$0x0] =	vst.idx.add.f32.msk $0xffff, v0;
	v5 =	vadd.s32 $0x2800, v52  }
0x14c: {  	[tilespmem:v1+s8+$0x0] =	vst.idx.add.f32.msk $0xffff, v0;
	v1 =	vadd.s32 $0x2800, v57  }
0x14d: {  	v2 =	vadd.s32 $0x2800, v2;
	[tilespmem:v62+s8+$0x0] =	vst.idx.add.f32.msk $0xffff, v0  }
0x14e: {  	v3 =	vadd.s32 $0x2800, v3;
	[tilespmem:v63+s8+$0x0] =	vst.idx.add.f32.msk $0xffff, v0  }
0x14f: {  	[tilespmem:v4+s8+$0x0] =	vst.idx.add.f32.msk $0xffff, v0  }
0x150: {  	s10 =	simm.s32 $0x0;
	[tilespmem:v5+s8+$0x0] =	vst.idx.add.f32.msk $0xffff, v0  }
.LBB2_9:
0x151: {  	s10 =	sadd.s32 $0x190, s10;
	[tilespmem:v1+s8+$0x0] =	vst.idx.add.f32.msk $0xffff, v0;
	s9 =	sadd.s32 $0x190, s9  }
0x152: {  	p0 =	slt.u32 s10, $0x2580;
	[tilespmem:v2+s8+$0x0] =	vst.idx.add.f32.msk $0xffff, v0  }
0x153: {  	[tilespmem:v3+s8+$0x0] =	vst.idx.add.f32.msk $0xffff, v0  }
0x154: {  	v1 =	vld [tilespmem:s9+$0x40]  }
0x155: {  	v2 =	vld [tilespmem:s9+$0xFFFFFF40]  }
0x156: {  	v3 =	vld [tilespmem:s9+$0xFFFFFF50]  }
0x157: {  	v4 =	vld [tilespmem:s9+$0xFFFFFF60]  }
0x158: {  	v5 =	vld [tilespmem:s9+$0x60]  }
0x159: {  	v6 =	vld [tilespmem:s9+$0xC0]  }
0x15a: {  	v2 =	vadd.s32 $0x2800, v2;
	v7 =	vld [tilespmem:s9+$0xB0]  }
0x15b: {  	v8 =	vld [tilespmem:s9+$0xA0]  }
0x15c: {  	v9 =	vld [tilespmem:s9+$0x20]  }
0x15d: {  	v10 =	vld [tilespmem:s9+$0x10]  }
0x15e: {  	v11 =	vld [tilespmem:s9+$0x30];
	v6 =	vadd.s32 $0x2800, v6  }
0x15f: {  	[tilespmem:v2+s8+$0x0] =	vst.idx.add.f32.msk $0xffff, v0;
	v2 =	vadd.s32 $0x2800, v7  }
0x160: {  	v7 =	vld [tilespmem:s9+$0x90];
	v8 =	vadd.s32 $0x2800, v8  }
0x161: {  	v12 =	vld [tilespmem:s9+$0x80]  }
0x162: {  	v13 =	vld [tilespmem:s9+$0x70]  }
0x163: {  	[tilespmem:v6+s8+$0x0] =	vst.idx.add.f32.msk $0xffff, v0  }
0x164: {  	[tilespmem:v2+s8+$0x0] =	vst.idx.add.f32.msk $0xffff, v0  }
0x165: {  	v2 =	vadd.s32 $0x2800, v7;
	[tilespmem:v8+s8+$0x0] =	vst.idx.add.f32.msk $0xffff, v0  }
0x166: {  	v6 =	vld [tilespmem:s9+$0xFFFFFF90];
	v7 =	vadd.s32 $0x2800, v12  }
0x167: {  	v8 =	vld [tilespmem:s9+$0xFFFFFFA0];
	v12 =	vadd.s32 $0x2800, v13  }
0x168: {  	v5 =	vadd.s32 $0x2800, v5;
	v13 =	vld [tilespmem:s9+$0xFFFFFFB0]  }
0x169: {  	v14 =	vld [tilespmem:s9+$0x50]  }
0x16a: {  	[tilespmem:v2+s8+$0x0] =	vst.idx.add.f32.msk $0xffff, v0  }
0x16b: {  	[tilespmem:v7+s8+$0x0] =	vst.idx.add.f32.msk $0xffff, v0  }
0x16c: {  	[tilespmem:v12+s8+$0x0] =	vst.idx.add.f32.msk $0xffff, v0  }
0x16d: {  	[tilespmem:v5+s8+$0x0] =	vst.idx.add.f32.msk $0xffff, v0  }
0x16e: {  	v2 =	vld [tilespmem:s9+$0x0];
	v5 =	vadd.s32 $0x2800, v14  }
0x16f: {  	v1 =	vadd.s32 $0x2800, v1;
	v7 =	vld [tilespmem:s9+$0xFFFFFFF0]  }
0x170: {  	v11 =	vadd.s32 $0x2800, v11;
	v12 =	vld [tilespmem:s9+$0xFFFFFFE0]  }
0x171: {  	v14 =	vld [tilespmem:s9+$0xFFFFFFD0]  }
0x172: {  	v15 =	vld [tilespmem:s9+$0xFFFFFFC0]  }
0x173: {  	v2 =	vadd.s32 $0x2800, v2;
	[tilespmem:v5+s8+$0x0] =	vst.idx.add.f32.msk $0xffff, v0  }
0x174: {  	v5 =	vadd.s32 $0x2800, v7;
	[tilespmem:v1+s8+$0x0] =	vst.idx.add.f32.msk $0xffff, v0  }
0x175: {  	v10 =	vadd.s32 $0x2800, v10;
	v7 =	vadd.s32 $0x2800, v12;
	[tilespmem:v11+s8+$0x0] =	vst.idx.add.f32.msk $0xffff, v0  }
0x176: {  	v9 =	vadd.s32 $0x2800, v9;
	v11 =	vld [tilespmem:s9+$0xFFFFFF80];
	v1 =	vadd.s32 $0x2800, v14  }
0x177: {  	v12 =	vld [tilespmem:s9+$0xFFFFFF70];
	v14 =	vadd.s32 $0x2800, v15  }
0x178: {  	v13 =	vadd.s32 $0x2800, v13;
	[tilespmem:v2+s8+$0x0] =	vst.idx.add.f32.msk $0xffff, v0  }
0x179: {  	v8 =	vadd.s32 $0x2800, v8;
	[tilespmem:v5+s8+$0x0] =	vst.idx.add.f32.msk $0xffff, v0  }
0x17a: {  	v5 =	vadd.s32 $0x2800, v6;
	[tilespmem:v10+s8+$0x0] =	vst.idx.add.f32.msk $0xffff, v0  }
0x17b: {  	v6 =	vadd.s32 $0x2800, v11;
	[tilespmem:v9+s8+$0x0] =	vst.idx.add.f32.msk $0xffff, v0  }
0x17c: {  	v9 =	vadd.s32 $0x2800, v12;
	[tilespmem:v7+s8+$0x0] =	vst.idx.add.f32.msk $0xffff, v0  }
0x17d: {  	v2 =	vadd.s32 $0x2800, v4;
	[tilespmem:v14+s8+$0x0] =	vst.idx.add.f32.msk $0xffff, v0  }
.Ltmp4:
0x17e: {  	v3 =	vadd.s32 $0x2800, v3;
	[tilespmem:v13+s8+$0x0] =	vst.idx.add.f32.msk $0xffff, v0;
	(pc) =	sbr.rel @p0 .LBB2_9-.Ltmp4, $4  }
0x17f: {  	[tilespmem:v8+s8+$0x0] =	vst.idx.add.f32.msk $0xffff, v0  }
0x180: {  	[tilespmem:v5+s8+$0x0] =	vst.idx.add.f32.msk $0xffff, v0  }
0x181: {  	[tilespmem:v6+s8+$0x0] =	vst.idx.add.f32.msk $0xffff, v0  }
0x182: {  	[tilespmem:v9+s8+$0x0] =	vst.idx.add.f32.msk $0xffff, v0  }
0x183: {  	_ =	sdelay $0x3  }
0x184: {  	[tilespmem:v1+s8+$0x0] =	vst.idx.add.f32.msk $0xffff, v0  }
0x185: {  	[tilespmem:v2+s8+$0x0] =	vst.idx.add.f32.msk $0xffff, v0  }
0x186: {  	[tilespmem:v3+s8+$0x0] =	vst.idx.add.f32.msk $0xffff, v0;
	s31 =	simm.s32 $0x2  }
0x187: {  	_ =	swait.ge [sflag:s31], $0x2710  }
0x188: {  	[sflag:s31] =	ssyncset.done $0x0  }
0x189: {  	s8 =	simm.s32 $0x77D0;
	[sflag:s31] =	ssyncadd.s32 $0xFFFFD8F0  }
0x18a: {  	v1 =	vld [tilespmem:s8+$0x40]  }
0x18b: {  	v0 =	vld [tilespmem:s8+$0xFFFFFF40]  }
0x18c: {  	v3 =	vld [tilespmem:s8+$0xFFFFFF50]  }
0x18d: {  	v2 =	vld [tilespmem:s8+$0xFFFFFF60]  }
0x18e: {  	v4 =	vld [tilespmem:s8+$0x60]  }
0x18f: {  	v5 =	vld [tilespmem:s8+$0xC0]  }
0x190: {  	v7 =	vld [tilespmem:s8+$0xB0]  }
0x191: {  	v8 =	vld [tilespmem:s8+$0xA0]  }
0x192: {  	v9 =	vld [tilespmem:s8+$0x20]  }
0x193: {  	v10 =	vld [tilespmem:s8+$0x10]  }
0x194: {  	v11 =	vld [tilespmem:s8+$0x30]  }
0x195: {  	v49 =	vld [tilespmem:s8+$0x90]  }
0x196: {  	v12 =	vld [tilespmem:s8+$0x80]  }
0x197: {  	v13 =	vld [tilespmem:s8+$0x70]  }
0x198: {  	v50 =	vld [tilespmem:s8+$0xFFFFFF90]  }
0x199: {  	v52 =	vld [tilespmem:s8+$0xFFFFFFA0]  }
0x19a: {  	v54 =	vld [tilespmem:s8+$0xFFFFFFB0]  }
0x19b: {  	v14 =	vld [tilespmem:s8+$0x50]  }
0x19c: {  	v55 =	vld [tilespmem:s8+$0xFFFFFFF0]  }
0x19d: {  	v56 =	vld [tilespmem:s8+$0xFFFFFFE0];
	v6 =	vadd.s32 $0x2800, v0  }
0x19e: {  	v57 =	vld [tilespmem:s8+$0xFFFFFFD0];
	v5 =	vadd.s32 $0x2800, v5  }
0x19f: {  	v15 =	vld [tilespmem:s8+$0xFFFFFFC0];
	v48 =	vadd.s32 $0x2800, v7  }
0x1a0: {  	v58 =	vld [tilespmem:s8+$0xFFFFFF80];
	v8 =	vadd.s32 $0x2800, v8  }
0x1a1: {  	s9 =	simm.s32 $0x0;
	v60 =	vld [tilespmem:s8+$0xFFFFFF70];
	v0 =	vimm.f32 $1.000000000e+00;
	v51 =	vadd.s32 $0x2800, v12  }
0x1a2: {  	v4 =	vadd.s32 $0x2800, v4;
	[tilespmem:v6+s9+$0x0] =	vst.idx.add.f32.msk $0xffff, v0  }
0x1a3: {  	[tilespmem:v5+s9+$0x0] =	vst.idx.add.f32.msk $0xffff, v0  }
0x1a4: {  	[tilespmem:v48+s9+$0x0] =	vst.idx.add.f32.msk $0xffff, v0;
	v5 =	vadd.s32 $0x2800, v49  }
0x1a5: {  	v1 =	vadd.s32 $0x2800, v1;
	[tilespmem:v8+s9+$0x0] =	vst.idx.add.f32.msk $0xffff, v0  }
0x1a6: {  	v53 =	vadd.s32 $0x2800, v13;
	[tilespmem:v51+s9+$0x0] =	vst.idx.add.f32.msk $0xffff, v0  }
0x1a7: {  	v11 =	vadd.s32 $0x2800, v11;
	[tilespmem:v4+s9+$0x0] =	vst.idx.add.f32.msk $0xffff, v0  }
0x1a8: {  	v9 =	vadd.s32 $0x2800, v9;
	v4 =	vld [tilespmem:s8+$0x0]  }
0x1a9: {  	[tilespmem:v5+s9+$0x0] =	vst.idx.add.f32.msk $0xffff, v0;
	v5 =	vadd.s32 $0x2800, v14  }
0x1aa: {  	[tilespmem:v1+s9+$0x0] =	vst.idx.add.f32.msk $0xffff, v0;
	v1 =	vadd.s32 $0x2800, v10  }
0x1ab: {  	v59 =	vadd.s32 $0x2800, v56;
	[tilespmem:v53+s9+$0x0] =	vst.idx.add.f32.msk $0xffff, v0  }
0x1ac: {  	v61 =	vadd.s32 $0x2800, v15;
	[tilespmem:v11+s9+$0x0] =	vst.idx.add.f32.msk $0xffff, v0  }
0x1ad: {  	[tilespmem:v9+s9+$0x0] =	vst.idx.add.f32.msk $0xffff, v0;
	v4 =	vadd.s32 $0x2800, v4  }
0x1ae: {  	[tilespmem:v5+s9+$0x0] =	vst.idx.add.f32.msk $0xffff, v0;
	v5 =	vadd.s32 $0x2800, v55  }
0x1af: {  	[tilespmem:v1+s9+$0x0] =	vst.idx.add.f32.msk $0xffff, v0;
	v1 =	vadd.s32 $0x2800, v50  }
0x1b0: {  	v62 =	vadd.s32 $0x2800, v58;
	[tilespmem:v59+s9+$0x0] =	vst.idx.add.f32.msk $0xffff, v0  }
0x1b1: {  	v63 =	vadd.s32 $0x2800, v60;
	[tilespmem:v61+s9+$0x0] =	vst.idx.add.f32.msk $0xffff, v0  }
0x1b2: {  	[tilespmem:v4+s9+$0x0] =	vst.idx.add.f32.msk $0xffff, v0;
	v4 =	vadd.s32 $0x2800, v54  }
0x1b3: {  	[tilespmem:v5+s9+$0x0] =	vst.idx.add.f32.msk $0xffff, v0;
	v5 =	vadd.s32 $0x2800, v52  }
0x1b4: {  	[tilespmem:v1+s9+$0x0] =	vst.idx.add.f32.msk $0xffff, v0;
	v1 =	vadd.s32 $0x2800, v57  }
0x1b5: {  	v2 =	vadd.s32 $0x2800, v2;
	[tilespmem:v62+s9+$0x0] =	vst.idx.add.f32.msk $0xffff, v0  }
0x1b6: {  	v3 =	vadd.s32 $0x2800, v3;
	[tilespmem:v63+s9+$0x0] =	vst.idx.add.f32.msk $0xffff, v0  }
0x1b7: {  	[tilespmem:v4+s9+$0x0] =	vst.idx.add.f32.msk $0xffff, v0  }
0x1b8: {  	s10 =	simm.s32 $0x0;
	[tilespmem:v5+s9+$0x0] =	vst.idx.add.f32.msk $0xffff, v0  }
.LBB2_11:
0x1b9: {  	s10 =	sadd.s32 $0x190, s10;
	[tilespmem:v1+s9+$0x0] =	vst.idx.add.f32.msk $0xffff, v0;
	s8 =	sadd.s32 $0x190, s8  }
0x1ba: {  	p0 =	slt.u32 s10, $0x2580;
	[tilespmem:v2+s9+$0x0] =	vst.idx.add.f32.msk $0xffff, v0  }
0x1bb: {  	[tilespmem:v3+s9+$0x0] =	vst.idx.add.f32.msk $0xffff, v0  }
0x1bc: {  	v1 =	vld [tilespmem:s8+$0x40]  }
0x1bd: {  	v2 =	vld [tilespmem:s8+$0xFFFFFF40]  }
0x1be: {  	v3 =	vld [tilespmem:s8+$0xFFFFFF50]  }
0x1bf: {  	v4 =	vld [tilespmem:s8+$0xFFFFFF60]  }
0x1c0: {  	v5 =	vld [tilespmem:s8+$0x60]  }
0x1c1: {  	v6 =	vld [tilespmem:s8+$0xC0]  }
0x1c2: {  	v2 =	vadd.s32 $0x2800, v2;
	v7 =	vld [tilespmem:s8+$0xB0]  }
0x1c3: {  	v8 =	vld [tilespmem:s8+$0xA0]  }
0x1c4: {  	v9 =	vld [tilespmem:s8+$0x20]  }
0x1c5: {  	v10 =	vld [tilespmem:s8+$0x10]  }
0x1c6: {  	v11 =	vld [tilespmem:s8+$0x30];
	v6 =	vadd.s32 $0x2800, v6  }
0x1c7: {  	[tilespmem:v2+s9+$0x0] =	vst.idx.add.f32.msk $0xffff, v0;
	v2 =	vadd.s32 $0x2800, v7  }
0x1c8: {  	v7 =	vld [tilespmem:s8+$0x90];
	v8 =	vadd.s32 $0x2800, v8  }
0x1c9: {  	v12 =	vld [tilespmem:s8+$0x80]  }
0x1ca: {  	v13 =	vld [tilespmem:s8+$0x70]  }
0x1cb: {  	[tilespmem:v6+s9+$0x0] =	vst.idx.add.f32.msk $0xffff, v0  }
0x1cc: {  	[tilespmem:v2+s9+$0x0] =	vst.idx.add.f32.msk $0xffff, v0  }
0x1cd: {  	v2 =	vadd.s32 $0x2800, v7;
	[tilespmem:v8+s9+$0x0] =	vst.idx.add.f32.msk $0xffff, v0  }
0x1ce: {  	v6 =	vld [tilespmem:s8+$0xFFFFFF90];
	v7 =	vadd.s32 $0x2800, v12  }
0x1cf: {  	v8 =	vld [tilespmem:s8+$0xFFFFFFA0];
	v12 =	vadd.s32 $0x2800, v13  }
0x1d0: {  	v5 =	vadd.s32 $0x2800, v5;
	v13 =	vld [tilespmem:s8+$0xFFFFFFB0]  }
0x1d1: {  	v14 =	vld [tilespmem:s8+$0x50]  }
0x1d2: {  	[tilespmem:v2+s9+$0x0] =	vst.idx.add.f32.msk $0xffff, v0  }
0x1d3: {  	[tilespmem:v7+s9+$0x0] =	vst.idx.add.f32.msk $0xffff, v0  }
0x1d4: {  	[tilespmem:v12+s9+$0x0] =	vst.idx.add.f32.msk $0xffff, v0  }
0x1d5: {  	[tilespmem:v5+s9+$0x0] =	vst.idx.add.f32.msk $0xffff, v0  }
0x1d6: {  	v2 =	vld [tilespmem:s8+$0x0];
	v5 =	vadd.s32 $0x2800, v14  }
0x1d7: {  	v1 =	vadd.s32 $0x2800, v1;
	v7 =	vld [tilespmem:s8+$0xFFFFFFF0]  }
0x1d8: {  	v11 =	vadd.s32 $0x2800, v11;
	v12 =	vld [tilespmem:s8+$0xFFFFFFE0]  }
0x1d9: {  	v14 =	vld [tilespmem:s8+$0xFFFFFFD0]  }
0x1da: {  	v15 =	vld [tilespmem:s8+$0xFFFFFFC0]  }
0x1db: {  	v2 =	vadd.s32 $0x2800, v2;
	[tilespmem:v5+s9+$0x0] =	vst.idx.add.f32.msk $0xffff, v0  }
0x1dc: {  	v5 =	vadd.s32 $0x2800, v7;
	[tilespmem:v1+s9+$0x0] =	vst.idx.add.f32.msk $0xffff, v0  }
0x1dd: {  	v10 =	vadd.s32 $0x2800, v10;
	v7 =	vadd.s32 $0x2800, v12;
	[tilespmem:v11+s9+$0x0] =	vst.idx.add.f32.msk $0xffff, v0  }
0x1de: {  	v9 =	vadd.s32 $0x2800, v9;
	v11 =	vld [tilespmem:s8+$0xFFFFFF80];
	v1 =	vadd.s32 $0x2800, v14  }
0x1df: {  	v12 =	vld [tilespmem:s8+$0xFFFFFF70];
	v14 =	vadd.s32 $0x2800, v15  }
0x1e0: {  	v13 =	vadd.s32 $0x2800, v13;
	[tilespmem:v2+s9+$0x0] =	vst.idx.add.f32.msk $0xffff, v0  }
0x1e1: {  	v8 =	vadd.s32 $0x2800, v8;
	[tilespmem:v5+s9+$0x0] =	vst.idx.add.f32.msk $0xffff, v0  }
0x1e2: {  	v5 =	vadd.s32 $0x2800, v6;
	[tilespmem:v10+s9+$0x0] =	vst.idx.add.f32.msk $0xffff, v0  }
0x1e3: {  	v6 =	vadd.s32 $0x2800, v11;
	[tilespmem:v9+s9+$0x0] =	vst.idx.add.f32.msk $0xffff, v0  }
0x1e4: {  	v9 =	vadd.s32 $0x2800, v12;
	[tilespmem:v7+s9+$0x0] =	vst.idx.add.f32.msk $0xffff, v0  }
0x1e5: {  	v2 =	vadd.s32 $0x2800, v4;
	[tilespmem:v14+s9+$0x0] =	vst.idx.add.f32.msk $0xffff, v0  }
.Ltmp5:
0x1e6: {  	v3 =	vadd.s32 $0x2800, v3;
	[tilespmem:v13+s9+$0x0] =	vst.idx.add.f32.msk $0xffff, v0;
	(pc) =	sbr.rel @p0 .LBB2_11-.Ltmp5, $4  }
0x1e7: {  	[tilespmem:v8+s9+$0x0] =	vst.idx.add.f32.msk $0xffff, v0  }
0x1e8: {  	[tilespmem:v5+s9+$0x0] =	vst.idx.add.f32.msk $0xffff, v0  }
0x1e9: {  	[tilespmem:v6+s9+$0x0] =	vst.idx.add.f32.msk $0xffff, v0  }
0x1ea: {  	[tilespmem:v9+s9+$0x0] =	vst.idx.add.f32.msk $0xffff, v0  }
0x1eb: {  	_ =	sdelay $0x3  }
0x1ec: {  	[tilespmem:v1+s9+$0x0] =	vst.idx.add.f32.msk $0xffff, v0  }
0x1ed: {  	[tilespmem:v2+s9+$0x0] =	vst.idx.add.f32.msk $0xffff, v0;
	s6 =	sadd.s32 s7, s6  }
0x1ee: {  	[tilespmem:v3+s9+$0x0] =	vst.idx.add.f32.msk $0xffff, v0;
	s8 =	smul.u32 $0x14000, s0;
	s20 =	simm.s32 $0x0;
	s10 =	simm.s32 $0x9E20  }
0x1ef: {  	[tilespmem:s10], [sflag:$0x3] =	stream.linear.gather [hbm4b:s6+s20], $0x4E20, $0x38;
	[tilespmem:$0x1E780] =	vst v63  }
0x1f0: {  	s21 =	sadd.s32 s7, s4;
	s23 =	simm.s32 $0xEC40;
	s22 =	sshrl.u32 s8, $0x2  }
0x1f1: {  	[tilespmem:s23], [sflag:$0x4] =	stream.linear.gather [hbm4b:s21+s20], $0x4E20, $0x38;
	[tilespmem:$0x1E780] =	vst v63  }
0x1f2: {  	s25 =	simm.s32 $0x5;
	s24 =	sadd.s32 s22, s5  }
0x1f3: {  	[spmem:s24] =	stream.linear.scatter [tilespmem:s20], [sflag:$0x5], $0x5000, $0x38;
	[tilespmem:$0x1E780] =	vst v63  }
0x1f4: {  	s26 =	smul.u32 $0x1400, s0;
	_ =	swait.ge [sflag:s25], $0x5000  }
0x1f5: {  	[sflag:s25] =	ssyncset.done $0x0  }
0x1f6: {  	s7 =	sshrl.u32 s26, $0x2;
	[sflag:s25] =	ssyncadd.s32 $0xFFFFB000  }
0x1f7: {  	s28 =	simm.s32 $0x18880;
	s6 =	sadd.s32 s7, s5;
	[bflag:$0x0] =	sbarrier.arrive $0xFFFF  }
0x1f8: {  	[tilespmem:s28], [sflag:$0x1] =	stream.linear.gather [spmem:s6], $0x500, $0x38;
	[tilespmem:$0x1E780] =	vst v63  }
0x1f9: {  	s30 =	simm.s32 $0x18D80;
	s31 =	simm.s32 $0x1;
	s29 =	sadd.s32 $0x5000, s6  }
0x1fa: {  	[tilespmem:s30], [sflag:$0x2] =	stream.linear.gather [spmem:s29], $0x500, $0x38;
	[tilespmem:$0x1E780] =	vst v63  }
0x1fb: {  	_ =	swait.ge [sflag:s31], $0x500  }
0x1fc: {  	[sflag:s31] =	ssyncset.done $0x0  }
0x1fd: {  	s7 =	simm.s32 $0x19300;
	[sflag:s31] =	ssyncadd.s32 $0xFFFFFB00  }
0x1fe: {  	s8 =	simm.s32 $0x18900;
	v1 =	vld [tilespmem:s7+$0x70]  }
0x1ff: {  	v2 =	vld [tilespmem:s8+$0x70]  }
0x200: {  	v0 =	vld [tilespmem:s8+$0xFFFFFF80]  }
0x201: {  	v3 =	vld [tilespmem:s7+$0xFFFFFF90]  }
0x202: {  	v4 =	vld [tilespmem:s8+$0xFFFFFF90]  }
0x203: {  	v5 =	vld [tilespmem:s7+$0xFFFFFFA0]  }
0x204: {  	v6 =	vld [tilespmem:s8+$0xFFFFFFA0]  }
0x205: {  	v7 =	vld [tilespmem:s7+$0xFFFFFFB0]  }
0x206: {  	v8 =	vld [tilespmem:s8+$0xFFFFFFB0]  }
0x207: {  	v9 =	vld [tilespmem:s7+$0xFFFFFFC0]  }
0x208: {  	v10 =	vld [tilespmem:s8+$0xFFFFFFC0]  }
0x209: {  	v11 =	vld [tilespmem:s7+$0xFFFFFFD0]  }
0x20a: {  	v12 =	vld [tilespmem:s8+$0xFFFFFFD0]  }
0x20b: {  	v13 =	vld [tilespmem:s7+$0xFFFFFFE0]  }
0x20c: {  	v14 =	vld [tilespmem:s8+$0xFFFFFFE0]  }
0x20d: {  	v15 =	vld [tilespmem:s7+$0xFFFFFFF0]  }
0x20e: {  	v16 =	vld [tilespmem:s8+$0xFFFFFFF0]  }
0x20f: {  	v17 =	vld [tilespmem:s7+$0x0]  }
0x210: {  	v61 =	vld [tilespmem:s8+$0x30];
	v1 =	vadd.f32 v2, v1  }
0x211: {  	v2 =	vld [tilespmem:s8+$0x0];
	v3 =	vadd.f32 v4, v3  }
0x212: {  	v4 =	vld [tilespmem:s7+$0x10];
	[tilespmem:s7+$0x70] =	vst v1;
	v1 =	vadd.f32 v6, v5  }
0x213: {  	v5 =	vld [tilespmem:s8+$0x10];
	[tilespmem:s7+$0xFFFFFF90] =	vst v3;
	v3 =	vadd.f32 v8, v7  }
0x214: {  	v6 =	vld [tilespmem:s7+$0x20];
	[tilespmem:s7+$0xFFFFFFA0] =	vst v1;
	v1 =	vadd.f32 v10, v9  }
0x215: {  	v7 =	vld [tilespmem:s8+$0x20];
	[tilespmem:s7+$0xFFFFFFB0] =	vst v3;
	v3 =	vadd.f32 v12, v11  }
0x216: {  	v8 =	vld [tilespmem:s7+$0x30];
	v2 =	vadd.f32 v2, v17;
	[tilespmem:s7+$0xFFFFFFC0] =	vst v1  }
0x217: {  	v62 =	vld [tilespmem:s7+$0x40];
	v1 =	vadd.f32 v14, v13;
	[tilespmem:s7+$0xFFFFFFD0] =	vst v3  }
0x218: {  	v63 =	vld [tilespmem:s8+$0x40];
	v3 =	vadd.f32 v16, v15;
	[tilespmem:s7+$0x0] =	vst v2  }
0x219: {  	v4 =	vadd.f32 v5, v4;
	[tilespmem:s7+$0xFFFFFFE0] =	vst v1;
	v1 =	vld [tilespmem:s7+$0x50]  }
0x21a: {  	v5 =	vadd.f32 v7, v6;
	[tilespmem:s7+$0xFFFFFFF0] =	vst v3;
	v3 =	vld [tilespmem:s8+$0x50]  }
0x21b: {  	v6 =	vadd.f32 v61, v8;
	v2 =	vld [tilespmem:s7+$0x60];
	[tilespmem:s7+$0x10] =	vst v4  }
0x21c: {  	[tilespmem:s7+$0x20] =	vst v5;
	v5 =	vld [tilespmem:s8+$0x60]  }
0x21d: {  	s9 =	simm.s32 $0x0;
	s10 =	simm.s32 $0x19400;
	v4 =	vld [tilespmem:s7+$0xFFFFFF80];
	[tilespmem:s7+$0x30] =	vst v6;
	v6 =	vadd.f32 v63, v62  }
.LBB2_13:
0x21e: {  	v7 =	vld [tilespmem:s10+$0x70];
	s8 =	sadd.s32 $0x100, s8  }
0x21f: {  	s9 =	sadd.s32 $0x100, s9;
	v8 =	vld [tilespmem:s8+$0x70];
	[tilespmem:s7+$0x40] =	vst v6;
	v1 =	vadd.f32 v3, v1  }
0x220: {  	p0 =	slt.u32 s9, $0x400;
	v3 =	vld [tilespmem:s8+$0xFFFFFF80]  }
0x221: {  	v6 =	vld [tilespmem:s10+$0xFFFFFF90];
	[tilespmem:s7+$0x50] =	vst v1;
	v1 =	vadd.f32 v5, v2  }
0x222: {  	v2 =	vld [tilespmem:s8+$0xFFFFFF90];
	v9 =	vadd.f32 v0, v4  }
0x223: {  	v4 =	vld [tilespmem:s10+$0xFFFFFFA0];
	[tilespmem:s7+$0x60] =	vst v1  }
0x224: {  	v1 =	vld [tilespmem:s8+$0xFFFFFFA0];
	v5 =	vadd.f32 v8, v7;
	[tilespmem:s7+$0xFFFFFF80] =	vst v9;
	s7 =	smov.u32 s10  }
0x225: {  	v7 =	vld [tilespmem:s10+$0xFFFFFFB0];
	v0 =	vmov v3  }
0x226: {  	v3 =	vld [tilespmem:s8+$0xFFFFFFB0];
	[tilespmem:s10+$0x70] =	vst v5  }
0x227: {  	v2 =	vadd.f32 v2, v6;
	v5 =	vld [tilespmem:s10+$0xFFFFFFC0]  }
0x228: {  	v6 =	vld [tilespmem:s8+$0xFFFFFFC0]  }
0x229: {  	[tilespmem:s10+$0xFFFFFF90] =	vst v2;
	v1 =	vadd.f32 v1, v4;
	v2 =	vld [tilespmem:s10+$0xFFFFFFD0]  }
0x22a: {  	v4 =	vld [tilespmem:s8+$0xFFFFFFD0]  }
0x22b: {  	[tilespmem:s10+$0xFFFFFFA0] =	vst v1;
	v1 =	vadd.f32 v3, v7;
	v3 =	vld [tilespmem:s10+$0xFFFFFFE0]  }
0x22c: {  	v7 =	vld [tilespmem:s8+$0xFFFFFFE0]  }
0x22d: {  	[tilespmem:s10+$0xFFFFFFB0] =	vst v1;
	v1 =	vadd.f32 v6, v5;
	v5 =	vld [tilespmem:s10+$0xFFFFFFF0]  }
0x22e: {  	v6 =	vld [tilespmem:s8+$0xFFFFFFF0]  }
0x22f: {  	[tilespmem:s10+$0xFFFFFFC0] =	vst v1;
	v1 =	vadd.f32 v4, v2;
	v2 =	vld [tilespmem:s10+$0x0]  }
0x230: {  	v4 =	vld [tilespmem:s8+$0x0]  }
0x231: {  	[tilespmem:s10+$0xFFFFFFD0] =	vst v1;
	v1 =	vadd.f32 v7, v3;
	v3 =	vld [tilespmem:s10+$0x10]  }
0x232: {  	v7 =	vld [tilespmem:s8+$0x10]  }
0x233: {  	[tilespmem:s10+$0xFFFFFFE0] =	vst v1;
	v1 =	vadd.f32 v6, v5;
	v5 =	vld [tilespmem:s10+$0x20]  }
0x234: {  	v6 =	vld [tilespmem:s8+$0x20]  }
0x235: {  	[tilespmem:s10+$0xFFFFFFF0] =	vst v1;
	v1 =	vadd.f32 v4, v2;
	v2 =	vld [tilespmem:s10+$0x30]  }
0x236: {  	v4 =	vld [tilespmem:s8+$0x30]  }
0x237: {  	[tilespmem:s10+$0x0] =	vst v1;
	v1 =	vadd.f32 v7, v3;
	v7 =	vld [tilespmem:s10+$0x40]  }
0x238: {  	v8 =	vld [tilespmem:s8+$0x40]  }
.Ltmp6:
0x239: {  	[tilespmem:s10+$0x10] =	vst v1;
	v5 =	vadd.f32 v6, v5;
	v1 =	vld [tilespmem:s10+$0x50];
	(pc) =	sbr.rel @p0 .LBB2_13-.Ltmp6, $4  }
0x23a: {  	v3 =	vld [tilespmem:s8+$0x50]  }
0x23b: {  	[tilespmem:s10+$0x20] =	vst v5;
	v6 =	vadd.f32 v4, v2;
	v2 =	vld [tilespmem:s10+$0x60]  }
0x23c: {  	v5 =	vld [tilespmem:s8+$0x60]  }
0x23d: {  	s10 =	sadd.s32 $0x100, s10;
	v4 =	vld [tilespmem:s7+$0xFFFFFF80];
	[tilespmem:s7+$0x30] =	vst v6;
	v6 =	vadd.f32 v8, v7  }
0x23e: {  	_ =	sdelay $0x1  }
0x23f: {  	v1 =	vadd.f32 v3, v1  }
0x240: {  	[tilespmem:s7+$0x40] =	vst v6;
	v2 =	vadd.f32 v5, v2  }
0x241: {  	[tilespmem:s7+$0x50] =	vst v1;
	v0 =	vadd.f32 v0, v4  }
0x242: {  	[tilespmem:s7+$0x60] =	vst v2  }
0x243: {  	s30 =	sadd.s32 $0xA000, s6;
	s8 =	simm.s32 $0x18880;
	s31 =	simm.s32 $0x2;
	[tilespmem:s7+$0xFFFFFF80] =	vst v0  }
0x244: {  	[tilespmem:s8], [sflag:$0x1] =	stream.linear.gather [spmem:s30], $0x500, $0x38;
	[tilespmem:$0x1E780] =	vst v63  }
0x245: {  	_ =	swait.ge [sflag:s31], $0x500  }
0x246: {  	[sflag:s31] =	ssyncset.done $0x0  }
0x247: {  	s7 =	simm.s32 $0x19300;
	[sflag:s31] =	ssyncadd.s32 $0xFFFFFB00  }
0x248: {  	s8 =	simm.s32 $0x18E00;
	v1 =	vld [tilespmem:s7+$0x70]  }
0x249: {  	v2 =	vld [tilespmem:s8+$0x70]  }
0x24a: {  	v0 =	vld [tilespmem:s8+$0xFFFFFF80]  }
0x24b: {  	v3 =	vld [tilespmem:s7+$0xFFFFFF90]  }
0x24c: {  	v4 =	vld [tilespmem:s8+$0xFFFFFF90]  }
0x24d: {  	v5 =	vld [tilespmem:s7+$0xFFFFFFA0]  }
0x24e: {  	v6 =	vld [tilespmem:s8+$0xFFFFFFA0]  }
0x24f: {  	v7 =	vld [tilespmem:s7+$0xFFFFFFB0]  }
0x250: {  	v8 =	vld [tilespmem:s8+$0xFFFFFFB0]  }
0x251: {  	v9 =	vld [tilespmem:s7+$0xFFFFFFC0]  }
0x252: {  	v10 =	vld [tilespmem:s8+$0xFFFFFFC0]  }
0x253: {  	v11 =	vld [tilespmem:s7+$0xFFFFFFD0]  }
0x254: {  	v12 =	vld [tilespmem:s8+$0xFFFFFFD0]  }
0x255: {  	v13 =	vld [tilespmem:s7+$0xFFFFFFE0]  }
0x256: {  	v14 =	vld [tilespmem:s8+$0xFFFFFFE0]  }
0x257: {  	v15 =	vld [tilespmem:s7+$0xFFFFFFF0]  }
0x258: {  	v16 =	vld [tilespmem:s8+$0xFFFFFFF0]  }
0x259: {  	v17 =	vld [tilespmem:s7+$0x0]  }
0x25a: {  	v61 =	vld [tilespmem:s8+$0x30];
	v1 =	vadd.f32 v2, v1  }
0x25b: {  	v2 =	vld [tilespmem:s8+$0x0];
	v3 =	vadd.f32 v4, v3  }
0x25c: {  	v4 =	vld [tilespmem:s7+$0x10];
	[tilespmem:s7+$0x70] =	vst v1;
	v1 =	vadd.f32 v6, v5  }
0x25d: {  	v5 =	vld [tilespmem:s8+$0x10];
	[tilespmem:s7+$0xFFFFFF90] =	vst v3;
	v3 =	vadd.f32 v8, v7  }
0x25e: {  	v6 =	vld [tilespmem:s7+$0x20];
	[tilespmem:s7+$0xFFFFFFA0] =	vst v1;
	v1 =	vadd.f32 v10, v9  }
0x25f: {  	v7 =	vld [tilespmem:s8+$0x20];
	[tilespmem:s7+$0xFFFFFFB0] =	vst v3;
	v3 =	vadd.f32 v12, v11  }
0x260: {  	v8 =	vld [tilespmem:s7+$0x30];
	v2 =	vadd.f32 v2, v17;
	[tilespmem:s7+$0xFFFFFFC0] =	vst v1  }
0x261: {  	v62 =	vld [tilespmem:s7+$0x40];
	v1 =	vadd.f32 v14, v13;
	[tilespmem:s7+$0xFFFFFFD0] =	vst v3  }
0x262: {  	v63 =	vld [tilespmem:s8+$0x40];
	v3 =	vadd.f32 v16, v15;
	[tilespmem:s7+$0x0] =	vst v2  }
0x263: {  	v4 =	vadd.f32 v5, v4;
	[tilespmem:s7+$0xFFFFFFE0] =	vst v1;
	v1 =	vld [tilespmem:s7+$0x50]  }
0x264: {  	v5 =	vadd.f32 v7, v6;
	[tilespmem:s7+$0xFFFFFFF0] =	vst v3;
	v3 =	vld [tilespmem:s8+$0x50]  }
0x265: {  	v6 =	vadd.f32 v61, v8;
	v2 =	vld [tilespmem:s7+$0x60];
	[tilespmem:s7+$0x10] =	vst v4  }
0x266: {  	[tilespmem:s7+$0x20] =	vst v5;
	v5 =	vld [tilespmem:s8+$0x60]  }
0x267: {  	s9 =	simm.s32 $0x0;
	s10 =	simm.s32 $0x19400;
	v4 =	vld [tilespmem:s7+$0xFFFFFF80];
	[tilespmem:s7+$0x30] =	vst v6;
	v6 =	vadd.f32 v63, v62  }
.LBB2_15:
0x268: {  	v7 =	vld [tilespmem:s10+$0x70];
	s8 =	sadd.s32 $0x100, s8  }
0x269: {  	s9 =	sadd.s32 $0x100, s9;
	v8 =	vld [tilespmem:s8+$0x70];
	[tilespmem:s7+$0x40] =	vst v6;
	v1 =	vadd.f32 v3, v1  }
0x26a: {  	p0 =	slt.u32 s9, $0x400;
	v3 =	vld [tilespmem:s8+$0xFFFFFF80]  }
0x26b: {  	v6 =	vld [tilespmem:s10+$0xFFFFFF90];
	[tilespmem:s7+$0x50] =	vst v1;
	v1 =	vadd.f32 v5, v2  }
0x26c: {  	v2 =	vld [tilespmem:s8+$0xFFFFFF90];
	v9 =	vadd.f32 v0, v4  }
0x26d: {  	v4 =	vld [tilespmem:s10+$0xFFFFFFA0];
	[tilespmem:s7+$0x60] =	vst v1  }
0x26e: {  	v1 =	vld [tilespmem:s8+$0xFFFFFFA0];
	v5 =	vadd.f32 v8, v7;
	[tilespmem:s7+$0xFFFFFF80] =	vst v9;
	s7 =	smov.u32 s10  }
0x26f: {  	v7 =	vld [tilespmem:s10+$0xFFFFFFB0];
	v0 =	vmov v3  }
0x270: {  	v3 =	vld [tilespmem:s8+$0xFFFFFFB0];
	[tilespmem:s10+$0x70] =	vst v5  }
0x271: {  	v2 =	vadd.f32 v2, v6;
	v5 =	vld [tilespmem:s10+$0xFFFFFFC0]  }
0x272: {  	v6 =	vld [tilespmem:s8+$0xFFFFFFC0]  }
0x273: {  	[tilespmem:s10+$0xFFFFFF90] =	vst v2;
	v1 =	vadd.f32 v1, v4;
	v2 =	vld [tilespmem:s10+$0xFFFFFFD0]  }
0x274: {  	v4 =	vld [tilespmem:s8+$0xFFFFFFD0]  }
0x275: {  	[tilespmem:s10+$0xFFFFFFA0] =	vst v1;
	v1 =	vadd.f32 v3, v7;
	v3 =	vld [tilespmem:s10+$0xFFFFFFE0]  }
0x276: {  	v7 =	vld [tilespmem:s8+$0xFFFFFFE0]  }
0x277: {  	[tilespmem:s10+$0xFFFFFFB0] =	vst v1;
	v1 =	vadd.f32 v6, v5;
	v5 =	vld [tilespmem:s10+$0xFFFFFFF0]  }
0x278: {  	v6 =	vld [tilespmem:s8+$0xFFFFFFF0]  }
0x279: {  	[tilespmem:s10+$0xFFFFFFC0] =	vst v1;
	v1 =	vadd.f32 v4, v2;
	v2 =	vld [tilespmem:s10+$0x0]  }
0x27a: {  	v4 =	vld [tilespmem:s8+$0x0]  }
0x27b: {  	[tilespmem:s10+$0xFFFFFFD0] =	vst v1;
	v1 =	vadd.f32 v7, v3;
	v3 =	vld [tilespmem:s10+$0x10]  }
0x27c: {  	v7 =	vld [tilespmem:s8+$0x10]  }
0x27d: {  	[tilespmem:s10+$0xFFFFFFE0] =	vst v1;
	v1 =	vadd.f32 v6, v5;
	v5 =	vld [tilespmem:s10+$0x20]  }
0x27e: {  	v6 =	vld [tilespmem:s8+$0x20]  }
0x27f: {  	[tilespmem:s10+$0xFFFFFFF0] =	vst v1;
	v1 =	vadd.f32 v4, v2;
	v2 =	vld [tilespmem:s10+$0x30]  }
0x280: {  	v4 =	vld [tilespmem:s8+$0x30]  }
0x281: {  	[tilespmem:s10+$0x0] =	vst v1;
	v1 =	vadd.f32 v7, v3;
	v7 =	vld [tilespmem:s10+$0x40]  }
0x282: {  	v8 =	vld [tilespmem:s8+$0x40]  }
.Ltmp7:
0x283: {  	[tilespmem:s10+$0x10] =	vst v1;
	v5 =	vadd.f32 v6, v5;
	v1 =	vld [tilespmem:s10+$0x50];
	(pc) =	sbr.rel @p0 .LBB2_15-.Ltmp7, $4  }
0x284: {  	v3 =	vld [tilespmem:s8+$0x50]  }
0x285: {  	[tilespmem:s10+$0x20] =	vst v5;
	v6 =	vadd.f32 v4, v2;
	v2 =	vld [tilespmem:s10+$0x60]  }
0x286: {  	v5 =	vld [tilespmem:s8+$0x60]  }
0x287: {  	s10 =	sadd.s32 $0x100, s10;
	v4 =	vld [tilespmem:s7+$0xFFFFFF80];
	[tilespmem:s7+$0x30] =	vst v6;
	v6 =	vadd.f32 v8, v7  }
0x288: {  	_ =	sdelay $0x1  }
0x289: {  	v1 =	vadd.f32 v3, v1  }
0x28a: {  	[tilespmem:s7+$0x40] =	vst v6;
	v2 =	vadd.f32 v5, v2  }
0x28b: {  	[tilespmem:s7+$0x50] =	vst v1;
	v0 =	vadd.f32 v0, v4  }
0x28c: {  	[tilespmem:s7+$0x60] =	vst v2  }
0x28d: {  	s30 =	sadd.s32 $0xF000, s6;
	s8 =	simm.s32 $0x18D80;
	s31 =	simm.s32 $0x1;
	[tilespmem:s7+$0xFFFFFF80] =	vst v0  }
0x28e: {  	[tilespmem:s8], [sflag:$0x2] =	stream.linear.gather [spmem:s30], $0x500, $0x38;
	[tilespmem:$0x1E780] =	vst v63  }
0x28f: {  	_ =	swait.ge [sflag:s31], $0x500  }
0x290: {  	[sflag:s31] =	ssyncset.done $0x0  }
0x291: {  	s7 =	simm.s32 $0x19300;
	[sflag:s31] =	ssyncadd.s32 $0xFFFFFB00  }
0x292: {  	s8 =	simm.s32 $0x18900;
	v1 =	vld [tilespmem:s7+$0x70]  }
0x293: {  	v2 =	vld [tilespmem:s8+$0x70]  }
0x294: {  	v0 =	vld [tilespmem:s8+$0xFFFFFF80]  }
0x295: {  	v3 =	vld [tilespmem:s7+$0xFFFFFF90]  }
0x296: {  	v4 =	vld [tilespmem:s8+$0xFFFFFF90]  }
0x297: {  	v5 =	vld [tilespmem:s7+$0xFFFFFFA0]  }
0x298: {  	v6 =	vld [tilespmem:s8+$0xFFFFFFA0]  }
0x299: {  	v7 =	vld [tilespmem:s7+$0xFFFFFFB0]  }
0x29a: {  	v8 =	vld [tilespmem:s8+$0xFFFFFFB0]  }
0x29b: {  	v9 =	vld [tilespmem:s7+$0xFFFFFFC0]  }
0x29c: {  	v10 =	vld [tilespmem:s8+$0xFFFFFFC0]  }
0x29d: {  	v11 =	vld [tilespmem:s7+$0xFFFFFFD0]  }
0x29e: {  	v12 =	vld [tilespmem:s8+$0xFFFFFFD0]  }
0x29f: {  	v13 =	vld [tilespmem:s7+$0xFFFFFFE0]  }
0x2a0: {  	v14 =	vld [tilespmem:s8+$0xFFFFFFE0]  }
0x2a1: {  	v15 =	vld [tilespmem:s7+$0xFFFFFFF0]  }
0x2a2: {  	v16 =	vld [tilespmem:s8+$0xFFFFFFF0]  }
0x2a3: {  	v17 =	vld [tilespmem:s7+$0x0]  }
0x2a4: {  	v61 =	vld [tilespmem:s8+$0x30];
	v1 =	vadd.f32 v2, v1  }
0x2a5: {  	v2 =	vld [tilespmem:s8+$0x0];
	v3 =	vadd.f32 v4, v3  }
0x2a6: {  	v4 =	vld [tilespmem:s7+$0x10];
	[tilespmem:s7+$0x70] =	vst v1;
	v1 =	vadd.f32 v6, v5  }
0x2a7: {  	v5 =	vld [tilespmem:s8+$0x10];
	[tilespmem:s7+$0xFFFFFF90] =	vst v3;
	v3 =	vadd.f32 v8, v7  }
0x2a8: {  	v6 =	vld [tilespmem:s7+$0x20];
	[tilespmem:s7+$0xFFFFFFA0] =	vst v1;
	v1 =	vadd.f32 v10, v9  }
0x2a9: {  	v7 =	vld [tilespmem:s8+$0x20];
	[tilespmem:s7+$0xFFFFFFB0] =	vst v3;
	v3 =	vadd.f32 v12, v11  }
0x2aa: {  	v8 =	vld [tilespmem:s7+$0x30];
	v2 =	vadd.f32 v2, v17;
	[tilespmem:s7+$0xFFFFFFC0] =	vst v1  }
0x2ab: {  	v62 =	vld [tilespmem:s7+$0x40];
	v1 =	vadd.f32 v14, v13;
	[tilespmem:s7+$0xFFFFFFD0] =	vst v3  }
0x2ac: {  	v63 =	vld [tilespmem:s8+$0x40];
	v3 =	vadd.f32 v16, v15;
	[tilespmem:s7+$0x0] =	vst v2  }
0x2ad: {  	v4 =	vadd.f32 v5, v4;
	[tilespmem:s7+$0xFFFFFFE0] =	vst v1;
	v1 =	vld [tilespmem:s7+$0x50]  }
0x2ae: {  	v5 =	vadd.f32 v7, v6;
	[tilespmem:s7+$0xFFFFFFF0] =	vst v3;
	v3 =	vld [tilespmem:s8+$0x50]  }
0x2af: {  	v6 =	vadd.f32 v61, v8;
	v2 =	vld [tilespmem:s7+$0x60];
	[tilespmem:s7+$0x10] =	vst v4  }
0x2b0: {  	[tilespmem:s7+$0x20] =	vst v5;
	v5 =	vld [tilespmem:s8+$0x60]  }
0x2b1: {  	s9 =	simm.s32 $0x0;
	s10 =	simm.s32 $0x19400;
	v4 =	vld [tilespmem:s7+$0xFFFFFF80];
	[tilespmem:s7+$0x30] =	vst v6;
	v6 =	vadd.f32 v63, v62  }
.LBB2_17:
0x2b2: {  	v7 =	vld [tilespmem:s10+$0x70];
	s8 =	sadd.s32 $0x100, s8  }
0x2b3: {  	s9 =	sadd.s32 $0x100, s9;
	v8 =	vld [tilespmem:s8+$0x70];
	[tilespmem:s7+$0x40] =	vst v6;
	v1 =	vadd.f32 v3, v1  }
0x2b4: {  	p0 =	slt.u32 s9, $0x400;
	v3 =	vld [tilespmem:s8+$0xFFFFFF80]  }
0x2b5: {  	v6 =	vld [tilespmem:s10+$0xFFFFFF90];
	[tilespmem:s7+$0x50] =	vst v1;
	v1 =	vadd.f32 v5, v2  }
0x2b6: {  	v2 =	vld [tilespmem:s8+$0xFFFFFF90];
	v9 =	vadd.f32 v0, v4  }
0x2b7: {  	v4 =	vld [tilespmem:s10+$0xFFFFFFA0];
	[tilespmem:s7+$0x60] =	vst v1  }
0x2b8: {  	v1 =	vld [tilespmem:s8+$0xFFFFFFA0];
	v5 =	vadd.f32 v8, v7;
	[tilespmem:s7+$0xFFFFFF80] =	vst v9;
	s7 =	smov.u32 s10  }
0x2b9: {  	v7 =	vld [tilespmem:s10+$0xFFFFFFB0];
	v0 =	vmov v3  }
0x2ba: {  	v3 =	vld [tilespmem:s8+$0xFFFFFFB0];
	[tilespmem:s10+$0x70] =	vst v5  }
0x2bb: {  	v2 =	vadd.f32 v2, v6;
	v5 =	vld [tilespmem:s10+$0xFFFFFFC0]  }
0x2bc: {  	v6 =	vld [tilespmem:s8+$0xFFFFFFC0]  }
0x2bd: {  	[tilespmem:s10+$0xFFFFFF90] =	vst v2;
	v1 =	vadd.f32 v1, v4;
	v2 =	vld [tilespmem:s10+$0xFFFFFFD0]  }
0x2be: {  	v4 =	vld [tilespmem:s8+$0xFFFFFFD0]  }
0x2bf: {  	[tilespmem:s10+$0xFFFFFFA0] =	vst v1;
	v1 =	vadd.f32 v3, v7;
	v3 =	vld [tilespmem:s10+$0xFFFFFFE0]  }
0x2c0: {  	v7 =	vld [tilespmem:s8+$0xFFFFFFE0]  }
0x2c1: {  	[tilespmem:s10+$0xFFFFFFB0] =	vst v1;
	v1 =	vadd.f32 v6, v5;
	v5 =	vld [tilespmem:s10+$0xFFFFFFF0]  }
0x2c2: {  	v6 =	vld [tilespmem:s8+$0xFFFFFFF0]  }
0x2c3: {  	[tilespmem:s10+$0xFFFFFFC0] =	vst v1;
	v1 =	vadd.f32 v4, v2;
	v2 =	vld [tilespmem:s10+$0x0]  }
0x2c4: {  	v4 =	vld [tilespmem:s8+$0x0]  }
0x2c5: {  	[tilespmem:s10+$0xFFFFFFD0] =	vst v1;
	v1 =	vadd.f32 v7, v3;
	v3 =	vld [tilespmem:s10+$0x10]  }
0x2c6: {  	v7 =	vld [tilespmem:s8+$0x10]  }
0x2c7: {  	[tilespmem:s10+$0xFFFFFFE0] =	vst v1;
	v1 =	vadd.f32 v6, v5;
	v5 =	vld [tilespmem:s10+$0x20]  }
0x2c8: {  	v6 =	vld [tilespmem:s8+$0x20]  }
0x2c9: {  	[tilespmem:s10+$0xFFFFFFF0] =	vst v1;
	v1 =	vadd.f32 v4, v2;
	v2 =	vld [tilespmem:s10+$0x30]  }
0x2ca: {  	v4 =	vld [tilespmem:s8+$0x30]  }
0x2cb: {  	[tilespmem:s10+$0x0] =	vst v1;
	v1 =	vadd.f32 v7, v3;
	v7 =	vld [tilespmem:s10+$0x40]  }
0x2cc: {  	v8 =	vld [tilespmem:s8+$0x40]  }
.Ltmp8:
0x2cd: {  	[tilespmem:s10+$0x10] =	vst v1;
	v5 =	vadd.f32 v6, v5;
	v1 =	vld [tilespmem:s10+$0x50];
	(pc) =	sbr.rel @p0 .LBB2_17-.Ltmp8, $4  }
0x2ce: {  	v3 =	vld [tilespmem:s8+$0x50]  }
0x2cf: {  	[tilespmem:s10+$0x20] =	vst v5;
	v6 =	vadd.f32 v4, v2;
	v2 =	vld [tilespmem:s10+$0x60]  }
0x2d0: {  	v5 =	vld [tilespmem:s8+$0x60]  }
0x2d1: {  	s10 =	sadd.s32 $0x100, s10;
	v4 =	vld [tilespmem:s7+$0xFFFFFF80];
	[tilespmem:s7+$0x30] =	vst v6;
	v6 =	vadd.f32 v8, v7  }
0x2d2: {  	_ =	sdelay $0x1  }
0x2d3: {  	v1 =	vadd.f32 v3, v1  }
0x2d4: {  	[tilespmem:s7+$0x40] =	vst v6;
	v2 =	vadd.f32 v5, v2  }
0x2d5: {  	[tilespmem:s7+$0x50] =	vst v1;
	v0 =	vadd.f32 v0, v4  }
0x2d6: {  	[tilespmem:s7+$0x60] =	vst v2  }
0x2d7: {  	s30 =	sadd.s32 $0x14000, s6;
	s8 =	simm.s32 $0x18880;
	s31 =	simm.s32 $0x2;
	[tilespmem:s7+$0xFFFFFF80] =	vst v0  }
0x2d8: {  	[tilespmem:s8], [sflag:$0x1] =	stream.linear.gather [spmem:s30], $0x500, $0x38;
	[tilespmem:$0x1E780] =	vst v63  }
0x2d9: {  	_ =	swait.ge [sflag:s31], $0x500  }
0x2da: {  	[sflag:s31] =	ssyncset.done $0x0  }
0x2db: {  	s7 =	simm.s32 $0x19300;
	[sflag:s31] =	ssyncadd.s32 $0xFFFFFB00  }
0x2dc: {  	s8 =	simm.s32 $0x18E00;
	v1 =	vld [tilespmem:s7+$0x70]  }
0x2dd: {  	v2 =	vld [tilespmem:s8+$0x70]  }
0x2de: {  	v0 =	vld [tilespmem:s8+$0xFFFFFF80]  }
0x2df: {  	v3 =	vld [tilespmem:s7+$0xFFFFFF90]  }
0x2e0: {  	v4 =	vld [tilespmem:s8+$0xFFFFFF90]  }
0x2e1: {  	v5 =	vld [tilespmem:s7+$0xFFFFFFA0]  }
0x2e2: {  	v6 =	vld [tilespmem:s8+$0xFFFFFFA0]  }
0x2e3: {  	v7 =	vld [tilespmem:s7+$0xFFFFFFB0]  }
0x2e4: {  	v8 =	vld [tilespmem:s8+$0xFFFFFFB0]  }
0x2e5: {  	v9 =	vld [tilespmem:s7+$0xFFFFFFC0]  }
0x2e6: {  	v10 =	vld [tilespmem:s8+$0xFFFFFFC0]  }
0x2e7: {  	v11 =	vld [tilespmem:s7+$0xFFFFFFD0]  }
0x2e8: {  	v12 =	vld [tilespmem:s8+$0xFFFFFFD0]  }
0x2e9: {  	v13 =	vld [tilespmem:s7+$0xFFFFFFE0]  }
0x2ea: {  	v14 =	vld [tilespmem:s8+$0xFFFFFFE0]  }
0x2eb: {  	v15 =	vld [tilespmem:s7+$0xFFFFFFF0]  }
0x2ec: {  	v16 =	vld [tilespmem:s8+$0xFFFFFFF0]  }
0x2ed: {  	v17 =	vld [tilespmem:s7+$0x0]  }
0x2ee: {  	v61 =	vld [tilespmem:s8+$0x30];
	v1 =	vadd.f32 v2, v1  }
0x2ef: {  	v2 =	vld [tilespmem:s8+$0x0];
	v3 =	vadd.f32 v4, v3  }
0x2f0: {  	v4 =	vld [tilespmem:s7+$0x10];
	[tilespmem:s7+$0x70] =	vst v1;
	v1 =	vadd.f32 v6, v5  }
0x2f1: {  	v5 =	vld [tilespmem:s8+$0x10];
	[tilespmem:s7+$0xFFFFFF90] =	vst v3;
	v3 =	vadd.f32 v8, v7  }
0x2f2: {  	v6 =	vld [tilespmem:s7+$0x20];
	[tilespmem:s7+$0xFFFFFFA0] =	vst v1;
	v1 =	vadd.f32 v10, v9  }
0x2f3: {  	v7 =	vld [tilespmem:s8+$0x20];
	[tilespmem:s7+$0xFFFFFFB0] =	vst v3;
	v3 =	vadd.f32 v12, v11  }
0x2f4: {  	v8 =	vld [tilespmem:s7+$0x30];
	v2 =	vadd.f32 v2, v17;
	[tilespmem:s7+$0xFFFFFFC0] =	vst v1  }
0x2f5: {  	v62 =	vld [tilespmem:s7+$0x40];
	v1 =	vadd.f32 v14, v13;
	[tilespmem:s7+$0xFFFFFFD0] =	vst v3  }
0x2f6: {  	v63 =	vld [tilespmem:s8+$0x40];
	v3 =	vadd.f32 v16, v15;
	[tilespmem:s7+$0x0] =	vst v2  }
0x2f7: {  	v4 =	vadd.f32 v5, v4;
	[tilespmem:s7+$0xFFFFFFE0] =	vst v1;
	v1 =	vld [tilespmem:s7+$0x50]  }
0x2f8: {  	v5 =	vadd.f32 v7, v6;
	[tilespmem:s7+$0xFFFFFFF0] =	vst v3;
	v3 =	vld [tilespmem:s8+$0x50]  }
0x2f9: {  	v6 =	vadd.f32 v61, v8;
	v2 =	vld [tilespmem:s7+$0x60];
	[tilespmem:s7+$0x10] =	vst v4  }
0x2fa: {  	[tilespmem:s7+$0x20] =	vst v5;
	v5 =	vld [tilespmem:s8+$0x60]  }
0x2fb: {  	s9 =	simm.s32 $0x0;
	s10 =	simm.s32 $0x19400;
	v4 =	vld [tilespmem:s7+$0xFFFFFF80];
	[tilespmem:s7+$0x30] =	vst v6;
	v6 =	vadd.f32 v63, v62  }
.LBB2_19:
0x2fc: {  	v7 =	vld [tilespmem:s10+$0x70];
	s8 =	sadd.s32 $0x100, s8  }
0x2fd: {  	s9 =	sadd.s32 $0x100, s9;
	v8 =	vld [tilespmem:s8+$0x70];
	[tilespmem:s7+$0x40] =	vst v6;
	v1 =	vadd.f32 v3, v1  }
0x2fe: {  	p0 =	slt.u32 s9, $0x400;
	v3 =	vld [tilespmem:s8+$0xFFFFFF80]  }
0x2ff: {  	v6 =	vld [tilespmem:s10+$0xFFFFFF90];
	[tilespmem:s7+$0x50] =	vst v1;
	v1 =	vadd.f32 v5, v2  }
0x300: {  	v2 =	vld [tilespmem:s8+$0xFFFFFF90];
	v9 =	vadd.f32 v0, v4  }
0x301: {  	v4 =	vld [tilespmem:s10+$0xFFFFFFA0];
	[tilespmem:s7+$0x60] =	vst v1  }
0x302: {  	v1 =	vld [tilespmem:s8+$0xFFFFFFA0];
	v5 =	vadd.f32 v8, v7;
	[tilespmem:s7+$0xFFFFFF80] =	vst v9;
	s7 =	smov.u32 s10  }
0x303: {  	v7 =	vld [tilespmem:s10+$0xFFFFFFB0];
	v0 =	vmov v3  }
0x304: {  	v3 =	vld [tilespmem:s8+$0xFFFFFFB0];
	[tilespmem:s10+$0x70] =	vst v5  }
0x305: {  	v2 =	vadd.f32 v2, v6;
	v5 =	vld [tilespmem:s10+$0xFFFFFFC0]  }
0x306: {  	v6 =	vld [tilespmem:s8+$0xFFFFFFC0]  }
0x307: {  	[tilespmem:s10+$0xFFFFFF90] =	vst v2;
	v1 =	vadd.f32 v1, v4;
	v2 =	vld [tilespmem:s10+$0xFFFFFFD0]  }
0x308: {  	v4 =	vld [tilespmem:s8+$0xFFFFFFD0]  }
0x309: {  	[tilespmem:s10+$0xFFFFFFA0] =	vst v1;
	v1 =	vadd.f32 v3, v7;
	v3 =	vld [tilespmem:s10+$0xFFFFFFE0]  }
0x30a: {  	v7 =	vld [tilespmem:s8+$0xFFFFFFE0]  }
0x30b: {  	[tilespmem:s10+$0xFFFFFFB0] =	vst v1;
	v1 =	vadd.f32 v6, v5;
	v5 =	vld [tilespmem:s10+$0xFFFFFFF0]  }
0x30c: {  	v6 =	vld [tilespmem:s8+$0xFFFFFFF0]  }
0x30d: {  	[tilespmem:s10+$0xFFFFFFC0] =	vst v1;
	v1 =	vadd.f32 v4, v2;
	v2 =	vld [tilespmem:s10+$0x0]  }
0x30e: {  	v4 =	vld [tilespmem:s8+$0x0]  }
0x30f: {  	[tilespmem:s10+$0xFFFFFFD0] =	vst v1;
	v1 =	vadd.f32 v7, v3;
	v3 =	vld [tilespmem:s10+$0x10]  }
0x310: {  	v7 =	vld [tilespmem:s8+$0x10]  }
0x311: {  	[tilespmem:s10+$0xFFFFFFE0] =	vst v1;
	v1 =	vadd.f32 v6, v5;
	v5 =	vld [tilespmem:s10+$0x20]  }
0x312: {  	v6 =	vld [tilespmem:s8+$0x20]  }
0x313: {  	[tilespmem:s10+$0xFFFFFFF0] =	vst v1;
	v1 =	vadd.f32 v4, v2;
	v2 =	vld [tilespmem:s10+$0x30]  }
0x314: {  	v4 =	vld [tilespmem:s8+$0x30]  }
0x315: {  	[tilespmem:s10+$0x0] =	vst v1;
	v1 =	vadd.f32 v7, v3;
	v7 =	vld [tilespmem:s10+$0x40]  }
0x316: {  	v8 =	vld [tilespmem:s8+$0x40]  }
.Ltmp9:
0x317: {  	[tilespmem:s10+$0x10] =	vst v1;
	v5 =	vadd.f32 v6, v5;
	v1 =	vld [tilespmem:s10+$0x50];
	(pc) =	sbr.rel @p0 .LBB2_19-.Ltmp9, $4  }
0x318: {  	v3 =	vld [tilespmem:s8+$0x50]  }
0x319: {  	[tilespmem:s10+$0x20] =	vst v5;
	v6 =	vadd.f32 v4, v2;
	v2 =	vld [tilespmem:s10+$0x60]  }
0x31a: {  	v5 =	vld [tilespmem:s8+$0x60]  }
0x31b: {  	s10 =	sadd.s32 $0x100, s10;
	v4 =	vld [tilespmem:s7+$0xFFFFFF80];
	[tilespmem:s7+$0x30] =	vst v6;
	v6 =	vadd.f32 v8, v7  }
0x31c: {  	_ =	sdelay $0x1  }
0x31d: {  	v1 =	vadd.f32 v3, v1  }
0x31e: {  	[tilespmem:s7+$0x40] =	vst v6;
	v2 =	vadd.f32 v5, v2  }
0x31f: {  	[tilespmem:s7+$0x50] =	vst v1;
	v0 =	vadd.f32 v0, v4  }
0x320: {  	[tilespmem:s7+$0x60] =	vst v2  }
0x321: {  	s30 =	sadd.s32 $0x19000, s6;
	s8 =	simm.s32 $0x18D80;
	s31 =	simm.s32 $0x1;
	[tilespmem:s7+$0xFFFFFF80] =	vst v0  }
0x322: {  	[tilespmem:s8], [sflag:$0x2] =	stream.linear.gather [spmem:s30], $0x500, $0x38;
	[tilespmem:$0x1E780] =	vst v63  }
0x323: {  	_ =	swait.ge [sflag:s31], $0x500  }
0x324: {  	[sflag:s31] =	ssyncset.done $0x0  }
0x325: {  	s7 =	simm.s32 $0x19300;
	[sflag:s31] =	ssyncadd.s32 $0xFFFFFB00  }
0x326: {  	s8 =	simm.s32 $0x18900;
	v1 =	vld [tilespmem:s7+$0x70]  }
0x327: {  	v2 =	vld [tilespmem:s8+$0x70]  }
0x328: {  	v0 =	vld [tilespmem:s8+$0xFFFFFF80]  }
0x329: {  	v3 =	vld [tilespmem:s7+$0xFFFFFF90]  }
0x32a: {  	v4 =	vld [tilespmem:s8+$0xFFFFFF90]  }
0x32b: {  	v5 =	vld [tilespmem:s7+$0xFFFFFFA0]  }
0x32c: {  	v6 =	vld [tilespmem:s8+$0xFFFFFFA0]  }
0x32d: {  	v7 =	vld [tilespmem:s7+$0xFFFFFFB0]  }
0x32e: {  	v8 =	vld [tilespmem:s8+$0xFFFFFFB0]  }
0x32f: {  	v9 =	vld [tilespmem:s7+$0xFFFFFFC0]  }
0x330: {  	v10 =	vld [tilespmem:s8+$0xFFFFFFC0]  }
0x331: {  	v11 =	vld [tilespmem:s7+$0xFFFFFFD0]  }
0x332: {  	v12 =	vld [tilespmem:s8+$0xFFFFFFD0]  }
0x333: {  	v13 =	vld [tilespmem:s7+$0xFFFFFFE0]  }
0x334: {  	v14 =	vld [tilespmem:s8+$0xFFFFFFE0]  }
0x335: {  	v15 =	vld [tilespmem:s7+$0xFFFFFFF0]  }
0x336: {  	v16 =	vld [tilespmem:s8+$0xFFFFFFF0]  }
0x337: {  	v17 =	vld [tilespmem:s7+$0x0]  }
0x338: {  	v61 =	vld [tilespmem:s8+$0x30];
	v1 =	vadd.f32 v2, v1  }
0x339: {  	v2 =	vld [tilespmem:s8+$0x0];
	v3 =	vadd.f32 v4, v3  }
0x33a: {  	v4 =	vld [tilespmem:s7+$0x10];
	[tilespmem:s7+$0x70] =	vst v1;
	v1 =	vadd.f32 v6, v5  }
0x33b: {  	v5 =	vld [tilespmem:s8+$0x10];
	[tilespmem:s7+$0xFFFFFF90] =	vst v3;
	v3 =	vadd.f32 v8, v7  }
0x33c: {  	v6 =	vld [tilespmem:s7+$0x20];
	[tilespmem:s7+$0xFFFFFFA0] =	vst v1;
	v1 =	vadd.f32 v10, v9  }
0x33d: {  	v7 =	vld [tilespmem:s8+$0x20];
	[tilespmem:s7+$0xFFFFFFB0] =	vst v3;
	v3 =	vadd.f32 v12, v11  }
0x33e: {  	v8 =	vld [tilespmem:s7+$0x30];
	v2 =	vadd.f32 v2, v17;
	[tilespmem:s7+$0xFFFFFFC0] =	vst v1  }
0x33f: {  	v62 =	vld [tilespmem:s7+$0x40];
	v1 =	vadd.f32 v14, v13;
	[tilespmem:s7+$0xFFFFFFD0] =	vst v3  }
0x340: {  	v63 =	vld [tilespmem:s8+$0x40];
	v3 =	vadd.f32 v16, v15;
	[tilespmem:s7+$0x0] =	vst v2  }
0x341: {  	v4 =	vadd.f32 v5, v4;
	[tilespmem:s7+$0xFFFFFFE0] =	vst v1;
	v1 =	vld [tilespmem:s7+$0x50]  }
0x342: {  	v5 =	vadd.f32 v7, v6;
	[tilespmem:s7+$0xFFFFFFF0] =	vst v3;
	v3 =	vld [tilespmem:s8+$0x50]  }
0x343: {  	v6 =	vadd.f32 v61, v8;
	v2 =	vld [tilespmem:s7+$0x60];
	[tilespmem:s7+$0x10] =	vst v4  }
0x344: {  	[tilespmem:s7+$0x20] =	vst v5;
	v5 =	vld [tilespmem:s8+$0x60]  }
0x345: {  	s9 =	simm.s32 $0x0;
	s10 =	simm.s32 $0x19400;
	v4 =	vld [tilespmem:s7+$0xFFFFFF80];
	[tilespmem:s7+$0x30] =	vst v6;
	v6 =	vadd.f32 v63, v62  }
.LBB2_21:
0x346: {  	v7 =	vld [tilespmem:s10+$0x70];
	s8 =	sadd.s32 $0x100, s8  }
0x347: {  	s9 =	sadd.s32 $0x100, s9;
	v8 =	vld [tilespmem:s8+$0x70];
	[tilespmem:s7+$0x40] =	vst v6;
	v1 =	vadd.f32 v3, v1  }
0x348: {  	p0 =	slt.u32 s9, $0x400;
	v3 =	vld [tilespmem:s8+$0xFFFFFF80]  }
0x349: {  	v6 =	vld [tilespmem:s10+$0xFFFFFF90];
	[tilespmem:s7+$0x50] =	vst v1;
	v1 =	vadd.f32 v5, v2  }
0x34a: {  	v2 =	vld [tilespmem:s8+$0xFFFFFF90];
	v9 =	vadd.f32 v0, v4  }
0x34b: {  	v4 =	vld [tilespmem:s10+$0xFFFFFFA0];
	[tilespmem:s7+$0x60] =	vst v1  }
0x34c: {  	v1 =	vld [tilespmem:s8+$0xFFFFFFA0];
	v5 =	vadd.f32 v8, v7;
	[tilespmem:s7+$0xFFFFFF80] =	vst v9;
	s7 =	smov.u32 s10  }
0x34d: {  	v7 =	vld [tilespmem:s10+$0xFFFFFFB0];
	v0 =	vmov v3  }
0x34e: {  	v3 =	vld [tilespmem:s8+$0xFFFFFFB0];
	[tilespmem:s10+$0x70] =	vst v5  }
0x34f: {  	v2 =	vadd.f32 v2, v6;
	v5 =	vld [tilespmem:s10+$0xFFFFFFC0]  }
0x350: {  	v6 =	vld [tilespmem:s8+$0xFFFFFFC0]  }
0x351: {  	[tilespmem:s10+$0xFFFFFF90] =	vst v2;
	v1 =	vadd.f32 v1, v4;
	v2 =	vld [tilespmem:s10+$0xFFFFFFD0]  }
0x352: {  	v4 =	vld [tilespmem:s8+$0xFFFFFFD0]  }
0x353: {  	[tilespmem:s10+$0xFFFFFFA0] =	vst v1;
	v1 =	vadd.f32 v3, v7;
	v3 =	vld [tilespmem:s10+$0xFFFFFFE0]  }
0x354: {  	v7 =	vld [tilespmem:s8+$0xFFFFFFE0]  }
0x355: {  	[tilespmem:s10+$0xFFFFFFB0] =	vst v1;
	v1 =	vadd.f32 v6, v5;
	v5 =	vld [tilespmem:s10+$0xFFFFFFF0]  }
0x356: {  	v6 =	vld [tilespmem:s8+$0xFFFFFFF0]  }
0x357: {  	[tilespmem:s10+$0xFFFFFFC0] =	vst v1;
	v1 =	vadd.f32 v4, v2;
	v2 =	vld [tilespmem:s10+$0x0]  }
0x358: {  	v4 =	vld [tilespmem:s8+$0x0]  }
0x359: {  	[tilespmem:s10+$0xFFFFFFD0] =	vst v1;
	v1 =	vadd.f32 v7, v3;
	v3 =	vld [tilespmem:s10+$0x10]  }
0x35a: {  	v7 =	vld [tilespmem:s8+$0x10]  }
0x35b: {  	[tilespmem:s10+$0xFFFFFFE0] =	vst v1;
	v1 =	vadd.f32 v6, v5;
	v5 =	vld [tilespmem:s10+$0x20]  }
0x35c: {  	v6 =	vld [tilespmem:s8+$0x20]  }
0x35d: {  	[tilespmem:s10+$0xFFFFFFF0] =	vst v1;
	v1 =	vadd.f32 v4, v2;
	v2 =	vld [tilespmem:s10+$0x30]  }
0x35e: {  	v4 =	vld [tilespmem:s8+$0x30]  }
0x35f: {  	[tilespmem:s10+$0x0] =	vst v1;
	v1 =	vadd.f32 v7, v3;
	v7 =	vld [tilespmem:s10+$0x40]  }
0x360: {  	v8 =	vld [tilespmem:s8+$0x40]  }
.Ltmp10:
0x361: {  	[tilespmem:s10+$0x10] =	vst v1;
	v5 =	vadd.f32 v6, v5;
	v1 =	vld [tilespmem:s10+$0x50];
	(pc) =	sbr.rel @p0 .LBB2_21-.Ltmp10, $4  }
0x362: {  	v3 =	vld [tilespmem:s8+$0x50]  }
0x363: {  	[tilespmem:s10+$0x20] =	vst v5;
	v6 =	vadd.f32 v4, v2;
	v2 =	vld [tilespmem:s10+$0x60]  }
0x364: {  	v5 =	vld [tilespmem:s8+$0x60]  }
0x365: {  	s10 =	sadd.s32 $0x100, s10;
	v4 =	vld [tilespmem:s7+$0xFFFFFF80];
	[tilespmem:s7+$0x30] =	vst v6;
	v6 =	vadd.f32 v8, v7  }
0x366: {  	_ =	sdelay $0x1  }
0x367: {  	v1 =	vadd.f32 v3, v1  }
0x368: {  	[tilespmem:s7+$0x40] =	vst v6;
	v2 =	vadd.f32 v5, v2  }
0x369: {  	[tilespmem:s7+$0x50] =	vst v1;
	v0 =	vadd.f32 v0, v4  }
0x36a: {  	[tilespmem:s7+$0x60] =	vst v2  }
0x36b: {  	s30 =	sadd.s32 $0x1E000, s6;
	s8 =	simm.s32 $0x18880;
	s31 =	simm.s32 $0x2;
	[tilespmem:s7+$0xFFFFFF80] =	vst v0  }
0x36c: {  	[tilespmem:s8], [sflag:$0x1] =	stream.linear.gather [spmem:s30], $0x500, $0x38;
	[tilespmem:$0x1E780] =	vst v63  }
0x36d: {  	_ =	swait.ge [sflag:s31], $0x500  }
0x36e: {  	[sflag:s31] =	ssyncset.done $0x0  }
0x36f: {  	s7 =	simm.s32 $0x19300;
	[sflag:s31] =	ssyncadd.s32 $0xFFFFFB00  }
0x370: {  	s8 =	simm.s32 $0x18E00;
	v1 =	vld [tilespmem:s7+$0x70]  }
0x371: {  	v2 =	vld [tilespmem:s8+$0x70]  }
0x372: {  	v0 =	vld [tilespmem:s8+$0xFFFFFF80]  }
0x373: {  	v3 =	vld [tilespmem:s7+$0xFFFFFF90]  }
0x374: {  	v4 =	vld [tilespmem:s8+$0xFFFFFF90]  }
0x375: {  	v5 =	vld [tilespmem:s7+$0xFFFFFFA0]  }
0x376: {  	v6 =	vld [tilespmem:s8+$0xFFFFFFA0]  }
0x377: {  	v7 =	vld [tilespmem:s7+$0xFFFFFFB0]  }
0x378: {  	v8 =	vld [tilespmem:s8+$0xFFFFFFB0]  }
0x379: {  	v9 =	vld [tilespmem:s7+$0xFFFFFFC0]  }
0x37a: {  	v10 =	vld [tilespmem:s8+$0xFFFFFFC0]  }
0x37b: {  	v11 =	vld [tilespmem:s7+$0xFFFFFFD0]  }
0x37c: {  	v12 =	vld [tilespmem:s8+$0xFFFFFFD0]  }
0x37d: {  	v13 =	vld [tilespmem:s7+$0xFFFFFFE0]  }
0x37e: {  	v14 =	vld [tilespmem:s8+$0xFFFFFFE0]  }
0x37f: {  	v15 =	vld [tilespmem:s7+$0xFFFFFFF0]  }
0x380: {  	v16 =	vld [tilespmem:s8+$0xFFFFFFF0]  }
0x381: {  	v17 =	vld [tilespmem:s7+$0x0]  }
0x382: {  	v61 =	vld [tilespmem:s8+$0x30];
	v1 =	vadd.f32 v2, v1  }
0x383: {  	v2 =	vld [tilespmem:s8+$0x0];
	v3 =	vadd.f32 v4, v3  }
0x384: {  	v4 =	vld [tilespmem:s7+$0x10];
	[tilespmem:s7+$0x70] =	vst v1;
	v1 =	vadd.f32 v6, v5  }
0x385: {  	v5 =	vld [tilespmem:s8+$0x10];
	[tilespmem:s7+$0xFFFFFF90] =	vst v3;
	v3 =	vadd.f32 v8, v7  }
0x386: {  	v6 =	vld [tilespmem:s7+$0x20];
	[tilespmem:s7+$0xFFFFFFA0] =	vst v1;
	v1 =	vadd.f32 v10, v9  }
0x387: {  	v7 =	vld [tilespmem:s8+$0x20];
	[tilespmem:s7+$0xFFFFFFB0] =	vst v3;
	v3 =	vadd.f32 v12, v11  }
0x388: {  	v8 =	vld [tilespmem:s7+$0x30];
	v2 =	vadd.f32 v2, v17;
	[tilespmem:s7+$0xFFFFFFC0] =	vst v1  }
0x389: {  	v62 =	vld [tilespmem:s7+$0x40];
	v1 =	vadd.f32 v14, v13;
	[tilespmem:s7+$0xFFFFFFD0] =	vst v3  }
0x38a: {  	v63 =	vld [tilespmem:s8+$0x40];
	v3 =	vadd.f32 v16, v15;
	[tilespmem:s7+$0x0] =	vst v2  }
0x38b: {  	v4 =	vadd.f32 v5, v4;
	[tilespmem:s7+$0xFFFFFFE0] =	vst v1;
	v1 =	vld [tilespmem:s7+$0x50]  }
0x38c: {  	v5 =	vadd.f32 v7, v6;
	[tilespmem:s7+$0xFFFFFFF0] =	vst v3;
	v3 =	vld [tilespmem:s8+$0x50]  }
0x38d: {  	v6 =	vadd.f32 v61, v8;
	v2 =	vld [tilespmem:s7+$0x60];
	[tilespmem:s7+$0x10] =	vst v4  }
0x38e: {  	[tilespmem:s7+$0x20] =	vst v5;
	v5 =	vld [tilespmem:s8+$0x60]  }
0x38f: {  	s9 =	simm.s32 $0x0;
	s10 =	simm.s32 $0x19400;
	v4 =	vld [tilespmem:s7+$0xFFFFFF80];
	[tilespmem:s7+$0x30] =	vst v6;
	v6 =	vadd.f32 v63, v62  }
.LBB2_23:
0x390: {  	v7 =	vld [tilespmem:s10+$0x70];
	s8 =	sadd.s32 $0x100, s8  }
0x391: {  	s9 =	sadd.s32 $0x100, s9;
	v8 =	vld [tilespmem:s8+$0x70];
	[tilespmem:s7+$0x40] =	vst v6;
	v1 =	vadd.f32 v3, v1  }
0x392: {  	p0 =	slt.u32 s9, $0x400;
	v3 =	vld [tilespmem:s8+$0xFFFFFF80]  }
0x393: {  	v6 =	vld [tilespmem:s10+$0xFFFFFF90];
	[tilespmem:s7+$0x50] =	vst v1;
	v1 =	vadd.f32 v5, v2  }
0x394: {  	v2 =	vld [tilespmem:s8+$0xFFFFFF90];
	v9 =	vadd.f32 v0, v4  }
0x395: {  	v4 =	vld [tilespmem:s10+$0xFFFFFFA0];
	[tilespmem:s7+$0x60] =	vst v1  }
0x396: {  	v1 =	vld [tilespmem:s8+$0xFFFFFFA0];
	v5 =	vadd.f32 v8, v7;
	[tilespmem:s7+$0xFFFFFF80] =	vst v9;
	s7 =	smov.u32 s10  }
0x397: {  	v7 =	vld [tilespmem:s10+$0xFFFFFFB0];
	v0 =	vmov v3  }
0x398: {  	v3 =	vld [tilespmem:s8+$0xFFFFFFB0];
	[tilespmem:s10+$0x70] =	vst v5  }
0x399: {  	v2 =	vadd.f32 v2, v6;
	v5 =	vld [tilespmem:s10+$0xFFFFFFC0]  }
0x39a: {  	v6 =	vld [tilespmem:s8+$0xFFFFFFC0]  }
0x39b: {  	[tilespmem:s10+$0xFFFFFF90] =	vst v2;
	v1 =	vadd.f32 v1, v4;
	v2 =	vld [tilespmem:s10+$0xFFFFFFD0]  }
0x39c: {  	v4 =	vld [tilespmem:s8+$0xFFFFFFD0]  }
0x39d: {  	[tilespmem:s10+$0xFFFFFFA0] =	vst v1;
	v1 =	vadd.f32 v3, v7;
	v3 =	vld [tilespmem:s10+$0xFFFFFFE0]  }
0x39e: {  	v7 =	vld [tilespmem:s8+$0xFFFFFFE0]  }
0x39f: {  	[tilespmem:s10+$0xFFFFFFB0] =	vst v1;
	v1 =	vadd.f32 v6, v5;
	v5 =	vld [tilespmem:s10+$0xFFFFFFF0]  }
0x3a0: {  	v6 =	vld [tilespmem:s8+$0xFFFFFFF0]  }
0x3a1: {  	[tilespmem:s10+$0xFFFFFFC0] =	vst v1;
	v1 =	vadd.f32 v4, v2;
	v2 =	vld [tilespmem:s10+$0x0]  }
0x3a2: {  	v4 =	vld [tilespmem:s8+$0x0]  }
0x3a3: {  	[tilespmem:s10+$0xFFFFFFD0] =	vst v1;
	v1 =	vadd.f32 v7, v3;
	v3 =	vld [tilespmem:s10+$0x10]  }
0x3a4: {  	v7 =	vld [tilespmem:s8+$0x10]  }
0x3a5: {  	[tilespmem:s10+$0xFFFFFFE0] =	vst v1;
	v1 =	vadd.f32 v6, v5;
	v5 =	vld [tilespmem:s10+$0x20]  }
0x3a6: {  	v6 =	vld [tilespmem:s8+$0x20]  }
0x3a7: {  	[tilespmem:s10+$0xFFFFFFF0] =	vst v1;
	v1 =	vadd.f32 v4, v2;
	v2 =	vld [tilespmem:s10+$0x30]  }
0x3a8: {  	v4 =	vld [tilespmem:s8+$0x30]  }
0x3a9: {  	[tilespmem:s10+$0x0] =	vst v1;
	v1 =	vadd.f32 v7, v3;
	v7 =	vld [tilespmem:s10+$0x40]  }
0x3aa: {  	v8 =	vld [tilespmem:s8+$0x40]  }
.Ltmp11:
0x3ab: {  	[tilespmem:s10+$0x10] =	vst v1;
	v5 =	vadd.f32 v6, v5;
	v1 =	vld [tilespmem:s10+$0x50];
	(pc) =	sbr.rel @p0 .LBB2_23-.Ltmp11, $4  }
0x3ac: {  	v3 =	vld [tilespmem:s8+$0x50]  }
0x3ad: {  	[tilespmem:s10+$0x20] =	vst v5;
	v6 =	vadd.f32 v4, v2;
	v2 =	vld [tilespmem:s10+$0x60]  }
0x3ae: {  	v5 =	vld [tilespmem:s8+$0x60]  }
0x3af: {  	s10 =	sadd.s32 $0x100, s10;
	v4 =	vld [tilespmem:s7+$0xFFFFFF80];
	[tilespmem:s7+$0x30] =	vst v6;
	v6 =	vadd.f32 v8, v7  }
0x3b0: {  	_ =	sdelay $0x1  }
0x3b1: {  	v1 =	vadd.f32 v3, v1  }
0x3b2: {  	[tilespmem:s7+$0x40] =	vst v6;
	v2 =	vadd.f32 v5, v2  }
0x3b3: {  	[tilespmem:s7+$0x50] =	vst v1;
	v0 =	vadd.f32 v0, v4  }
0x3b4: {  	[tilespmem:s7+$0x60] =	vst v2  }
0x3b5: {  	s30 =	sadd.s32 $0x23000, s6;
	s8 =	simm.s32 $0x18D80;
	s31 =	simm.s32 $0x1;
	[tilespmem:s7+$0xFFFFFF80] =	vst v0  }
0x3b6: {  	[tilespmem:s8], [sflag:$0x2] =	stream.linear.gather [spmem:s30], $0x500, $0x38;
	[tilespmem:$0x1E780] =	vst v63  }
0x3b7: {  	_ =	swait.ge [sflag:s31], $0x500  }
0x3b8: {  	[sflag:s31] =	ssyncset.done $0x0  }
0x3b9: {  	s7 =	simm.s32 $0x19300;
	[sflag:s31] =	ssyncadd.s32 $0xFFFFFB00  }
0x3ba: {  	s8 =	simm.s32 $0x18900;
	v1 =	vld [tilespmem:s7+$0x70]  }
0x3bb: {  	v2 =	vld [tilespmem:s8+$0x70]  }
0x3bc: {  	v0 =	vld [tilespmem:s8+$0xFFFFFF80]  }
0x3bd: {  	v3 =	vld [tilespmem:s7+$0xFFFFFF90]  }
0x3be: {  	v4 =	vld [tilespmem:s8+$0xFFFFFF90]  }
0x3bf: {  	v5 =	vld [tilespmem:s7+$0xFFFFFFA0]  }
0x3c0: {  	v6 =	vld [tilespmem:s8+$0xFFFFFFA0]  }
0x3c1: {  	v7 =	vld [tilespmem:s7+$0xFFFFFFB0]  }
0x3c2: {  	v8 =	vld [tilespmem:s8+$0xFFFFFFB0]  }
0x3c3: {  	v9 =	vld [tilespmem:s7+$0xFFFFFFC0]  }
0x3c4: {  	v10 =	vld [tilespmem:s8+$0xFFFFFFC0]  }
0x3c5: {  	v11 =	vld [tilespmem:s7+$0xFFFFFFD0]  }
0x3c6: {  	v12 =	vld [tilespmem:s8+$0xFFFFFFD0]  }
0x3c7: {  	v13 =	vld [tilespmem:s7+$0xFFFFFFE0]  }
0x3c8: {  	v14 =	vld [tilespmem:s8+$0xFFFFFFE0]  }
0x3c9: {  	v15 =	vld [tilespmem:s7+$0xFFFFFFF0]  }
0x3ca: {  	v16 =	vld [tilespmem:s8+$0xFFFFFFF0]  }
0x3cb: {  	v17 =	vld [tilespmem:s7+$0x0]  }
0x3cc: {  	v61 =	vld [tilespmem:s8+$0x30];
	v1 =	vadd.f32 v2, v1  }
0x3cd: {  	v2 =	vld [tilespmem:s8+$0x0];
	v3 =	vadd.f32 v4, v3  }
0x3ce: {  	v4 =	vld [tilespmem:s7+$0x10];
	[tilespmem:s7+$0x70] =	vst v1;
	v1 =	vadd.f32 v6, v5  }
0x3cf: {  	v5 =	vld [tilespmem:s8+$0x10];
	[tilespmem:s7+$0xFFFFFF90] =	vst v3;
	v3 =	vadd.f32 v8, v7  }
0x3d0: {  	v6 =	vld [tilespmem:s7+$0x20];
	[tilespmem:s7+$0xFFFFFFA0] =	vst v1;
	v1 =	vadd.f32 v10, v9  }
0x3d1: {  	v7 =	vld [tilespmem:s8+$0x20];
	[tilespmem:s7+$0xFFFFFFB0] =	vst v3;
	v3 =	vadd.f32 v12, v11  }
0x3d2: {  	v8 =	vld [tilespmem:s7+$0x30];
	v2 =	vadd.f32 v2, v17;
	[tilespmem:s7+$0xFFFFFFC0] =	vst v1  }
0x3d3: {  	v62 =	vld [tilespmem:s7+$0x40];
	v1 =	vadd.f32 v14, v13;
	[tilespmem:s7+$0xFFFFFFD0] =	vst v3  }
0x3d4: {  	v63 =	vld [tilespmem:s8+$0x40];
	v3 =	vadd.f32 v16, v15;
	[tilespmem:s7+$0x0] =	vst v2  }
0x3d5: {  	v4 =	vadd.f32 v5, v4;
	[tilespmem:s7+$0xFFFFFFE0] =	vst v1;
	v1 =	vld [tilespmem:s7+$0x50]  }
0x3d6: {  	v5 =	vadd.f32 v7, v6;
	[tilespmem:s7+$0xFFFFFFF0] =	vst v3;
	v3 =	vld [tilespmem:s8+$0x50]  }
0x3d7: {  	v6 =	vadd.f32 v61, v8;
	v2 =	vld [tilespmem:s7+$0x60];
	[tilespmem:s7+$0x10] =	vst v4  }
0x3d8: {  	[tilespmem:s7+$0x20] =	vst v5;
	v5 =	vld [tilespmem:s8+$0x60]  }
0x3d9: {  	s9 =	simm.s32 $0x0;
	s10 =	simm.s32 $0x19400;
	v4 =	vld [tilespmem:s7+$0xFFFFFF80];
	[tilespmem:s7+$0x30] =	vst v6;
	v6 =	vadd.f32 v63, v62  }
.LBB2_25:
0x3da: {  	v7 =	vld [tilespmem:s10+$0x70];
	s8 =	sadd.s32 $0x100, s8  }
0x3db: {  	s9 =	sadd.s32 $0x100, s9;
	v8 =	vld [tilespmem:s8+$0x70];
	[tilespmem:s7+$0x40] =	vst v6;
	v1 =	vadd.f32 v3, v1  }
0x3dc: {  	p0 =	slt.u32 s9, $0x400;
	v3 =	vld [tilespmem:s8+$0xFFFFFF80]  }
0x3dd: {  	v6 =	vld [tilespmem:s10+$0xFFFFFF90];
	[tilespmem:s7+$0x50] =	vst v1;
	v1 =	vadd.f32 v5, v2  }
0x3de: {  	v2 =	vld [tilespmem:s8+$0xFFFFFF90];
	v9 =	vadd.f32 v0, v4  }
0x3df: {  	v4 =	vld [tilespmem:s10+$0xFFFFFFA0];
	[tilespmem:s7+$0x60] =	vst v1  }
0x3e0: {  	v1 =	vld [tilespmem:s8+$0xFFFFFFA0];
	v5 =	vadd.f32 v8, v7;
	[tilespmem:s7+$0xFFFFFF80] =	vst v9;
	s7 =	smov.u32 s10  }
0x3e1: {  	v7 =	vld [tilespmem:s10+$0xFFFFFFB0];
	v0 =	vmov v3  }
0x3e2: {  	v3 =	vld [tilespmem:s8+$0xFFFFFFB0];
	[tilespmem:s10+$0x70] =	vst v5  }
0x3e3: {  	v2 =	vadd.f32 v2, v6;
	v5 =	vld [tilespmem:s10+$0xFFFFFFC0]  }
0x3e4: {  	v6 =	vld [tilespmem:s8+$0xFFFFFFC0]  }
0x3e5: {  	[tilespmem:s10+$0xFFFFFF90] =	vst v2;
	v1 =	vadd.f32 v1, v4;
	v2 =	vld [tilespmem:s10+$0xFFFFFFD0]  }
0x3e6: {  	v4 =	vld [tilespmem:s8+$0xFFFFFFD0]  }
0x3e7: {  	[tilespmem:s10+$0xFFFFFFA0] =	vst v1;
	v1 =	vadd.f32 v3, v7;
	v3 =	vld [tilespmem:s10+$0xFFFFFFE0]  }
0x3e8: {  	v7 =	vld [tilespmem:s8+$0xFFFFFFE0]  }
0x3e9: {  	[tilespmem:s10+$0xFFFFFFB0] =	vst v1;
	v1 =	vadd.f32 v6, v5;
	v5 =	vld [tilespmem:s10+$0xFFFFFFF0]  }
0x3ea: {  	v6 =	vld [tilespmem:s8+$0xFFFFFFF0]  }
0x3eb: {  	[tilespmem:s10+$0xFFFFFFC0] =	vst v1;
	v1 =	vadd.f32 v4, v2;
	v2 =	vld [tilespmem:s10+$0x0]  }
0x3ec: {  	v4 =	vld [tilespmem:s8+$0x0]  }
0x3ed: {  	[tilespmem:s10+$0xFFFFFFD0] =	vst v1;
	v1 =	vadd.f32 v7, v3;
	v3 =	vld [tilespmem:s10+$0x10]  }
0x3ee: {  	v7 =	vld [tilespmem:s8+$0x10]  }
0x3ef: {  	[tilespmem:s10+$0xFFFFFFE0] =	vst v1;
	v1 =	vadd.f32 v6, v5;
	v5 =	vld [tilespmem:s10+$0x20]  }
0x3f0: {  	v6 =	vld [tilespmem:s8+$0x20]  }
0x3f1: {  	[tilespmem:s10+$0xFFFFFFF0] =	vst v1;
	v1 =	vadd.f32 v4, v2;
	v2 =	vld [tilespmem:s10+$0x30]  }
0x3f2: {  	v4 =	vld [tilespmem:s8+$0x30]  }
0x3f3: {  	[tilespmem:s10+$0x0] =	vst v1;
	v1 =	vadd.f32 v7, v3;
	v7 =	vld [tilespmem:s10+$0x40]  }
0x3f4: {  	v8 =	vld [tilespmem:s8+$0x40]  }
.Ltmp12:
0x3f5: {  	[tilespmem:s10+$0x10] =	vst v1;
	v5 =	vadd.f32 v6, v5;
	v1 =	vld [tilespmem:s10+$0x50];
	(pc) =	sbr.rel @p0 .LBB2_25-.Ltmp12, $4  }
0x3f6: {  	v3 =	vld [tilespmem:s8+$0x50]  }
0x3f7: {  	[tilespmem:s10+$0x20] =	vst v5;
	v6 =	vadd.f32 v4, v2;
	v2 =	vld [tilespmem:s10+$0x60]  }
0x3f8: {  	v5 =	vld [tilespmem:s8+$0x60]  }
0x3f9: {  	s10 =	sadd.s32 $0x100, s10;
	v4 =	vld [tilespmem:s7+$0xFFFFFF80];
	[tilespmem:s7+$0x30] =	vst v6;
	v6 =	vadd.f32 v8, v7  }
0x3fa: {  	_ =	sdelay $0x1  }
0x3fb: {  	v1 =	vadd.f32 v3, v1  }
0x3fc: {  	[tilespmem:s7+$0x40] =	vst v6;
	v2 =	vadd.f32 v5, v2  }
0x3fd: {  	[tilespmem:s7+$0x50] =	vst v1;
	v0 =	vadd.f32 v0, v4  }
0x3fe: {  	[tilespmem:s7+$0x60] =	vst v2  }
0x3ff: {  	s30 =	sadd.s32 $0x28000, s6;
	s8 =	simm.s32 $0x18880;
	s31 =	simm.s32 $0x2;
	[tilespmem:s7+$0xFFFFFF80] =	vst v0  }
0x400: {  	[tilespmem:s8], [sflag:$0x1] =	stream.linear.gather [spmem:s30], $0x500, $0x38;
	[tilespmem:$0x1E780] =	vst v63  }
0x401: {  	_ =	swait.ge [sflag:s31], $0x500  }
0x402: {  	[sflag:s31] =	ssyncset.done $0x0  }
0x403: {  	s7 =	simm.s32 $0x19300;
	[sflag:s31] =	ssyncadd.s32 $0xFFFFFB00  }
0x404: {  	s8 =	simm.s32 $0x18E00;
	v1 =	vld [tilespmem:s7+$0x70]  }
0x405: {  	v2 =	vld [tilespmem:s8+$0x70]  }
0x406: {  	v0 =	vld [tilespmem:s8+$0xFFFFFF80]  }
0x407: {  	v3 =	vld [tilespmem:s7+$0xFFFFFF90]  }
0x408: {  	v4 =	vld [tilespmem:s8+$0xFFFFFF90]  }
0x409: {  	v5 =	vld [tilespmem:s7+$0xFFFFFFA0]  }
0x40a: {  	v6 =	vld [tilespmem:s8+$0xFFFFFFA0]  }
0x40b: {  	v7 =	vld [tilespmem:s7+$0xFFFFFFB0]  }
0x40c: {  	v8 =	vld [tilespmem:s8+$0xFFFFFFB0]  }
0x40d: {  	v9 =	vld [tilespmem:s7+$0xFFFFFFC0]  }
0x40e: {  	v10 =	vld [tilespmem:s8+$0xFFFFFFC0]  }
0x40f: {  	v11 =	vld [tilespmem:s7+$0xFFFFFFD0]  }
0x410: {  	v12 =	vld [tilespmem:s8+$0xFFFFFFD0]  }
0x411: {  	v13 =	vld [tilespmem:s7+$0xFFFFFFE0]  }
0x412: {  	v14 =	vld [tilespmem:s8+$0xFFFFFFE0]  }
0x413: {  	v15 =	vld [tilespmem:s7+$0xFFFFFFF0]  }
0x414: {  	v16 =	vld [tilespmem:s8+$0xFFFFFFF0]  }
0x415: {  	v17 =	vld [tilespmem:s7+$0x0]  }
0x416: {  	v61 =	vld [tilespmem:s8+$0x30];
	v1 =	vadd.f32 v2, v1  }
0x417: {  	v2 =	vld [tilespmem:s8+$0x0];
	v3 =	vadd.f32 v4, v3  }
0x418: {  	v4 =	vld [tilespmem:s7+$0x10];
	[tilespmem:s7+$0x70] =	vst v1;
	v1 =	vadd.f32 v6, v5  }
0x419: {  	v5 =	vld [tilespmem:s8+$0x10];
	[tilespmem:s7+$0xFFFFFF90] =	vst v3;
	v3 =	vadd.f32 v8, v7  }
0x41a: {  	v6 =	vld [tilespmem:s7+$0x20];
	[tilespmem:s7+$0xFFFFFFA0] =	vst v1;
	v1 =	vadd.f32 v10, v9  }
0x41b: {  	v7 =	vld [tilespmem:s8+$0x20];
	[tilespmem:s7+$0xFFFFFFB0] =	vst v3;
	v3 =	vadd.f32 v12, v11  }
0x41c: {  	v8 =	vld [tilespmem:s7+$0x30];
	v2 =	vadd.f32 v2, v17;
	[tilespmem:s7+$0xFFFFFFC0] =	vst v1  }
0x41d: {  	v62 =	vld [tilespmem:s7+$0x40];
	v1 =	vadd.f32 v14, v13;
	[tilespmem:s7+$0xFFFFFFD0] =	vst v3  }
0x41e: {  	v63 =	vld [tilespmem:s8+$0x40];
	v3 =	vadd.f32 v16, v15;
	[tilespmem:s7+$0x0] =	vst v2  }
0x41f: {  	v4 =	vadd.f32 v5, v4;
	[tilespmem:s7+$0xFFFFFFE0] =	vst v1;
	v1 =	vld [tilespmem:s7+$0x50]  }
0x420: {  	v5 =	vadd.f32 v7, v6;
	[tilespmem:s7+$0xFFFFFFF0] =	vst v3;
	v3 =	vld [tilespmem:s8+$0x50]  }
0x421: {  	v6 =	vadd.f32 v61, v8;
	v2 =	vld [tilespmem:s7+$0x60];
	[tilespmem:s7+$0x10] =	vst v4  }
0x422: {  	[tilespmem:s7+$0x20] =	vst v5;
	v5 =	vld [tilespmem:s8+$0x60]  }
0x423: {  	s9 =	simm.s32 $0x0;
	s10 =	simm.s32 $0x19400;
	v4 =	vld [tilespmem:s7+$0xFFFFFF80];
	[tilespmem:s7+$0x30] =	vst v6;
	v6 =	vadd.f32 v63, v62  }
.LBB2_27:
0x424: {  	v7 =	vld [tilespmem:s10+$0x70];
	s8 =	sadd.s32 $0x100, s8  }
0x425: {  	s9 =	sadd.s32 $0x100, s9;
	v8 =	vld [tilespmem:s8+$0x70];
	[tilespmem:s7+$0x40] =	vst v6;
	v1 =	vadd.f32 v3, v1  }
0x426: {  	p0 =	slt.u32 s9, $0x400;
	v3 =	vld [tilespmem:s8+$0xFFFFFF80]  }
0x427: {  	v6 =	vld [tilespmem:s10+$0xFFFFFF90];
	[tilespmem:s7+$0x50] =	vst v1;
	v1 =	vadd.f32 v5, v2  }
0x428: {  	v2 =	vld [tilespmem:s8+$0xFFFFFF90];
	v9 =	vadd.f32 v0, v4  }
0x429: {  	v4 =	vld [tilespmem:s10+$0xFFFFFFA0];
	[tilespmem:s7+$0x60] =	vst v1  }
0x42a: {  	v1 =	vld [tilespmem:s8+$0xFFFFFFA0];
	v5 =	vadd.f32 v8, v7;
	[tilespmem:s7+$0xFFFFFF80] =	vst v9;
	s7 =	smov.u32 s10  }
0x42b: {  	v7 =	vld [tilespmem:s10+$0xFFFFFFB0];
	v0 =	vmov v3  }
0x42c: {  	v3 =	vld [tilespmem:s8+$0xFFFFFFB0];
	[tilespmem:s10+$0x70] =	vst v5  }
0x42d: {  	v2 =	vadd.f32 v2, v6;
	v5 =	vld [tilespmem:s10+$0xFFFFFFC0]  }
0x42e: {  	v6 =	vld [tilespmem:s8+$0xFFFFFFC0]  }
0x42f: {  	[tilespmem:s10+$0xFFFFFF90] =	vst v2;
	v1 =	vadd.f32 v1, v4;
	v2 =	vld [tilespmem:s10+$0xFFFFFFD0]  }
0x430: {  	v4 =	vld [tilespmem:s8+$0xFFFFFFD0]  }
0x431: {  	[tilespmem:s10+$0xFFFFFFA0] =	vst v1;
	v1 =	vadd.f32 v3, v7;
	v3 =	vld [tilespmem:s10+$0xFFFFFFE0]  }
0x432: {  	v7 =	vld [tilespmem:s8+$0xFFFFFFE0]  }
0x433: {  	[tilespmem:s10+$0xFFFFFFB0] =	vst v1;
	v1 =	vadd.f32 v6, v5;
	v5 =	vld [tilespmem:s10+$0xFFFFFFF0]  }
0x434: {  	v6 =	vld [tilespmem:s8+$0xFFFFFFF0]  }
0x435: {  	[tilespmem:s10+$0xFFFFFFC0] =	vst v1;
	v1 =	vadd.f32 v4, v2;
	v2 =	vld [tilespmem:s10+$0x0]  }
0x436: {  	v4 =	vld [tilespmem:s8+$0x0]  }
0x437: {  	[tilespmem:s10+$0xFFFFFFD0] =	vst v1;
	v1 =	vadd.f32 v7, v3;
	v3 =	vld [tilespmem:s10+$0x10]  }
0x438: {  	v7 =	vld [tilespmem:s8+$0x10]  }
0x439: {  	[tilespmem:s10+$0xFFFFFFE0] =	vst v1;
	v1 =	vadd.f32 v6, v5;
	v5 =	vld [tilespmem:s10+$0x20]  }
0x43a: {  	v6 =	vld [tilespmem:s8+$0x20]  }
0x43b: {  	[tilespmem:s10+$0xFFFFFFF0] =	vst v1;
	v1 =	vadd.f32 v4, v2;
	v2 =	vld [tilespmem:s10+$0x30]  }
0x43c: {  	v4 =	vld [tilespmem:s8+$0x30]  }
0x43d: {  	[tilespmem:s10+$0x0] =	vst v1;
	v1 =	vadd.f32 v7, v3;
	v7 =	vld [tilespmem:s10+$0x40]  }
0x43e: {  	v8 =	vld [tilespmem:s8+$0x40]  }
.Ltmp13:
0x43f: {  	[tilespmem:s10+$0x10] =	vst v1;
	v5 =	vadd.f32 v6, v5;
	v1 =	vld [tilespmem:s10+$0x50];
	(pc) =	sbr.rel @p0 .LBB2_27-.Ltmp13, $4  }
0x440: {  	v3 =	vld [tilespmem:s8+$0x50]  }
0x441: {  	[tilespmem:s10+$0x20] =	vst v5;
	v6 =	vadd.f32 v4, v2;
	v2 =	vld [tilespmem:s10+$0x60]  }
0x442: {  	v5 =	vld [tilespmem:s8+$0x60]  }
0x443: {  	s10 =	sadd.s32 $0x100, s10;
	v4 =	vld [tilespmem:s7+$0xFFFFFF80];
	[tilespmem:s7+$0x30] =	vst v6;
	v6 =	vadd.f32 v8, v7  }
0x444: {  	_ =	sdelay $0x1  }
0x445: {  	v1 =	vadd.f32 v3, v1  }
0x446: {  	[tilespmem:s7+$0x40] =	vst v6;
	v2 =	vadd.f32 v5, v2  }
0x447: {  	[tilespmem:s7+$0x50] =	vst v1;
	v0 =	vadd.f32 v0, v4  }
0x448: {  	[tilespmem:s7+$0x60] =	vst v2  }
0x449: {  	s30 =	sadd.s32 $0x2D000, s6;
	s8 =	simm.s32 $0x18D80;
	s31 =	simm.s32 $0x1;
	[tilespmem:s7+$0xFFFFFF80] =	vst v0  }
0x44a: {  	[tilespmem:s8], [sflag:$0x2] =	stream.linear.gather [spmem:s30], $0x500, $0x38;
	[tilespmem:$0x1E780] =	vst v63  }
0x44b: {  	_ =	swait.ge [sflag:s31], $0x500  }
0x44c: {  	[sflag:s31] =	ssyncset.done $0x0  }
0x44d: {  	s7 =	simm.s32 $0x19300;
	[sflag:s31] =	ssyncadd.s32 $0xFFFFFB00  }
0x44e: {  	s8 =	simm.s32 $0x18900;
	v1 =	vld [tilespmem:s7+$0x70]  }
0x44f: {  	v2 =	vld [tilespmem:s8+$0x70]  }
0x450: {  	v0 =	vld [tilespmem:s8+$0xFFFFFF80]  }
0x451: {  	v3 =	vld [tilespmem:s7+$0xFFFFFF90]  }
0x452: {  	v4 =	vld [tilespmem:s8+$0xFFFFFF90]  }
0x453: {  	v5 =	vld [tilespmem:s7+$0xFFFFFFA0]  }
0x454: {  	v6 =	vld [tilespmem:s8+$0xFFFFFFA0]  }
0x455: {  	v7 =	vld [tilespmem:s7+$0xFFFFFFB0]  }
0x456: {  	v8 =	vld [tilespmem:s8+$0xFFFFFFB0]  }
0x457: {  	v9 =	vld [tilespmem:s7+$0xFFFFFFC0]  }
0x458: {  	v10 =	vld [tilespmem:s8+$0xFFFFFFC0]  }
0x459: {  	v11 =	vld [tilespmem:s7+$0xFFFFFFD0]  }
0x45a: {  	v12 =	vld [tilespmem:s8+$0xFFFFFFD0]  }
0x45b: {  	v13 =	vld [tilespmem:s7+$0xFFFFFFE0]  }
0x45c: {  	v14 =	vld [tilespmem:s8+$0xFFFFFFE0]  }
0x45d: {  	v15 =	vld [tilespmem:s7+$0xFFFFFFF0]  }
0x45e: {  	v16 =	vld [tilespmem:s8+$0xFFFFFFF0]  }
0x45f: {  	v17 =	vld [tilespmem:s7+$0x0]  }
0x460: {  	v61 =	vld [tilespmem:s8+$0x30];
	v1 =	vadd.f32 v2, v1  }
0x461: {  	v2 =	vld [tilespmem:s8+$0x0];
	v3 =	vadd.f32 v4, v3  }
0x462: {  	v4 =	vld [tilespmem:s7+$0x10];
	[tilespmem:s7+$0x70] =	vst v1;
	v1 =	vadd.f32 v6, v5  }
0x463: {  	v5 =	vld [tilespmem:s8+$0x10];
	[tilespmem:s7+$0xFFFFFF90] =	vst v3;
	v3 =	vadd.f32 v8, v7  }
0x464: {  	v6 =	vld [tilespmem:s7+$0x20];
	[tilespmem:s7+$0xFFFFFFA0] =	vst v1;
	v1 =	vadd.f32 v10, v9  }
0x465: {  	v7 =	vld [tilespmem:s8+$0x20];
	[tilespmem:s7+$0xFFFFFFB0] =	vst v3;
	v3 =	vadd.f32 v12, v11  }
0x466: {  	v8 =	vld [tilespmem:s7+$0x30];
	v2 =	vadd.f32 v2, v17;
	[tilespmem:s7+$0xFFFFFFC0] =	vst v1  }
0x467: {  	v62 =	vld [tilespmem:s7+$0x40];
	v1 =	vadd.f32 v14, v13;
	[tilespmem:s7+$0xFFFFFFD0] =	vst v3  }
0x468: {  	v63 =	vld [tilespmem:s8+$0x40];
	v3 =	vadd.f32 v16, v15;
	[tilespmem:s7+$0x0] =	vst v2  }
0x469: {  	v4 =	vadd.f32 v5, v4;
	[tilespmem:s7+$0xFFFFFFE0] =	vst v1;
	v1 =	vld [tilespmem:s7+$0x50]  }
0x46a: {  	v5 =	vadd.f32 v7, v6;
	[tilespmem:s7+$0xFFFFFFF0] =	vst v3;
	v3 =	vld [tilespmem:s8+$0x50]  }
0x46b: {  	v6 =	vadd.f32 v61, v8;
	v2 =	vld [tilespmem:s7+$0x60];
	[tilespmem:s7+$0x10] =	vst v4  }
0x46c: {  	[tilespmem:s7+$0x20] =	vst v5;
	v5 =	vld [tilespmem:s8+$0x60]  }
0x46d: {  	s9 =	simm.s32 $0x0;
	s10 =	simm.s32 $0x19400;
	v4 =	vld [tilespmem:s7+$0xFFFFFF80];
	[tilespmem:s7+$0x30] =	vst v6;
	v6 =	vadd.f32 v63, v62  }
.LBB2_29:
0x46e: {  	v7 =	vld [tilespmem:s10+$0x70];
	s8 =	sadd.s32 $0x100, s8  }
0x46f: {  	s9 =	sadd.s32 $0x100, s9;
	v8 =	vld [tilespmem:s8+$0x70];
	[tilespmem:s7+$0x40] =	vst v6;
	v1 =	vadd.f32 v3, v1  }
0x470: {  	p0 =	slt.u32 s9, $0x400;
	v3 =	vld [tilespmem:s8+$0xFFFFFF80]  }
0x471: {  	v6 =	vld [tilespmem:s10+$0xFFFFFF90];
	[tilespmem:s7+$0x50] =	vst v1;
	v1 =	vadd.f32 v5, v2  }
0x472: {  	v2 =	vld [tilespmem:s8+$0xFFFFFF90];
	v9 =	vadd.f32 v0, v4  }
0x473: {  	v4 =	vld [tilespmem:s10+$0xFFFFFFA0];
	[tilespmem:s7+$0x60] =	vst v1  }
0x474: {  	v1 =	vld [tilespmem:s8+$0xFFFFFFA0];
	v5 =	vadd.f32 v8, v7;
	[tilespmem:s7+$0xFFFFFF80] =	vst v9;
	s7 =	smov.u32 s10  }
0x475: {  	v7 =	vld [tilespmem:s10+$0xFFFFFFB0];
	v0 =	vmov v3  }
0x476: {  	v3 =	vld [tilespmem:s8+$0xFFFFFFB0];
	[tilespmem:s10+$0x70] =	vst v5  }
0x477: {  	v2 =	vadd.f32 v2, v6;
	v5 =	vld [tilespmem:s10+$0xFFFFFFC0]  }
0x478: {  	v6 =	vld [tilespmem:s8+$0xFFFFFFC0]  }
0x479: {  	[tilespmem:s10+$0xFFFFFF90] =	vst v2;
	v1 =	vadd.f32 v1, v4;
	v2 =	vld [tilespmem:s10+$0xFFFFFFD0]  }
0x47a: {  	v4 =	vld [tilespmem:s8+$0xFFFFFFD0]  }
0x47b: {  	[tilespmem:s10+$0xFFFFFFA0] =	vst v1;
	v1 =	vadd.f32 v3, v7;
	v3 =	vld [tilespmem:s10+$0xFFFFFFE0]  }
0x47c: {  	v7 =	vld [tilespmem:s8+$0xFFFFFFE0]  }
0x47d: {  	[tilespmem:s10+$0xFFFFFFB0] =	vst v1;
	v1 =	vadd.f32 v6, v5;
	v5 =	vld [tilespmem:s10+$0xFFFFFFF0]  }
0x47e: {  	v6 =	vld [tilespmem:s8+$0xFFFFFFF0]  }
0x47f: {  	[tilespmem:s10+$0xFFFFFFC0] =	vst v1;
	v1 =	vadd.f32 v4, v2;
	v2 =	vld [tilespmem:s10+$0x0]  }
0x480: {  	v4 =	vld [tilespmem:s8+$0x0]  }
0x481: {  	[tilespmem:s10+$0xFFFFFFD0] =	vst v1;
	v1 =	vadd.f32 v7, v3;
	v3 =	vld [tilespmem:s10+$0x10]  }
0x482: {  	v7 =	vld [tilespmem:s8+$0x10]  }
0x483: {  	[tilespmem:s10+$0xFFFFFFE0] =	vst v1;
	v1 =	vadd.f32 v6, v5;
	v5 =	vld [tilespmem:s10+$0x20]  }
0x484: {  	v6 =	vld [tilespmem:s8+$0x20]  }
0x485: {  	[tilespmem:s10+$0xFFFFFFF0] =	vst v1;
	v1 =	vadd.f32 v4, v2;
	v2 =	vld [tilespmem:s10+$0x30]  }
0x486: {  	v4 =	vld [tilespmem:s8+$0x30]  }
0x487: {  	[tilespmem:s10+$0x0] =	vst v1;
	v1 =	vadd.f32 v7, v3;
	v7 =	vld [tilespmem:s10+$0x40]  }
0x488: {  	v8 =	vld [tilespmem:s8+$0x40]  }
.Ltmp14:
0x489: {  	[tilespmem:s10+$0x10] =	vst v1;
	v5 =	vadd.f32 v6, v5;
	v1 =	vld [tilespmem:s10+$0x50];
	(pc) =	sbr.rel @p0 .LBB2_29-.Ltmp14, $4  }
0x48a: {  	v3 =	vld [tilespmem:s8+$0x50]  }
0x48b: {  	[tilespmem:s10+$0x20] =	vst v5;
	v6 =	vadd.f32 v4, v2;
	v2 =	vld [tilespmem:s10+$0x60]  }
0x48c: {  	v5 =	vld [tilespmem:s8+$0x60]  }
0x48d: {  	s10 =	sadd.s32 $0x100, s10;
	v4 =	vld [tilespmem:s7+$0xFFFFFF80];
	[tilespmem:s7+$0x30] =	vst v6;
	v6 =	vadd.f32 v8, v7  }
0x48e: {  	_ =	sdelay $0x1  }
0x48f: {  	v1 =	vadd.f32 v3, v1  }
0x490: {  	[tilespmem:s7+$0x40] =	vst v6;
	v2 =	vadd.f32 v5, v2  }
0x491: {  	[tilespmem:s7+$0x50] =	vst v1;
	v0 =	vadd.f32 v0, v4  }
0x492: {  	[tilespmem:s7+$0x60] =	vst v2  }
0x493: {  	s30 =	sadd.s32 $0x32000, s6;
	s8 =	simm.s32 $0x18880;
	s31 =	simm.s32 $0x2;
	[tilespmem:s7+$0xFFFFFF80] =	vst v0  }
0x494: {  	[tilespmem:s8], [sflag:$0x1] =	stream.linear.gather [spmem:s30], $0x500, $0x38;
	[tilespmem:$0x1E780] =	vst v63  }
0x495: {  	_ =	swait.ge [sflag:s31], $0x500  }
0x496: {  	[sflag:s31] =	ssyncset.done $0x0  }
0x497: {  	s7 =	simm.s32 $0x19300;
	[sflag:s31] =	ssyncadd.s32 $0xFFFFFB00  }
0x498: {  	s8 =	simm.s32 $0x18E00;
	v1 =	vld [tilespmem:s7+$0x70]  }
0x499: {  	v2 =	vld [tilespmem:s8+$0x70]  }
0x49a: {  	v0 =	vld [tilespmem:s8+$0xFFFFFF80]  }
0x49b: {  	v3 =	vld [tilespmem:s7+$0xFFFFFF90]  }
0x49c: {  	v4 =	vld [tilespmem:s8+$0xFFFFFF90]  }
0x49d: {  	v5 =	vld [tilespmem:s7+$0xFFFFFFA0]  }
0x49e: {  	v6 =	vld [tilespmem:s8+$0xFFFFFFA0]  }
0x49f: {  	v7 =	vld [tilespmem:s7+$0xFFFFFFB0]  }
0x4a0: {  	v8 =	vld [tilespmem:s8+$0xFFFFFFB0]  }
0x4a1: {  	v9 =	vld [tilespmem:s7+$0xFFFFFFC0]  }
0x4a2: {  	v10 =	vld [tilespmem:s8+$0xFFFFFFC0]  }
0x4a3: {  	v11 =	vld [tilespmem:s7+$0xFFFFFFD0]  }
0x4a4: {  	v12 =	vld [tilespmem:s8+$0xFFFFFFD0]  }
0x4a5: {  	v13 =	vld [tilespmem:s7+$0xFFFFFFE0]  }
0x4a6: {  	v14 =	vld [tilespmem:s8+$0xFFFFFFE0]  }
0x4a7: {  	v15 =	vld [tilespmem:s7+$0xFFFFFFF0]  }
0x4a8: {  	v16 =	vld [tilespmem:s8+$0xFFFFFFF0]  }
0x4a9: {  	v17 =	vld [tilespmem:s7+$0x0]  }
0x4aa: {  	v61 =	vld [tilespmem:s8+$0x30];
	v1 =	vadd.f32 v2, v1  }
0x4ab: {  	v2 =	vld [tilespmem:s8+$0x0];
	v3 =	vadd.f32 v4, v3  }
0x4ac: {  	v4 =	vld [tilespmem:s7+$0x10];
	[tilespmem:s7+$0x70] =	vst v1;
	v1 =	vadd.f32 v6, v5  }
0x4ad: {  	v5 =	vld [tilespmem:s8+$0x10];
	[tilespmem:s7+$0xFFFFFF90] =	vst v3;
	v3 =	vadd.f32 v8, v7  }
0x4ae: {  	v6 =	vld [tilespmem:s7+$0x20];
	[tilespmem:s7+$0xFFFFFFA0] =	vst v1;
	v1 =	vadd.f32 v10, v9  }
0x4af: {  	v7 =	vld [tilespmem:s8+$0x20];
	[tilespmem:s7+$0xFFFFFFB0] =	vst v3;
	v3 =	vadd.f32 v12, v11  }
0x4b0: {  	v8 =	vld [tilespmem:s7+$0x30];
	v2 =	vadd.f32 v2, v17;
	[tilespmem:s7+$0xFFFFFFC0] =	vst v1  }
0x4b1: {  	v62 =	vld [tilespmem:s7+$0x40];
	v1 =	vadd.f32 v14, v13;
	[tilespmem:s7+$0xFFFFFFD0] =	vst v3  }
0x4b2: {  	v63 =	vld [tilespmem:s8+$0x40];
	v3 =	vadd.f32 v16, v15;
	[tilespmem:s7+$0x0] =	vst v2  }
0x4b3: {  	v4 =	vadd.f32 v5, v4;
	[tilespmem:s7+$0xFFFFFFE0] =	vst v1;
	v1 =	vld [tilespmem:s7+$0x50]  }
0x4b4: {  	v5 =	vadd.f32 v7, v6;
	[tilespmem:s7+$0xFFFFFFF0] =	vst v3;
	v3 =	vld [tilespmem:s8+$0x50]  }
0x4b5: {  	v6 =	vadd.f32 v61, v8;
	v2 =	vld [tilespmem:s7+$0x60];
	[tilespmem:s7+$0x10] =	vst v4  }
0x4b6: {  	[tilespmem:s7+$0x20] =	vst v5;
	v5 =	vld [tilespmem:s8+$0x60]  }
0x4b7: {  	s9 =	simm.s32 $0x0;
	s10 =	simm.s32 $0x19400;
	v4 =	vld [tilespmem:s7+$0xFFFFFF80];
	[tilespmem:s7+$0x30] =	vst v6;
	v6 =	vadd.f32 v63, v62  }
.LBB2_31:
0x4b8: {  	v7 =	vld [tilespmem:s10+$0x70];
	s8 =	sadd.s32 $0x100, s8  }
0x4b9: {  	s9 =	sadd.s32 $0x100, s9;
	v8 =	vld [tilespmem:s8+$0x70];
	[tilespmem:s7+$0x40] =	vst v6;
	v1 =	vadd.f32 v3, v1  }
0x4ba: {  	p0 =	slt.u32 s9, $0x400;
	v3 =	vld [tilespmem:s8+$0xFFFFFF80]  }
0x4bb: {  	v6 =	vld [tilespmem:s10+$0xFFFFFF90];
	[tilespmem:s7+$0x50] =	vst v1;
	v1 =	vadd.f32 v5, v2  }
0x4bc: {  	v2 =	vld [tilespmem:s8+$0xFFFFFF90];
	v9 =	vadd.f32 v0, v4  }
0x4bd: {  	v4 =	vld [tilespmem:s10+$0xFFFFFFA0];
	[tilespmem:s7+$0x60] =	vst v1  }
0x4be: {  	v1 =	vld [tilespmem:s8+$0xFFFFFFA0];
	v5 =	vadd.f32 v8, v7;
	[tilespmem:s7+$0xFFFFFF80] =	vst v9;
	s7 =	smov.u32 s10  }
0x4bf: {  	v7 =	vld [tilespmem:s10+$0xFFFFFFB0];
	v0 =	vmov v3  }
0x4c0: {  	v3 =	vld [tilespmem:s8+$0xFFFFFFB0];
	[tilespmem:s10+$0x70] =	vst v5  }
0x4c1: {  	v2 =	vadd.f32 v2, v6;
	v5 =	vld [tilespmem:s10+$0xFFFFFFC0]  }
0x4c2: {  	v6 =	vld [tilespmem:s8+$0xFFFFFFC0]  }
0x4c3: {  	[tilespmem:s10+$0xFFFFFF90] =	vst v2;
	v1 =	vadd.f32 v1, v4;
	v2 =	vld [tilespmem:s10+$0xFFFFFFD0]  }
0x4c4: {  	v4 =	vld [tilespmem:s8+$0xFFFFFFD0]  }
0x4c5: {  	[tilespmem:s10+$0xFFFFFFA0] =	vst v1;
	v1 =	vadd.f32 v3, v7;
	v3 =	vld [tilespmem:s10+$0xFFFFFFE0]  }
0x4c6: {  	v7 =	vld [tilespmem:s8+$0xFFFFFFE0]  }
0x4c7: {  	[tilespmem:s10+$0xFFFFFFB0] =	vst v1;
	v1 =	vadd.f32 v6, v5;
	v5 =	vld [tilespmem:s10+$0xFFFFFFF0]  }
0x4c8: {  	v6 =	vld [tilespmem:s8+$0xFFFFFFF0]  }
0x4c9: {  	[tilespmem:s10+$0xFFFFFFC0] =	vst v1;
	v1 =	vadd.f32 v4, v2;
	v2 =	vld [tilespmem:s10+$0x0]  }
0x4ca: {  	v4 =	vld [tilespmem:s8+$0x0]  }
0x4cb: {  	[tilespmem:s10+$0xFFFFFFD0] =	vst v1;
	v1 =	vadd.f32 v7, v3;
	v3 =	vld [tilespmem:s10+$0x10]  }
0x4cc: {  	v7 =	vld [tilespmem:s8+$0x10]  }
0x4cd: {  	[tilespmem:s10+$0xFFFFFFE0] =	vst v1;
	v1 =	vadd.f32 v6, v5;
	v5 =	vld [tilespmem:s10+$0x20]  }
0x4ce: {  	v6 =	vld [tilespmem:s8+$0x20]  }
0x4cf: {  	[tilespmem:s10+$0xFFFFFFF0] =	vst v1;
	v1 =	vadd.f32 v4, v2;
	v2 =	vld [tilespmem:s10+$0x30]  }
0x4d0: {  	v4 =	vld [tilespmem:s8+$0x30]  }
0x4d1: {  	[tilespmem:s10+$0x0] =	vst v1;
	v1 =	vadd.f32 v7, v3;
	v7 =	vld [tilespmem:s10+$0x40]  }
0x4d2: {  	v8 =	vld [tilespmem:s8+$0x40]  }
.Ltmp15:
0x4d3: {  	[tilespmem:s10+$0x10] =	vst v1;
	v5 =	vadd.f32 v6, v5;
	v1 =	vld [tilespmem:s10+$0x50];
	(pc) =	sbr.rel @p0 .LBB2_31-.Ltmp15, $4  }
0x4d4: {  	v3 =	vld [tilespmem:s8+$0x50]  }
0x4d5: {  	[tilespmem:s10+$0x20] =	vst v5;
	v6 =	vadd.f32 v4, v2;
	v2 =	vld [tilespmem:s10+$0x60]  }
0x4d6: {  	v5 =	vld [tilespmem:s8+$0x60]  }
0x4d7: {  	s10 =	sadd.s32 $0x100, s10;
	v4 =	vld [tilespmem:s7+$0xFFFFFF80];
	[tilespmem:s7+$0x30] =	vst v6;
	v6 =	vadd.f32 v8, v7  }
0x4d8: {  	_ =	sdelay $0x1  }
0x4d9: {  	v1 =	vadd.f32 v3, v1  }
0x4da: {  	[tilespmem:s7+$0x40] =	vst v6;
	v2 =	vadd.f32 v5, v2  }
0x4db: {  	[tilespmem:s7+$0x50] =	vst v1;
	v0 =	vadd.f32 v0, v4  }
0x4dc: {  	[tilespmem:s7+$0x60] =	vst v2  }
0x4dd: {  	s30 =	sadd.s32 $0x37000, s6;
	s8 =	simm.s32 $0x18D80;
	s31 =	simm.s32 $0x1;
	[tilespmem:s7+$0xFFFFFF80] =	vst v0  }
0x4de: {  	[tilespmem:s8], [sflag:$0x2] =	stream.linear.gather [spmem:s30], $0x500, $0x38;
	[tilespmem:$0x1E780] =	vst v63  }
0x4df: {  	_ =	swait.ge [sflag:s31], $0x500  }
0x4e0: {  	[sflag:s31] =	ssyncset.done $0x0  }
0x4e1: {  	s7 =	simm.s32 $0x19300;
	[sflag:s31] =	ssyncadd.s32 $0xFFFFFB00  }
0x4e2: {  	s8 =	simm.s32 $0x18900;
	v1 =	vld [tilespmem:s7+$0x70]  }
0x4e3: {  	v2 =	vld [tilespmem:s8+$0x70]  }
0x4e4: {  	v0 =	vld [tilespmem:s8+$0xFFFFFF80]  }
0x4e5: {  	v3 =	vld [tilespmem:s7+$0xFFFFFF90]  }
0x4e6: {  	v4 =	vld [tilespmem:s8+$0xFFFFFF90]  }
0x4e7: {  	v5 =	vld [tilespmem:s7+$0xFFFFFFA0]  }
0x4e8: {  	v6 =	vld [tilespmem:s8+$0xFFFFFFA0]  }
0x4e9: {  	v7 =	vld [tilespmem:s7+$0xFFFFFFB0]  }
0x4ea: {  	v8 =	vld [tilespmem:s8+$0xFFFFFFB0]  }
0x4eb: {  	v9 =	vld [tilespmem:s7+$0xFFFFFFC0]  }
0x4ec: {  	v10 =	vld [tilespmem:s8+$0xFFFFFFC0]  }
0x4ed: {  	v11 =	vld [tilespmem:s7+$0xFFFFFFD0]  }
0x4ee: {  	v12 =	vld [tilespmem:s8+$0xFFFFFFD0]  }
0x4ef: {  	v13 =	vld [tilespmem:s7+$0xFFFFFFE0]  }
0x4f0: {  	v14 =	vld [tilespmem:s8+$0xFFFFFFE0]  }
0x4f1: {  	v15 =	vld [tilespmem:s7+$0xFFFFFFF0]  }
0x4f2: {  	v16 =	vld [tilespmem:s8+$0xFFFFFFF0]  }
0x4f3: {  	v17 =	vld [tilespmem:s7+$0x0]  }
0x4f4: {  	v61 =	vld [tilespmem:s8+$0x30];
	v1 =	vadd.f32 v2, v1  }
0x4f5: {  	v2 =	vld [tilespmem:s8+$0x0];
	v3 =	vadd.f32 v4, v3  }
0x4f6: {  	v4 =	vld [tilespmem:s7+$0x10];
	[tilespmem:s7+$0x70] =	vst v1;
	v1 =	vadd.f32 v6, v5  }
0x4f7: {  	v5 =	vld [tilespmem:s8+$0x10];
	[tilespmem:s7+$0xFFFFFF90] =	vst v3;
	v3 =	vadd.f32 v8, v7  }
0x4f8: {  	v6 =	vld [tilespmem:s7+$0x20];
	[tilespmem:s7+$0xFFFFFFA0] =	vst v1;
	v1 =	vadd.f32 v10, v9  }
0x4f9: {  	v7 =	vld [tilespmem:s8+$0x20];
	[tilespmem:s7+$0xFFFFFFB0] =	vst v3;
	v3 =	vadd.f32 v12, v11  }
0x4fa: {  	v8 =	vld [tilespmem:s7+$0x30];
	v2 =	vadd.f32 v2, v17;
	[tilespmem:s7+$0xFFFFFFC0] =	vst v1  }
0x4fb: {  	v62 =	vld [tilespmem:s7+$0x40];
	v1 =	vadd.f32 v14, v13;
	[tilespmem:s7+$0xFFFFFFD0] =	vst v3  }
0x4fc: {  	v63 =	vld [tilespmem:s8+$0x40];
	v3 =	vadd.f32 v16, v15;
	[tilespmem:s7+$0x0] =	vst v2  }
0x4fd: {  	v4 =	vadd.f32 v5, v4;
	[tilespmem:s7+$0xFFFFFFE0] =	vst v1;
	v1 =	vld [tilespmem:s7+$0x50]  }
0x4fe: {  	v5 =	vadd.f32 v7, v6;
	[tilespmem:s7+$0xFFFFFFF0] =	vst v3;
	v3 =	vld [tilespmem:s8+$0x50]  }
0x4ff: {  	v6 =	vadd.f32 v61, v8;
	v2 =	vld [tilespmem:s7+$0x60];
	[tilespmem:s7+$0x10] =	vst v4  }
0x500: {  	[tilespmem:s7+$0x20] =	vst v5;
	v5 =	vld [tilespmem:s8+$0x60]  }
0x501: {  	s9 =	simm.s32 $0x0;
	s10 =	simm.s32 $0x19400;
	v4 =	vld [tilespmem:s7+$0xFFFFFF80];
	[tilespmem:s7+$0x30] =	vst v6;
	v6 =	vadd.f32 v63, v62  }
.LBB2_33:
0x502: {  	v7 =	vld [tilespmem:s10+$0x70];
	s8 =	sadd.s32 $0x100, s8  }
0x503: {  	s9 =	sadd.s32 $0x100, s9;
	v8 =	vld [tilespmem:s8+$0x70];
	[tilespmem:s7+$0x40] =	vst v6;
	v1 =	vadd.f32 v3, v1  }
0x504: {  	p0 =	slt.u32 s9, $0x400;
	v3 =	vld [tilespmem:s8+$0xFFFFFF80]  }
0x505: {  	v6 =	vld [tilespmem:s10+$0xFFFFFF90];
	[tilespmem:s7+$0x50] =	vst v1;
	v1 =	vadd.f32 v5, v2  }
0x506: {  	v2 =	vld [tilespmem:s8+$0xFFFFFF90];
	v9 =	vadd.f32 v0, v4  }
0x507: {  	v4 =	vld [tilespmem:s10+$0xFFFFFFA0];
	[tilespmem:s7+$0x60] =	vst v1  }
0x508: {  	v1 =	vld [tilespmem:s8+$0xFFFFFFA0];
	v5 =	vadd.f32 v8, v7;
	[tilespmem:s7+$0xFFFFFF80] =	vst v9;
	s7 =	smov.u32 s10  }
0x509: {  	v7 =	vld [tilespmem:s10+$0xFFFFFFB0];
	v0 =	vmov v3  }
0x50a: {  	v3 =	vld [tilespmem:s8+$0xFFFFFFB0];
	[tilespmem:s10+$0x70] =	vst v5  }
0x50b: {  	v2 =	vadd.f32 v2, v6;
	v5 =	vld [tilespmem:s10+$0xFFFFFFC0]  }
0x50c: {  	v6 =	vld [tilespmem:s8+$0xFFFFFFC0]  }
0x50d: {  	[tilespmem:s10+$0xFFFFFF90] =	vst v2;
	v1 =	vadd.f32 v1, v4;
	v2 =	vld [tilespmem:s10+$0xFFFFFFD0]  }
0x50e: {  	v4 =	vld [tilespmem:s8+$0xFFFFFFD0]  }
0x50f: {  	[tilespmem:s10+$0xFFFFFFA0] =	vst v1;
	v1 =	vadd.f32 v3, v7;
	v3 =	vld [tilespmem:s10+$0xFFFFFFE0]  }
0x510: {  	v7 =	vld [tilespmem:s8+$0xFFFFFFE0]  }
0x511: {  	[tilespmem:s10+$0xFFFFFFB0] =	vst v1;
	v1 =	vadd.f32 v6, v5;
	v5 =	vld [tilespmem:s10+$0xFFFFFFF0]  }
0x512: {  	v6 =	vld [tilespmem:s8+$0xFFFFFFF0]  }
0x513: {  	[tilespmem:s10+$0xFFFFFFC0] =	vst v1;
	v1 =	vadd.f32 v4, v2;
	v2 =	vld [tilespmem:s10+$0x0]  }
0x514: {  	v4 =	vld [tilespmem:s8+$0x0]  }
0x515: {  	[tilespmem:s10+$0xFFFFFFD0] =	vst v1;
	v1 =	vadd.f32 v7, v3;
	v3 =	vld [tilespmem:s10+$0x10]  }
0x516: {  	v7 =	vld [tilespmem:s8+$0x10]  }
0x517: {  	[tilespmem:s10+$0xFFFFFFE0] =	vst v1;
	v1 =	vadd.f32 v6, v5;
	v5 =	vld [tilespmem:s10+$0x20]  }
0x518: {  	v6 =	vld [tilespmem:s8+$0x20]  }
0x519: {  	[tilespmem:s10+$0xFFFFFFF0] =	vst v1;
	v1 =	vadd.f32 v4, v2;
	v2 =	vld [tilespmem:s10+$0x30]  }
0x51a: {  	v4 =	vld [tilespmem:s8+$0x30]  }
0x51b: {  	[tilespmem:s10+$0x0] =	vst v1;
	v1 =	vadd.f32 v7, v3;
	v7 =	vld [tilespmem:s10+$0x40]  }
0x51c: {  	v8 =	vld [tilespmem:s8+$0x40]  }
.Ltmp16:
0x51d: {  	[tilespmem:s10+$0x10] =	vst v1;
	v5 =	vadd.f32 v6, v5;
	v1 =	vld [tilespmem:s10+$0x50];
	(pc) =	sbr.rel @p0 .LBB2_33-.Ltmp16, $4  }
0x51e: {  	v3 =	vld [tilespmem:s8+$0x50]  }
0x51f: {  	[tilespmem:s10+$0x20] =	vst v5;
	v6 =	vadd.f32 v4, v2;
	v2 =	vld [tilespmem:s10+$0x60]  }
0x520: {  	v5 =	vld [tilespmem:s8+$0x60]  }
0x521: {  	s10 =	sadd.s32 $0x100, s10;
	v4 =	vld [tilespmem:s7+$0xFFFFFF80];
	[tilespmem:s7+$0x30] =	vst v6;
	v6 =	vadd.f32 v8, v7  }
0x522: {  	_ =	sdelay $0x1  }
0x523: {  	v1 =	vadd.f32 v3, v1  }
0x524: {  	[tilespmem:s7+$0x40] =	vst v6;
	v2 =	vadd.f32 v5, v2  }
0x525: {  	[tilespmem:s7+$0x50] =	vst v1;
	v0 =	vadd.f32 v0, v4  }
0x526: {  	[tilespmem:s7+$0x60] =	vst v2  }
0x527: {  	s30 =	sadd.s32 $0x3C000, s6;
	s8 =	simm.s32 $0x18880;
	s31 =	simm.s32 $0x2;
	[tilespmem:s7+$0xFFFFFF80] =	vst v0  }
0x528: {  	[tilespmem:s8], [sflag:$0x1] =	stream.linear.gather [spmem:s30], $0x500, $0x38;
	[tilespmem:$0x1E780] =	vst v63  }
0x529: {  	_ =	swait.ge [sflag:s31], $0x500  }
0x52a: {  	[sflag:s31] =	ssyncset.done $0x0  }
0x52b: {  	s7 =	simm.s32 $0x19300;
	[sflag:s31] =	ssyncadd.s32 $0xFFFFFB00  }
0x52c: {  	s8 =	simm.s32 $0x18E00;
	v1 =	vld [tilespmem:s7+$0x70]  }
0x52d: {  	v2 =	vld [tilespmem:s8+$0x70]  }
0x52e: {  	v0 =	vld [tilespmem:s8+$0xFFFFFF80]  }
0x52f: {  	v3 =	vld [tilespmem:s7+$0xFFFFFF90]  }
0x530: {  	v4 =	vld [tilespmem:s8+$0xFFFFFF90]  }
0x531: {  	v5 =	vld [tilespmem:s7+$0xFFFFFFA0]  }
0x532: {  	v6 =	vld [tilespmem:s8+$0xFFFFFFA0]  }
0x533: {  	v7 =	vld [tilespmem:s7+$0xFFFFFFB0]  }
0x534: {  	v8 =	vld [tilespmem:s8+$0xFFFFFFB0]  }
0x535: {  	v9 =	vld [tilespmem:s7+$0xFFFFFFC0]  }
0x536: {  	v10 =	vld [tilespmem:s8+$0xFFFFFFC0]  }
0x537: {  	v11 =	vld [tilespmem:s7+$0xFFFFFFD0]  }
0x538: {  	v12 =	vld [tilespmem:s8+$0xFFFFFFD0]  }
0x539: {  	v13 =	vld [tilespmem:s7+$0xFFFFFFE0]  }
0x53a: {  	v14 =	vld [tilespmem:s8+$0xFFFFFFE0]  }
0x53b: {  	v15 =	vld [tilespmem:s7+$0xFFFFFFF0]  }
0x53c: {  	v16 =	vld [tilespmem:s8+$0xFFFFFFF0]  }
0x53d: {  	v17 =	vld [tilespmem:s7+$0x0]  }
0x53e: {  	v61 =	vld [tilespmem:s8+$0x30];
	v1 =	vadd.f32 v2, v1  }
0x53f: {  	v2 =	vld [tilespmem:s8+$0x0];
	v3 =	vadd.f32 v4, v3  }
0x540: {  	v4 =	vld [tilespmem:s7+$0x10];
	[tilespmem:s7+$0x70] =	vst v1;
	v1 =	vadd.f32 v6, v5  }
0x541: {  	v5 =	vld [tilespmem:s8+$0x10];
	[tilespmem:s7+$0xFFFFFF90] =	vst v3;
	v3 =	vadd.f32 v8, v7  }
0x542: {  	v6 =	vld [tilespmem:s7+$0x20];
	[tilespmem:s7+$0xFFFFFFA0] =	vst v1;
	v1 =	vadd.f32 v10, v9  }
0x543: {  	v7 =	vld [tilespmem:s8+$0x20];
	[tilespmem:s7+$0xFFFFFFB0] =	vst v3;
	v3 =	vadd.f32 v12, v11  }
0x544: {  	v8 =	vld [tilespmem:s7+$0x30];
	v2 =	vadd.f32 v2, v17;
	[tilespmem:s7+$0xFFFFFFC0] =	vst v1  }
0x545: {  	v62 =	vld [tilespmem:s7+$0x40];
	v1 =	vadd.f32 v14, v13;
	[tilespmem:s7+$0xFFFFFFD0] =	vst v3  }
0x546: {  	v63 =	vld [tilespmem:s8+$0x40];
	v3 =	vadd.f32 v16, v15;
	[tilespmem:s7+$0x0] =	vst v2  }
0x547: {  	v4 =	vadd.f32 v5, v4;
	[tilespmem:s7+$0xFFFFFFE0] =	vst v1;
	v1 =	vld [tilespmem:s7+$0x50]  }
0x548: {  	v5 =	vadd.f32 v7, v6;
	[tilespmem:s7+$0xFFFFFFF0] =	vst v3;
	v3 =	vld [tilespmem:s8+$0x50]  }
0x549: {  	v6 =	vadd.f32 v61, v8;
	v2 =	vld [tilespmem:s7+$0x60];
	[tilespmem:s7+$0x10] =	vst v4  }
0x54a: {  	[tilespmem:s7+$0x20] =	vst v5;
	v5 =	vld [tilespmem:s8+$0x60]  }
0x54b: {  	s9 =	simm.s32 $0x0;
	s10 =	simm.s32 $0x19400;
	v4 =	vld [tilespmem:s7+$0xFFFFFF80];
	[tilespmem:s7+$0x30] =	vst v6;
	v6 =	vadd.f32 v63, v62  }
.LBB2_35:
0x54c: {  	v7 =	vld [tilespmem:s10+$0x70];
	s8 =	sadd.s32 $0x100, s8  }
0x54d: {  	s9 =	sadd.s32 $0x100, s9;
	v8 =	vld [tilespmem:s8+$0x70];
	[tilespmem:s7+$0x40] =	vst v6;
	v1 =	vadd.f32 v3, v1  }
0x54e: {  	p0 =	slt.u32 s9, $0x400;
	v3 =	vld [tilespmem:s8+$0xFFFFFF80]  }
0x54f: {  	v6 =	vld [tilespmem:s10+$0xFFFFFF90];
	[tilespmem:s7+$0x50] =	vst v1;
	v1 =	vadd.f32 v5, v2  }
0x550: {  	v2 =	vld [tilespmem:s8+$0xFFFFFF90];
	v9 =	vadd.f32 v0, v4  }
0x551: {  	v4 =	vld [tilespmem:s10+$0xFFFFFFA0];
	[tilespmem:s7+$0x60] =	vst v1  }
0x552: {  	v1 =	vld [tilespmem:s8+$0xFFFFFFA0];
	v5 =	vadd.f32 v8, v7;
	[tilespmem:s7+$0xFFFFFF80] =	vst v9;
	s7 =	smov.u32 s10  }
0x553: {  	v7 =	vld [tilespmem:s10+$0xFFFFFFB0];
	v0 =	vmov v3  }
0x554: {  	v3 =	vld [tilespmem:s8+$0xFFFFFFB0];
	[tilespmem:s10+$0x70] =	vst v5  }
0x555: {  	v2 =	vadd.f32 v2, v6;
	v5 =	vld [tilespmem:s10+$0xFFFFFFC0]  }
0x556: {  	v6 =	vld [tilespmem:s8+$0xFFFFFFC0]  }
0x557: {  	[tilespmem:s10+$0xFFFFFF90] =	vst v2;
	v1 =	vadd.f32 v1, v4;
	v2 =	vld [tilespmem:s10+$0xFFFFFFD0]  }
0x558: {  	v4 =	vld [tilespmem:s8+$0xFFFFFFD0]  }
0x559: {  	[tilespmem:s10+$0xFFFFFFA0] =	vst v1;
	v1 =	vadd.f32 v3, v7;
	v3 =	vld [tilespmem:s10+$0xFFFFFFE0]  }
0x55a: {  	v7 =	vld [tilespmem:s8+$0xFFFFFFE0]  }
0x55b: {  	[tilespmem:s10+$0xFFFFFFB0] =	vst v1;
	v1 =	vadd.f32 v6, v5;
	v5 =	vld [tilespmem:s10+$0xFFFFFFF0]  }
0x55c: {  	v6 =	vld [tilespmem:s8+$0xFFFFFFF0]  }
0x55d: {  	[tilespmem:s10+$0xFFFFFFC0] =	vst v1;
	v1 =	vadd.f32 v4, v2;
	v2 =	vld [tilespmem:s10+$0x0]  }
0x55e: {  	v4 =	vld [tilespmem:s8+$0x0]  }
0x55f: {  	[tilespmem:s10+$0xFFFFFFD0] =	vst v1;
	v1 =	vadd.f32 v7, v3;
	v3 =	vld [tilespmem:s10+$0x10]  }
0x560: {  	v7 =	vld [tilespmem:s8+$0x10]  }
0x561: {  	[tilespmem:s10+$0xFFFFFFE0] =	vst v1;
	v1 =	vadd.f32 v6, v5;
	v5 =	vld [tilespmem:s10+$0x20]  }
0x562: {  	v6 =	vld [tilespmem:s8+$0x20]  }
0x563: {  	[tilespmem:s10+$0xFFFFFFF0] =	vst v1;
	v1 =	vadd.f32 v4, v2;
	v2 =	vld [tilespmem:s10+$0x30]  }
0x564: {  	v4 =	vld [tilespmem:s8+$0x30]  }
0x565: {  	[tilespmem:s10+$0x0] =	vst v1;
	v1 =	vadd.f32 v7, v3;
	v7 =	vld [tilespmem:s10+$0x40]  }
0x566: {  	v8 =	vld [tilespmem:s8+$0x40]  }
.Ltmp17:
0x567: {  	[tilespmem:s10+$0x10] =	vst v1;
	v5 =	vadd.f32 v6, v5;
	v1 =	vld [tilespmem:s10+$0x50];
	(pc) =	sbr.rel @p0 .LBB2_35-.Ltmp17, $4  }
0x568: {  	v3 =	vld [tilespmem:s8+$0x50]  }
0x569: {  	[tilespmem:s10+$0x20] =	vst v5;
	v6 =	vadd.f32 v4, v2;
	v2 =	vld [tilespmem:s10+$0x60]  }
0x56a: {  	v5 =	vld [tilespmem:s8+$0x60]  }
0x56b: {  	s10 =	sadd.s32 $0x100, s10;
	v4 =	vld [tilespmem:s7+$0xFFFFFF80];
	[tilespmem:s7+$0x30] =	vst v6;
	v6 =	vadd.f32 v8, v7  }
0x56c: {  	_ =	sdelay $0x1  }
0x56d: {  	v1 =	vadd.f32 v3, v1  }
0x56e: {  	[tilespmem:s7+$0x40] =	vst v6;
	v2 =	vadd.f32 v5, v2  }
0x56f: {  	[tilespmem:s7+$0x50] =	vst v1;
	v0 =	vadd.f32 v0, v4  }
0x570: {  	[tilespmem:s7+$0x60] =	vst v2  }
0x571: {  	s30 =	sadd.s32 $0x41000, s6;
	s8 =	simm.s32 $0x18D80;
	s31 =	simm.s32 $0x1;
	[tilespmem:s7+$0xFFFFFF80] =	vst v0  }
0x572: {  	[tilespmem:s8], [sflag:$0x2] =	stream.linear.gather [spmem:s30], $0x500, $0x38;
	[tilespmem:$0x1E780] =	vst v63  }
0x573: {  	_ =	swait.ge [sflag:s31], $0x500  }
0x574: {  	[sflag:s31] =	ssyncset.done $0x0  }
0x575: {  	s7 =	simm.s32 $0x19300;
	[sflag:s31] =	ssyncadd.s32 $0xFFFFFB00  }
0x576: {  	s8 =	simm.s32 $0x18900;
	v1 =	vld [tilespmem:s7+$0x70]  }
0x577: {  	v2 =	vld [tilespmem:s8+$0x70]  }
0x578: {  	v0 =	vld [tilespmem:s8+$0xFFFFFF80]  }
0x579: {  	v3 =	vld [tilespmem:s7+$0xFFFFFF90]  }
0x57a: {  	v4 =	vld [tilespmem:s8+$0xFFFFFF90]  }
0x57b: {  	v5 =	vld [tilespmem:s7+$0xFFFFFFA0]  }
0x57c: {  	v6 =	vld [tilespmem:s8+$0xFFFFFFA0]  }
0x57d: {  	v7 =	vld [tilespmem:s7+$0xFFFFFFB0]  }
0x57e: {  	v8 =	vld [tilespmem:s8+$0xFFFFFFB0]  }
0x57f: {  	v9 =	vld [tilespmem:s7+$0xFFFFFFC0]  }
0x580: {  	v10 =	vld [tilespmem:s8+$0xFFFFFFC0]  }
0x581: {  	v11 =	vld [tilespmem:s7+$0xFFFFFFD0]  }
0x582: {  	v12 =	vld [tilespmem:s8+$0xFFFFFFD0]  }
0x583: {  	v13 =	vld [tilespmem:s7+$0xFFFFFFE0]  }
0x584: {  	v14 =	vld [tilespmem:s8+$0xFFFFFFE0]  }
0x585: {  	v15 =	vld [tilespmem:s7+$0xFFFFFFF0]  }
0x586: {  	v16 =	vld [tilespmem:s8+$0xFFFFFFF0]  }
0x587: {  	v17 =	vld [tilespmem:s7+$0x0]  }
0x588: {  	v61 =	vld [tilespmem:s8+$0x30];
	v1 =	vadd.f32 v2, v1  }
0x589: {  	v2 =	vld [tilespmem:s8+$0x0];
	v3 =	vadd.f32 v4, v3  }
0x58a: {  	v4 =	vld [tilespmem:s7+$0x10];
	[tilespmem:s7+$0x70] =	vst v1;
	v1 =	vadd.f32 v6, v5  }
0x58b: {  	v5 =	vld [tilespmem:s8+$0x10];
	[tilespmem:s7+$0xFFFFFF90] =	vst v3;
	v3 =	vadd.f32 v8, v7  }
0x58c: {  	v6 =	vld [tilespmem:s7+$0x20];
	[tilespmem:s7+$0xFFFFFFA0] =	vst v1;
	v1 =	vadd.f32 v10, v9  }
0x58d: {  	v7 =	vld [tilespmem:s8+$0x20];
	[tilespmem:s7+$0xFFFFFFB0] =	vst v3;
	v3 =	vadd.f32 v12, v11  }
0x58e: {  	v8 =	vld [tilespmem:s7+$0x30];
	v2 =	vadd.f32 v2, v17;
	[tilespmem:s7+$0xFFFFFFC0] =	vst v1  }
0x58f: {  	v62 =	vld [tilespmem:s7+$0x40];
	v1 =	vadd.f32 v14, v13;
	[tilespmem:s7+$0xFFFFFFD0] =	vst v3  }
0x590: {  	v63 =	vld [tilespmem:s8+$0x40];
	v3 =	vadd.f32 v16, v15;
	[tilespmem:s7+$0x0] =	vst v2  }
0x591: {  	v4 =	vadd.f32 v5, v4;
	[tilespmem:s7+$0xFFFFFFE0] =	vst v1;
	v1 =	vld [tilespmem:s7+$0x50]  }
0x592: {  	v5 =	vadd.f32 v7, v6;
	[tilespmem:s7+$0xFFFFFFF0] =	vst v3;
	v3 =	vld [tilespmem:s8+$0x50]  }
0x593: {  	v6 =	vadd.f32 v61, v8;
	v2 =	vld [tilespmem:s7+$0x60];
	[tilespmem:s7+$0x10] =	vst v4  }
0x594: {  	[tilespmem:s7+$0x20] =	vst v5;
	v5 =	vld [tilespmem:s8+$0x60]  }
0x595: {  	s9 =	simm.s32 $0x0;
	s10 =	simm.s32 $0x19400;
	v4 =	vld [tilespmem:s7+$0xFFFFFF80];
	[tilespmem:s7+$0x30] =	vst v6;
	v6 =	vadd.f32 v63, v62  }
.LBB2_37:
0x596: {  	v7 =	vld [tilespmem:s10+$0x70];
	s8 =	sadd.s32 $0x100, s8  }
0x597: {  	s9 =	sadd.s32 $0x100, s9;
	v8 =	vld [tilespmem:s8+$0x70];
	[tilespmem:s7+$0x40] =	vst v6;
	v1 =	vadd.f32 v3, v1  }
0x598: {  	p0 =	slt.u32 s9, $0x400;
	v3 =	vld [tilespmem:s8+$0xFFFFFF80]  }
0x599: {  	v6 =	vld [tilespmem:s10+$0xFFFFFF90];
	[tilespmem:s7+$0x50] =	vst v1;
	v1 =	vadd.f32 v5, v2  }
0x59a: {  	v2 =	vld [tilespmem:s8+$0xFFFFFF90];
	v9 =	vadd.f32 v0, v4  }
0x59b: {  	v4 =	vld [tilespmem:s10+$0xFFFFFFA0];
	[tilespmem:s7+$0x60] =	vst v1  }
0x59c: {  	v1 =	vld [tilespmem:s8+$0xFFFFFFA0];
	v5 =	vadd.f32 v8, v7;
	[tilespmem:s7+$0xFFFFFF80] =	vst v9;
	s7 =	smov.u32 s10  }
0x59d: {  	v7 =	vld [tilespmem:s10+$0xFFFFFFB0];
	v0 =	vmov v3  }
0x59e: {  	v3 =	vld [tilespmem:s8+$0xFFFFFFB0];
	[tilespmem:s10+$0x70] =	vst v5  }
0x59f: {  	v2 =	vadd.f32 v2, v6;
	v5 =	vld [tilespmem:s10+$0xFFFFFFC0]  }
0x5a0: {  	v6 =	vld [tilespmem:s8+$0xFFFFFFC0]  }
0x5a1: {  	[tilespmem:s10+$0xFFFFFF90] =	vst v2;
	v1 =	vadd.f32 v1, v4;
	v2 =	vld [tilespmem:s10+$0xFFFFFFD0]  }
0x5a2: {  	v4 =	vld [tilespmem:s8+$0xFFFFFFD0]  }
0x5a3: {  	[tilespmem:s10+$0xFFFFFFA0] =	vst v1;
	v1 =	vadd.f32 v3, v7;
	v3 =	vld [tilespmem:s10+$0xFFFFFFE0]  }
0x5a4: {  	v7 =	vld [tilespmem:s8+$0xFFFFFFE0]  }
0x5a5: {  	[tilespmem:s10+$0xFFFFFFB0] =	vst v1;
	v1 =	vadd.f32 v6, v5;
	v5 =	vld [tilespmem:s10+$0xFFFFFFF0]  }
0x5a6: {  	v6 =	vld [tilespmem:s8+$0xFFFFFFF0]  }
0x5a7: {  	[tilespmem:s10+$0xFFFFFFC0] =	vst v1;
	v1 =	vadd.f32 v4, v2;
	v2 =	vld [tilespmem:s10+$0x0]  }
0x5a8: {  	v4 =	vld [tilespmem:s8+$0x0]  }
0x5a9: {  	[tilespmem:s10+$0xFFFFFFD0] =	vst v1;
	v1 =	vadd.f32 v7, v3;
	v3 =	vld [tilespmem:s10+$0x10]  }
0x5aa: {  	v7 =	vld [tilespmem:s8+$0x10]  }
0x5ab: {  	[tilespmem:s10+$0xFFFFFFE0] =	vst v1;
	v1 =	vadd.f32 v6, v5;
	v5 =	vld [tilespmem:s10+$0x20]  }
0x5ac: {  	v6 =	vld [tilespmem:s8+$0x20]  }
0x5ad: {  	[tilespmem:s10+$0xFFFFFFF0] =	vst v1;
	v1 =	vadd.f32 v4, v2;
	v2 =	vld [tilespmem:s10+$0x30]  }
0x5ae: {  	v4 =	vld [tilespmem:s8+$0x30]  }
0x5af: {  	[tilespmem:s10+$0x0] =	vst v1;
	v1 =	vadd.f32 v7, v3;
	v7 =	vld [tilespmem:s10+$0x40]  }
0x5b0: {  	v8 =	vld [tilespmem:s8+$0x40]  }
.Ltmp18:
0x5b1: {  	[tilespmem:s10+$0x10] =	vst v1;
	v5 =	vadd.f32 v6, v5;
	v1 =	vld [tilespmem:s10+$0x50];
	(pc) =	sbr.rel @p0 .LBB2_37-.Ltmp18, $4  }
0x5b2: {  	v3 =	vld [tilespmem:s8+$0x50]  }
0x5b3: {  	[tilespmem:s10+$0x20] =	vst v5;
	v6 =	vadd.f32 v4, v2;
	v2 =	vld [tilespmem:s10+$0x60]  }
0x5b4: {  	v5 =	vld [tilespmem:s8+$0x60]  }
0x5b5: {  	s10 =	sadd.s32 $0x100, s10;
	v4 =	vld [tilespmem:s7+$0xFFFFFF80];
	[tilespmem:s7+$0x30] =	vst v6;
	v6 =	vadd.f32 v8, v7  }
0x5b6: {  	_ =	sdelay $0x1  }
0x5b7: {  	v1 =	vadd.f32 v3, v1  }
0x5b8: {  	[tilespmem:s7+$0x40] =	vst v6;
	v2 =	vadd.f32 v5, v2  }
0x5b9: {  	[tilespmem:s7+$0x50] =	vst v1;
	v0 =	vadd.f32 v0, v4  }
0x5ba: {  	[tilespmem:s7+$0x60] =	vst v2  }
0x5bb: {  	s30 =	sadd.s32 $0x46000, s6;
	s8 =	simm.s32 $0x18880;
	s31 =	simm.s32 $0x2;
	[tilespmem:s7+$0xFFFFFF80] =	vst v0  }
0x5bc: {  	[tilespmem:s8], [sflag:$0x1] =	stream.linear.gather [spmem:s30], $0x500, $0x38;
	[tilespmem:$0x1E780] =	vst v63  }
0x5bd: {  	_ =	swait.ge [sflag:s31], $0x500  }
0x5be: {  	[sflag:s31] =	ssyncset.done $0x0  }
0x5bf: {  	s7 =	simm.s32 $0x19300;
	[sflag:s31] =	ssyncadd.s32 $0xFFFFFB00  }
0x5c0: {  	s8 =	simm.s32 $0x18E00;
	v1 =	vld [tilespmem:s7+$0x70]  }
0x5c1: {  	v2 =	vld [tilespmem:s8+$0x70]  }
0x5c2: {  	v0 =	vld [tilespmem:s8+$0xFFFFFF80]  }
0x5c3: {  	v3 =	vld [tilespmem:s7+$0xFFFFFF90]  }
0x5c4: {  	v4 =	vld [tilespmem:s8+$0xFFFFFF90]  }
0x5c5: {  	v5 =	vld [tilespmem:s7+$0xFFFFFFA0]  }
0x5c6: {  	v6 =	vld [tilespmem:s8+$0xFFFFFFA0]  }
0x5c7: {  	v7 =	vld [tilespmem:s7+$0xFFFFFFB0]  }
0x5c8: {  	v8 =	vld [tilespmem:s8+$0xFFFFFFB0]  }
0x5c9: {  	v9 =	vld [tilespmem:s7+$0xFFFFFFC0]  }
0x5ca: {  	v10 =	vld [tilespmem:s8+$0xFFFFFFC0]  }
0x5cb: {  	v11 =	vld [tilespmem:s7+$0xFFFFFFD0]  }
0x5cc: {  	v12 =	vld [tilespmem:s8+$0xFFFFFFD0]  }
0x5cd: {  	v13 =	vld [tilespmem:s7+$0xFFFFFFE0]  }
0x5ce: {  	v14 =	vld [tilespmem:s8+$0xFFFFFFE0]  }
0x5cf: {  	v15 =	vld [tilespmem:s7+$0xFFFFFFF0]  }
0x5d0: {  	v16 =	vld [tilespmem:s8+$0xFFFFFFF0]  }
0x5d1: {  	v17 =	vld [tilespmem:s7+$0x0]  }
0x5d2: {  	v61 =	vld [tilespmem:s8+$0x30];
	v1 =	vadd.f32 v2, v1  }
0x5d3: {  	v2 =	vld [tilespmem:s8+$0x0];
	v3 =	vadd.f32 v4, v3  }
0x5d4: {  	v4 =	vld [tilespmem:s7+$0x10];
	[tilespmem:s7+$0x70] =	vst v1;
	v1 =	vadd.f32 v6, v5  }
0x5d5: {  	v5 =	vld [tilespmem:s8+$0x10];
	[tilespmem:s7+$0xFFFFFF90] =	vst v3;
	v3 =	vadd.f32 v8, v7  }
0x5d6: {  	v6 =	vld [tilespmem:s7+$0x20];
	[tilespmem:s7+$0xFFFFFFA0] =	vst v1;
	v1 =	vadd.f32 v10, v9  }
0x5d7: {  	v7 =	vld [tilespmem:s8+$0x20];
	[tilespmem:s7+$0xFFFFFFB0] =	vst v3;
	v3 =	vadd.f32 v12, v11  }
0x5d8: {  	v8 =	vld [tilespmem:s7+$0x30];
	v2 =	vadd.f32 v2, v17;
	[tilespmem:s7+$0xFFFFFFC0] =	vst v1  }
0x5d9: {  	v62 =	vld [tilespmem:s7+$0x40];
	v1 =	vadd.f32 v14, v13;
	[tilespmem:s7+$0xFFFFFFD0] =	vst v3  }
0x5da: {  	v63 =	vld [tilespmem:s8+$0x40];
	v3 =	vadd.f32 v16, v15;
	[tilespmem:s7+$0x0] =	vst v2  }
0x5db: {  	v4 =	vadd.f32 v5, v4;
	[tilespmem:s7+$0xFFFFFFE0] =	vst v1;
	v1 =	vld [tilespmem:s7+$0x50]  }
0x5dc: {  	v5 =	vadd.f32 v7, v6;
	[tilespmem:s7+$0xFFFFFFF0] =	vst v3;
	v3 =	vld [tilespmem:s8+$0x50]  }
0x5dd: {  	v6 =	vadd.f32 v61, v8;
	v2 =	vld [tilespmem:s7+$0x60];
	[tilespmem:s7+$0x10] =	vst v4  }
0x5de: {  	[tilespmem:s7+$0x20] =	vst v5;
	v5 =	vld [tilespmem:s8+$0x60]  }
0x5df: {  	s9 =	simm.s32 $0x0;
	s10 =	simm.s32 $0x19400;
	v4 =	vld [tilespmem:s7+$0xFFFFFF80];
	[tilespmem:s7+$0x30] =	vst v6;
	v6 =	vadd.f32 v63, v62  }
.LBB2_39:
0x5e0: {  	v7 =	vld [tilespmem:s10+$0x70];
	s8 =	sadd.s32 $0x100, s8  }
0x5e1: {  	s9 =	sadd.s32 $0x100, s9;
	v8 =	vld [tilespmem:s8+$0x70];
	[tilespmem:s7+$0x40] =	vst v6;
	v1 =	vadd.f32 v3, v1  }
0x5e2: {  	p0 =	slt.u32 s9, $0x400;
	v3 =	vld [tilespmem:s8+$0xFFFFFF80]  }
0x5e3: {  	v6 =	vld [tilespmem:s10+$0xFFFFFF90];
	[tilespmem:s7+$0x50] =	vst v1;
	v1 =	vadd.f32 v5, v2  }
0x5e4: {  	v2 =	vld [tilespmem:s8+$0xFFFFFF90];
	v9 =	vadd.f32 v0, v4  }
0x5e5: {  	v4 =	vld [tilespmem:s10+$0xFFFFFFA0];
	[tilespmem:s7+$0x60] =	vst v1  }
0x5e6: {  	v1 =	vld [tilespmem:s8+$0xFFFFFFA0];
	v5 =	vadd.f32 v8, v7;
	[tilespmem:s7+$0xFFFFFF80] =	vst v9;
	s7 =	smov.u32 s10  }
0x5e7: {  	v7 =	vld [tilespmem:s10+$0xFFFFFFB0];
	v0 =	vmov v3  }
0x5e8: {  	v3 =	vld [tilespmem:s8+$0xFFFFFFB0];
	[tilespmem:s10+$0x70] =	vst v5  }
0x5e9: {  	v2 =	vadd.f32 v2, v6;
	v5 =	vld [tilespmem:s10+$0xFFFFFFC0]  }
0x5ea: {  	v6 =	vld [tilespmem:s8+$0xFFFFFFC0]  }
0x5eb: {  	[tilespmem:s10+$0xFFFFFF90] =	vst v2;
	v1 =	vadd.f32 v1, v4;
	v2 =	vld [tilespmem:s10+$0xFFFFFFD0]  }
0x5ec: {  	v4 =	vld [tilespmem:s8+$0xFFFFFFD0]  }
0x5ed: {  	[tilespmem:s10+$0xFFFFFFA0] =	vst v1;
	v1 =	vadd.f32 v3, v7;
	v3 =	vld [tilespmem:s10+$0xFFFFFFE0]  }
0x5ee: {  	v7 =	vld [tilespmem:s8+$0xFFFFFFE0]  }
0x5ef: {  	[tilespmem:s10+$0xFFFFFFB0] =	vst v1;
	v1 =	vadd.f32 v6, v5;
	v5 =	vld [tilespmem:s10+$0xFFFFFFF0]  }
0x5f0: {  	v6 =	vld [tilespmem:s8+$0xFFFFFFF0]  }
0x5f1: {  	[tilespmem:s10+$0xFFFFFFC0] =	vst v1;
	v1 =	vadd.f32 v4, v2;
	v2 =	vld [tilespmem:s10+$0x0]  }
0x5f2: {  	v4 =	vld [tilespmem:s8+$0x0]  }
0x5f3: {  	[tilespmem:s10+$0xFFFFFFD0] =	vst v1;
	v1 =	vadd.f32 v7, v3;
	v3 =	vld [tilespmem:s10+$0x10]  }
0x5f4: {  	v7 =	vld [tilespmem:s8+$0x10]  }
0x5f5: {  	[tilespmem:s10+$0xFFFFFFE0] =	vst v1;
	v1 =	vadd.f32 v6, v5;
	v5 =	vld [tilespmem:s10+$0x20]  }
0x5f6: {  	v6 =	vld [tilespmem:s8+$0x20]  }
0x5f7: {  	[tilespmem:s10+$0xFFFFFFF0] =	vst v1;
	v1 =	vadd.f32 v4, v2;
	v2 =	vld [tilespmem:s10+$0x30]  }
0x5f8: {  	v4 =	vld [tilespmem:s8+$0x30]  }
0x5f9: {  	[tilespmem:s10+$0x0] =	vst v1;
	v1 =	vadd.f32 v7, v3;
	v7 =	vld [tilespmem:s10+$0x40]  }
0x5fa: {  	v8 =	vld [tilespmem:s8+$0x40]  }
.Ltmp19:
0x5fb: {  	[tilespmem:s10+$0x10] =	vst v1;
	v5 =	vadd.f32 v6, v5;
	v1 =	vld [tilespmem:s10+$0x50];
	(pc) =	sbr.rel @p0 .LBB2_39-.Ltmp19, $4  }
0x5fc: {  	v3 =	vld [tilespmem:s8+$0x50]  }
0x5fd: {  	[tilespmem:s10+$0x20] =	vst v5;
	v6 =	vadd.f32 v4, v2;
	v2 =	vld [tilespmem:s10+$0x60]  }
0x5fe: {  	v5 =	vld [tilespmem:s8+$0x60]  }
0x5ff: {  	s10 =	sadd.s32 $0x100, s10;
	v4 =	vld [tilespmem:s7+$0xFFFFFF80];
	[tilespmem:s7+$0x30] =	vst v6;
	v6 =	vadd.f32 v8, v7  }
0x600: {  	_ =	sdelay $0x1  }
0x601: {  	v1 =	vadd.f32 v3, v1  }
0x602: {  	[tilespmem:s7+$0x40] =	vst v6;
	v2 =	vadd.f32 v5, v2  }
0x603: {  	[tilespmem:s7+$0x50] =	vst v1;
	v0 =	vadd.f32 v0, v4  }
0x604: {  	[tilespmem:s7+$0x60] =	vst v2  }
0x605: {  	s30 =	sadd.s32 $0x4B000, s6;
	s8 =	simm.s32 $0x18D80;
	s31 =	simm.s32 $0x1;
	[tilespmem:s7+$0xFFFFFF80] =	vst v0  }
0x606: {  	[tilespmem:s8], [sflag:$0x2] =	stream.linear.gather [spmem:s30], $0x500, $0x38;
	[tilespmem:$0x1E780] =	vst v63  }
0x607: {  	_ =	swait.ge [sflag:s31], $0x500  }
0x608: {  	[sflag:s31] =	ssyncset.done $0x0  }
0x609: {  	s7 =	simm.s32 $0x19300;
	[sflag:s31] =	ssyncadd.s32 $0xFFFFFB00  }
0x60a: {  	s8 =	simm.s32 $0x18900;
	v1 =	vld [tilespmem:s7+$0x70]  }
0x60b: {  	v2 =	vld [tilespmem:s8+$0x70]  }
0x60c: {  	v0 =	vld [tilespmem:s8+$0xFFFFFF80]  }
0x60d: {  	v3 =	vld [tilespmem:s7+$0xFFFFFF90]  }
0x60e: {  	v4 =	vld [tilespmem:s8+$0xFFFFFF90]  }
0x60f: {  	v5 =	vld [tilespmem:s7+$0xFFFFFFA0]  }
0x610: {  	v6 =	vld [tilespmem:s8+$0xFFFFFFA0]  }
0x611: {  	v7 =	vld [tilespmem:s7+$0xFFFFFFB0]  }
0x612: {  	v8 =	vld [tilespmem:s8+$0xFFFFFFB0]  }
0x613: {  	v9 =	vld [tilespmem:s7+$0xFFFFFFC0]  }
0x614: {  	v10 =	vld [tilespmem:s8+$0xFFFFFFC0]  }
0x615: {  	v11 =	vld [tilespmem:s7+$0xFFFFFFD0]  }
0x616: {  	v12 =	vld [tilespmem:s8+$0xFFFFFFD0]  }
0x617: {  	v13 =	vld [tilespmem:s7+$0xFFFFFFE0]  }
0x618: {  	v14 =	vld [tilespmem:s8+$0xFFFFFFE0]  }
0x619: {  	v15 =	vld [tilespmem:s7+$0xFFFFFFF0]  }
0x61a: {  	v16 =	vld [tilespmem:s8+$0xFFFFFFF0]  }
0x61b: {  	v17 =	vld [tilespmem:s7+$0x0]  }
0x61c: {  	v61 =	vld [tilespmem:s8+$0x30];
	v1 =	vadd.f32 v2, v1  }
0x61d: {  	v2 =	vld [tilespmem:s8+$0x0];
	v3 =	vadd.f32 v4, v3  }
0x61e: {  	v4 =	vld [tilespmem:s7+$0x10];
	[tilespmem:s7+$0x70] =	vst v1;
	v1 =	vadd.f32 v6, v5  }
0x61f: {  	v5 =	vld [tilespmem:s8+$0x10];
	[tilespmem:s7+$0xFFFFFF90] =	vst v3;
	v3 =	vadd.f32 v8, v7  }
0x620: {  	v6 =	vld [tilespmem:s7+$0x20];
	[tilespmem:s7+$0xFFFFFFA0] =	vst v1;
	v1 =	vadd.f32 v10, v9  }
0x621: {  	v7 =	vld [tilespmem:s8+$0x20];
	[tilespmem:s7+$0xFFFFFFB0] =	vst v3;
	v3 =	vadd.f32 v12, v11  }
0x622: {  	v8 =	vld [tilespmem:s7+$0x30];
	v2 =	vadd.f32 v2, v17;
	[tilespmem:s7+$0xFFFFFFC0] =	vst v1  }
0x623: {  	v62 =	vld [tilespmem:s7+$0x40];
	v1 =	vadd.f32 v14, v13;
	[tilespmem:s7+$0xFFFFFFD0] =	vst v3  }
0x624: {  	v63 =	vld [tilespmem:s8+$0x40];
	v3 =	vadd.f32 v16, v15;
	[tilespmem:s7+$0x0] =	vst v2  }
0x625: {  	v4 =	vadd.f32 v5, v4;
	[tilespmem:s7+$0xFFFFFFE0] =	vst v1;
	v1 =	vld [tilespmem:s7+$0x50]  }
0x626: {  	v5 =	vadd.f32 v7, v6;
	[tilespmem:s7+$0xFFFFFFF0] =	vst v3;
	v3 =	vld [tilespmem:s8+$0x50]  }
0x627: {  	v6 =	vadd.f32 v61, v8;
	v2 =	vld [tilespmem:s7+$0x60];
	[tilespmem:s7+$0x10] =	vst v4  }
0x628: {  	[tilespmem:s7+$0x20] =	vst v5;
	v5 =	vld [tilespmem:s8+$0x60]  }
0x629: {  	s9 =	simm.s32 $0x0;
	s10 =	simm.s32 $0x19400;
	v4 =	vld [tilespmem:s7+$0xFFFFFF80];
	[tilespmem:s7+$0x30] =	vst v6;
	v6 =	vadd.f32 v63, v62  }
.LBB2_41:
0x62a: {  	v7 =	vld [tilespmem:s10+$0x70];
	s8 =	sadd.s32 $0x100, s8  }
0x62b: {  	s9 =	sadd.s32 $0x100, s9;
	v8 =	vld [tilespmem:s8+$0x70];
	[tilespmem:s7+$0x40] =	vst v6;
	v1 =	vadd.f32 v3, v1  }
0x62c: {  	p0 =	slt.u32 s9, $0x400;
	v3 =	vld [tilespmem:s8+$0xFFFFFF80]  }
0x62d: {  	v6 =	vld [tilespmem:s10+$0xFFFFFF90];
	[tilespmem:s7+$0x50] =	vst v1;
	v1 =	vadd.f32 v5, v2  }
0x62e: {  	v2 =	vld [tilespmem:s8+$0xFFFFFF90];
	v9 =	vadd.f32 v0, v4  }
0x62f: {  	v4 =	vld [tilespmem:s10+$0xFFFFFFA0];
	[tilespmem:s7+$0x60] =	vst v1  }
0x630: {  	v1 =	vld [tilespmem:s8+$0xFFFFFFA0];
	v5 =	vadd.f32 v8, v7;
	[tilespmem:s7+$0xFFFFFF80] =	vst v9;
	s7 =	smov.u32 s10  }
0x631: {  	v7 =	vld [tilespmem:s10+$0xFFFFFFB0];
	v0 =	vmov v3  }
0x632: {  	v3 =	vld [tilespmem:s8+$0xFFFFFFB0];
	[tilespmem:s10+$0x70] =	vst v5  }
0x633: {  	v2 =	vadd.f32 v2, v6;
	v5 =	vld [tilespmem:s10+$0xFFFFFFC0]  }
0x634: {  	v6 =	vld [tilespmem:s8+$0xFFFFFFC0]  }
0x635: {  	[tilespmem:s10+$0xFFFFFF90] =	vst v2;
	v1 =	vadd.f32 v1, v4;
	v2 =	vld [tilespmem:s10+$0xFFFFFFD0]  }
0x636: {  	v4 =	vld [tilespmem:s8+$0xFFFFFFD0]  }
0x637: {  	[tilespmem:s10+$0xFFFFFFA0] =	vst v1;
	v1 =	vadd.f32 v3, v7;
	v3 =	vld [tilespmem:s10+$0xFFFFFFE0]  }
0x638: {  	v7 =	vld [tilespmem:s8+$0xFFFFFFE0]  }
0x639: {  	[tilespmem:s10+$0xFFFFFFB0] =	vst v1;
	v1 =	vadd.f32 v6, v5;
	v5 =	vld [tilespmem:s10+$0xFFFFFFF0]  }
0x63a: {  	v6 =	vld [tilespmem:s8+$0xFFFFFFF0]  }
0x63b: {  	[tilespmem:s10+$0xFFFFFFC0] =	vst v1;
	v1 =	vadd.f32 v4, v2;
	v2 =	vld [tilespmem:s10+$0x0]  }
0x63c: {  	v4 =	vld [tilespmem:s8+$0x0]  }
0x63d: {  	[tilespmem:s10+$0xFFFFFFD0] =	vst v1;
	v1 =	vadd.f32 v7, v3;
	v3 =	vld [tilespmem:s10+$0x10]  }
0x63e: {  	v7 =	vld [tilespmem:s8+$0x10]  }
0x63f: {  	[tilespmem:s10+$0xFFFFFFE0] =	vst v1;
	v1 =	vadd.f32 v6, v5;
	v5 =	vld [tilespmem:s10+$0x20]  }
0x640: {  	v6 =	vld [tilespmem:s8+$0x20]  }
0x641: {  	[tilespmem:s10+$0xFFFFFFF0] =	vst v1;
	v1 =	vadd.f32 v4, v2;
	v2 =	vld [tilespmem:s10+$0x30]  }
0x642: {  	v4 =	vld [tilespmem:s8+$0x30]  }
0x643: {  	[tilespmem:s10+$0x0] =	vst v1;
	v1 =	vadd.f32 v7, v3;
	v7 =	vld [tilespmem:s10+$0x40]  }
0x644: {  	v8 =	vld [tilespmem:s8+$0x40]  }
.Ltmp20:
0x645: {  	[tilespmem:s10+$0x10] =	vst v1;
	v5 =	vadd.f32 v6, v5;
	v1 =	vld [tilespmem:s10+$0x50];
	(pc) =	sbr.rel @p0 .LBB2_41-.Ltmp20, $4  }
0x646: {  	v3 =	vld [tilespmem:s8+$0x50]  }
0x647: {  	[tilespmem:s10+$0x20] =	vst v5;
	v6 =	vadd.f32 v4, v2;
	v2 =	vld [tilespmem:s10+$0x60]  }
0x648: {  	v5 =	vld [tilespmem:s8+$0x60]  }
0x649: {  	s10 =	sadd.s32 $0x100, s10;
	v4 =	vld [tilespmem:s7+$0xFFFFFF80];
	[tilespmem:s7+$0x30] =	vst v6;
	v6 =	vadd.f32 v8, v7  }
0x64a: {  	_ =	sdelay $0x1  }
0x64b: {  	v1 =	vadd.f32 v3, v1  }
0x64c: {  	[tilespmem:s7+$0x40] =	vst v6;
	v2 =	vadd.f32 v5, v2  }
0x64d: {  	[tilespmem:s7+$0x50] =	vst v1;
	v0 =	vadd.f32 v0, v4  }
0x64e: {  	[tilespmem:s7+$0x60] =	vst v2  }
0x64f: {  	s31 =	simm.s32 $0x2;
	[tilespmem:s7+$0xFFFFFF80] =	vst v0  }
0x650: {  	_ =	swait.ge [sflag:s31], $0x500  }
0x651: {  	[sflag:s31] =	ssyncset.done $0x0  }
0x652: {  	s7 =	simm.s32 $0x19300;
	[sflag:s31] =	ssyncadd.s32 $0xFFFFFB00  }
0x653: {  	s8 =	simm.s32 $0x18E00;
	v1 =	vld [tilespmem:s7+$0x70]  }
0x654: {  	v2 =	vld [tilespmem:s8+$0x70]  }
0x655: {  	v0 =	vld [tilespmem:s8+$0xFFFFFF80]  }
0x656: {  	v3 =	vld [tilespmem:s7+$0xFFFFFF90]  }
0x657: {  	v4 =	vld [tilespmem:s8+$0xFFFFFF90]  }
0x658: {  	v5 =	vld [tilespmem:s7+$0xFFFFFFA0]  }
0x659: {  	v6 =	vld [tilespmem:s8+$0xFFFFFFA0]  }
0x65a: {  	v7 =	vld [tilespmem:s7+$0xFFFFFFB0]  }
0x65b: {  	v8 =	vld [tilespmem:s8+$0xFFFFFFB0]  }
0x65c: {  	v9 =	vld [tilespmem:s7+$0xFFFFFFC0]  }
0x65d: {  	v10 =	vld [tilespmem:s8+$0xFFFFFFC0]  }
0x65e: {  	v11 =	vld [tilespmem:s7+$0xFFFFFFD0]  }
0x65f: {  	v12 =	vld [tilespmem:s8+$0xFFFFFFD0]  }
0x660: {  	v13 =	vld [tilespmem:s7+$0xFFFFFFE0]  }
0x661: {  	v14 =	vld [tilespmem:s8+$0xFFFFFFE0]  }
0x662: {  	v15 =	vld [tilespmem:s7+$0xFFFFFFF0]  }
0x663: {  	v16 =	vld [tilespmem:s8+$0xFFFFFFF0]  }
0x664: {  	v17 =	vld [tilespmem:s7+$0x0]  }
0x665: {  	v61 =	vld [tilespmem:s8+$0x30];
	v1 =	vadd.f32 v2, v1  }
0x666: {  	v2 =	vld [tilespmem:s8+$0x0];
	v3 =	vadd.f32 v4, v3  }
0x667: {  	v4 =	vld [tilespmem:s7+$0x10];
	[tilespmem:s7+$0x70] =	vst v1;
	v1 =	vadd.f32 v6, v5  }
0x668: {  	v5 =	vld [tilespmem:s8+$0x10];
	[tilespmem:s7+$0xFFFFFF90] =	vst v3;
	v3 =	vadd.f32 v8, v7  }
0x669: {  	v6 =	vld [tilespmem:s7+$0x20];
	[tilespmem:s7+$0xFFFFFFA0] =	vst v1;
	v1 =	vadd.f32 v10, v9  }
0x66a: {  	v7 =	vld [tilespmem:s8+$0x20];
	[tilespmem:s7+$0xFFFFFFB0] =	vst v3;
	v3 =	vadd.f32 v12, v11  }
0x66b: {  	v8 =	vld [tilespmem:s7+$0x30];
	v2 =	vadd.f32 v2, v17;
	[tilespmem:s7+$0xFFFFFFC0] =	vst v1  }
0x66c: {  	v62 =	vld [tilespmem:s7+$0x40];
	v1 =	vadd.f32 v14, v13;
	[tilespmem:s7+$0xFFFFFFD0] =	vst v3  }
0x66d: {  	v63 =	vld [tilespmem:s8+$0x40];
	v3 =	vadd.f32 v16, v15;
	[tilespmem:s7+$0x0] =	vst v2  }
0x66e: {  	v4 =	vadd.f32 v5, v4;
	[tilespmem:s7+$0xFFFFFFE0] =	vst v1;
	v1 =	vld [tilespmem:s7+$0x50]  }
0x66f: {  	v5 =	vadd.f32 v7, v6;
	[tilespmem:s7+$0xFFFFFFF0] =	vst v3;
	v3 =	vld [tilespmem:s8+$0x50]  }
0x670: {  	v6 =	vadd.f32 v61, v8;
	v2 =	vld [tilespmem:s7+$0x60];
	[tilespmem:s7+$0x10] =	vst v4  }
0x671: {  	[tilespmem:s7+$0x20] =	vst v5;
	v5 =	vld [tilespmem:s8+$0x60]  }
0x672: {  	s9 =	simm.s32 $0x0;
	s10 =	simm.s32 $0x19400;
	v4 =	vld [tilespmem:s7+$0xFFFFFF80];
	[tilespmem:s7+$0x30] =	vst v6;
	v6 =	vadd.f32 v63, v62  }
.LBB2_43:
0x673: {  	v7 =	vld [tilespmem:s10+$0x70];
	s8 =	sadd.s32 $0x100, s8  }
0x674: {  	s9 =	sadd.s32 $0x100, s9;
	v8 =	vld [tilespmem:s8+$0x70];
	[tilespmem:s7+$0x40] =	vst v6;
	v1 =	vadd.f32 v3, v1  }
0x675: {  	p0 =	slt.u32 s9, $0x400;
	v3 =	vld [tilespmem:s8+$0xFFFFFF80]  }
0x676: {  	v6 =	vld [tilespmem:s10+$0xFFFFFF90];
	[tilespmem:s7+$0x50] =	vst v1;
	v1 =	vadd.f32 v5, v2  }
0x677: {  	v2 =	vld [tilespmem:s8+$0xFFFFFF90];
	v9 =	vadd.f32 v0, v4  }
0x678: {  	v4 =	vld [tilespmem:s10+$0xFFFFFFA0];
	[tilespmem:s7+$0x60] =	vst v1  }
0x679: {  	v1 =	vld [tilespmem:s8+$0xFFFFFFA0];
	v5 =	vadd.f32 v8, v7;
	[tilespmem:s7+$0xFFFFFF80] =	vst v9;
	s7 =	smov.u32 s10  }
0x67a: {  	v7 =	vld [tilespmem:s10+$0xFFFFFFB0];
	v0 =	vmov v3  }
0x67b: {  	v3 =	vld [tilespmem:s8+$0xFFFFFFB0];
	[tilespmem:s10+$0x70] =	vst v5  }
0x67c: {  	v2 =	vadd.f32 v2, v6;
	v5 =	vld [tilespmem:s10+$0xFFFFFFC0]  }
0x67d: {  	v6 =	vld [tilespmem:s8+$0xFFFFFFC0]  }
0x67e: {  	[tilespmem:s10+$0xFFFFFF90] =	vst v2;
	v1 =	vadd.f32 v1, v4;
	v2 =	vld [tilespmem:s10+$0xFFFFFFD0]  }
0x67f: {  	v4 =	vld [tilespmem:s8+$0xFFFFFFD0]  }
0x680: {  	[tilespmem:s10+$0xFFFFFFA0] =	vst v1;
	v1 =	vadd.f32 v3, v7;
	v3 =	vld [tilespmem:s10+$0xFFFFFFE0]  }
0x681: {  	v7 =	vld [tilespmem:s8+$0xFFFFFFE0]  }
0x682: {  	[tilespmem:s10+$0xFFFFFFB0] =	vst v1;
	v1 =	vadd.f32 v6, v5;
	v5 =	vld [tilespmem:s10+$0xFFFFFFF0]  }
0x683: {  	v6 =	vld [tilespmem:s8+$0xFFFFFFF0]  }
0x684: {  	[tilespmem:s10+$0xFFFFFFC0] =	vst v1;
	v1 =	vadd.f32 v4, v2;
	v2 =	vld [tilespmem:s10+$0x0]  }
0x685: {  	v4 =	vld [tilespmem:s8+$0x0]  }
0x686: {  	[tilespmem:s10+$0xFFFFFFD0] =	vst v1;
	v1 =	vadd.f32 v7, v3;
	v3 =	vld [tilespmem:s10+$0x10]  }
0x687: {  	v7 =	vld [tilespmem:s8+$0x10]  }
0x688: {  	[tilespmem:s10+$0xFFFFFFE0] =	vst v1;
	v1 =	vadd.f32 v6, v5;
	v5 =	vld [tilespmem:s10+$0x20]  }
0x689: {  	v6 =	vld [tilespmem:s8+$0x20]  }
0x68a: {  	[tilespmem:s10+$0xFFFFFFF0] =	vst v1;
	v1 =	vadd.f32 v4, v2;
	v2 =	vld [tilespmem:s10+$0x30]  }
0x68b: {  	v4 =	vld [tilespmem:s8+$0x30]  }
0x68c: {  	[tilespmem:s10+$0x0] =	vst v1;
	v1 =	vadd.f32 v7, v3;
	v7 =	vld [tilespmem:s10+$0x40]  }
0x68d: {  	v8 =	vld [tilespmem:s8+$0x40]  }
.Ltmp21:
0x68e: {  	[tilespmem:s10+$0x10] =	vst v1;
	v5 =	vadd.f32 v6, v5;
	v1 =	vld [tilespmem:s10+$0x50];
	(pc) =	sbr.rel @p0 .LBB2_43-.Ltmp21, $4  }
0x68f: {  	v3 =	vld [tilespmem:s8+$0x50]  }
0x690: {  	[tilespmem:s10+$0x20] =	vst v5;
	v6 =	vadd.f32 v4, v2;
	v2 =	vld [tilespmem:s10+$0x60]  }
0x691: {  	v5 =	vld [tilespmem:s8+$0x60]  }
0x692: {  	s10 =	sadd.s32 $0x100, s10;
	v4 =	vld [tilespmem:s7+$0xFFFFFF80];
	[tilespmem:s7+$0x30] =	vst v6;
	v6 =	vadd.f32 v8, v7  }
0x693: {  	_ =	sdelay $0x1  }
0x694: {  	v1 =	vadd.f32 v3, v1  }
0x695: {  	[tilespmem:s7+$0x40] =	vst v6;
	v2 =	vadd.f32 v5, v2  }
0x696: {  	[tilespmem:s7+$0x50] =	vst v1;
	v0 =	vadd.f32 v0, v4  }
0x697: {  	[tilespmem:s7+$0x60] =	vst v2  }
0x698: {  	s26 =	simm.s32 $0x19280;
	s28 =	simm.s32 $0x5;
	[tilespmem:s7+$0xFFFFFF80] =	vst v0  }
0x699: {  	[spmem:s6] =	stream.linear.scatter [tilespmem:s26], [sflag:$0x5], $0x500, $0x38;
	[tilespmem:$0x1E780] =	vst v63  }
0x69a: {  	_ =	swait.ge [sflag:s28], $0x500  }
0x69b: {  	[sflag:s28] =	ssyncset.done $0x0  }
0x69c: {  	[sflag:s28] =	ssyncadd.s32 $0xFFFFFB00  }
0x69d: {  	s6 =	simm.s32 $0x0;
	[bflag:$0x0] =	sbarrier.arrive $0xFFFF  }
0x69e: {  	[tilespmem:s6], [sflag:$0x5] =	stream.linear.gather [spmem:s5], $0x5000, $0x38;
	[tilespmem:$0x1E780] =	vst v63  }
0x69f: {  	_ =	swait.ge [sflag:s28], $0x5000  }
0x6a0: {  	[sflag:s28] =	ssyncset.done $0x0  }
0x6a1: {  	s29 =	simm.s32 $0x3;
	[sflag:s28] =	ssyncadd.s32 $0xFFFFB000  }
0x6a2: {  	_ =	swait.ge [sflag:s29], $0x4E20  }
0x6a3: {  	[sflag:s29] =	ssyncset.done $0x0  }
0x6a4: {  	s30 =	simm.s32 $0x4;
	[sflag:s29] =	ssyncadd.s32 $0xFFFFB1E0  }
0x6a5: {  	_ =	swait.ge [sflag:s30], $0x4E20  }
0x6a6: {  	[sflag:s30] =	ssyncset.done $0x0  }
0x6a7: {  	s31 =	simm.s32 $0xED00;
	[sflag:s30] =	ssyncadd.s32 $0xFFFFB1E0  }
0x6a8: {  	s5 =	simm.s32 $0x9EE0;
	v0 =	vld [tilespmem:s31+$0xC0]  }
0x6a9: {  	v1 =	vld [tilespmem:s5+$0xC0]  }
0x6aa: {  	v2 =	vld [tilespmem:s31+$0xFFFFFF40]  }
0x6ab: {  	v3 =	vld [tilespmem:s31+$0xFFFFFF50]  }
0x6ac: {  	v4 =	vld [tilespmem:s31+$0xFFFFFF60]  }
0x6ad: {  	v5 =	vld [tilespmem:s31+$0xFFFFFF70]  }
0x6ae: {  	v6 =	vld [tilespmem:s31+$0xFFFFFF80]  }
0x6af: {  	v7 =	vld [tilespmem:s31+$0xFFFFFF90]  }
0x6b0: {  	v8 =	vld [tilespmem:s31+$0xFFFFFFA0]  }
0x6b1: {  	v11 =	vld [tilespmem:s31+$0xFFFFFFD0]  }
0x6b2: {  	v12 =	vld [tilespmem:s31+$0xFFFFFFE0]  }
0x6b3: {  	v13 =	vld [tilespmem:s31+$0xFFFFFFF0]  }
0x6b4: {  	v14 =	vld [tilespmem:s31+$0x0]  }
0x6b5: {  	v15 =	vld [tilespmem:s31+$0x10]  }
0x6b6: {  	v16 =	vld [tilespmem:s31+$0x20]  }
0x6b7: {  	v17 =	vld [tilespmem:s31+$0x30]  }
0x6b8: {  	v18 =	vld [tilespmem:s31+$0x40]  }
0x6b9: {  	v19 =	vld [tilespmem:s31+$0x50]  }
0x6ba: {  	v20 =	vld [tilespmem:s31+$0x60]  }
0x6bb: {  	v21 =	vld [tilespmem:s31+$0x70]  }
0x6bc: {  	v22 =	vld [tilespmem:s31+$0x80]  }
0x6bd: {  	v23 =	vld [tilespmem:s31+$0x90]  }
0x6be: {  	v24 =	vld [tilespmem:s31+$0xA0]  }
0x6bf: {  	v25 =	vld [tilespmem:s31+$0xB0]  }
0x6c0: {  	v26 =	vld [tilespmem:s5+$0xFFFFFF50]  }
0x6c1: {  	v27 =	vld [tilespmem:s5+$0xFFFFFF60]  }
0x6c2: {  	v28 =	vld [tilespmem:s5+$0xFFFFFF70]  }
0x6c3: {  	v29 =	vld [tilespmem:s5+$0xFFFFFF80]  }
0x6c4: {  	v30 =	vld [tilespmem:s5+$0xFFFFFF90]  }
0x6c5: {  	v31 =	vld [tilespmem:s5+$0xFFFFFFA0]  }
0x6c6: {  	v32 =	vld [tilespmem:s5+$0xFFFFFFB0]  }
0x6c7: {  	v33 =	vld [tilespmem:s5+$0xFFFFFFC0]  }
0x6c8: {  	v34 =	vld [tilespmem:s5+$0xFFFFFFD0]  }
0x6c9: {  	v35 =	vld [tilespmem:s5+$0xFFFFFFE0]  }
0x6ca: {  	v36 =	vld [tilespmem:s5+$0xFFFFFFF0]  }
0x6cb: {  	v37 =	vld [tilespmem:s5+$0x0]  }
0x6cc: {  	v38 =	vld [tilespmem:s5+$0x10]  }
0x6cd: {  	v39 =	vld [tilespmem:s5+$0x20]  }
0x6ce: {  	v40 =	vld [tilespmem:s5+$0x30]  }
0x6cf: {  	v41 =	vld [tilespmem:s5+$0x40]  }
0x6d0: {  	v42 =	vld [tilespmem:s5+$0x50]  }
0x6d1: {  	v43 =	vld [tilespmem:s5+$0x60]  }
0x6d2: {  	v49 =	vld [tilespmem:s5+$0xFFFFFF40]  }
0x6d3: {  	v44 =	vld [tilespmem:s5+$0x70]  }
0x6d4: {  	v45 =	vld [tilespmem:s5+$0x80]  }
0x6d5: {  	v46 =	vld [tilespmem:s5+$0x90]  }
0x6d6: {  	v47 =	vld [tilespmem:s5+$0xA0]  }
0x6d7: {  	v48 =	vld [tilespmem:s5+$0xB0]  }
0x6d8: {  	v9 =	vld.idx.msk [tilespmem:v1+s6+$0x0], $0xffff  }
0x6d9: {  	v1 =	vld [tilespmem:s31+$0xFFFFFFC0]  }
0x6da: {  	v53 =	vld.idx.msk [tilespmem:v49+s6+$0x0], $0xffff  }
0x6db: {  	v54 =	vld.idx.msk [tilespmem:v26+s6+$0x0], $0xffff  }
0x6dc: {  	v55 =	vld.idx.msk [tilespmem:v27+s6+$0x0], $0xffff  }
0x6dd: {  	v56 =	vld.idx.msk [tilespmem:v28+s6+$0x0], $0xffff  }
0x6de: {  	v0 =	vadd.s32 $0x2800, v0;
	v57 =	vld.idx.msk [tilespmem:v29+s6+$0x0], $0xffff  }
0x6df: {  	v58 =	vld.idx.msk [tilespmem:v31+s6+$0x0], $0xffff  }
0x6e0: {  	v2 =	vadd.s32 $0x2800, v2;
	v59 =	vld.idx.msk [tilespmem:v32+s6+$0x0], $0xffff  }
0x6e1: {  	v3 =	vadd.s32 $0x2800, v3;
	v60 =	vld.idx.msk [tilespmem:v33+s6+$0x0], $0xffff  }
0x6e2: {  	v4 =	vadd.s32 $0x2800, v4;
	v61 =	vld.idx.msk [tilespmem:v34+s6+$0x0], $0xffff  }
0x6e3: {  	v5 =	vadd.s32 $0x2800, v5;
	v10 =	vld.idx.msk [tilespmem:v0+s6+$0x0], $0xffff  }
0x6e4: {  	v6 =	vadd.s32 $0x2800, v6;
	v0 =	vld [tilespmem:s31+$0xFFFFFFB0]  }
0x6e5: {  	v7 =	vadd.s32 $0x2800, v7;
	v50 =	vld.idx.msk [tilespmem:v2+s6+$0x0], $0xffff  }
0x6e6: {  	v2 =	vadd.s32 $0x2800, v8;
	v8 =	vld.idx.msk [tilespmem:v3+s6+$0x0], $0xffff  }
0x6e7: {  	v51 =	vld.idx.msk [tilespmem:v4+s6+$0x0], $0xffff;
	v3 =	vadd.s32 $0x2800, v11  }
0x6e8: {  	v52 =	vld.idx.msk [tilespmem:v5+s6+$0x0], $0xffff  }
0x6e9: {  	v6 =	vld.idx.msk [tilespmem:v6+s6+$0x0], $0xffff;
	v1 =	vadd.s32 $0x2800, v1  }
0x6ea: {  	v7 =	vld.idx.msk [tilespmem:v7+s6+$0x0], $0xffff;
	v5 =	vadd.s32 $0x2800, v13  }
0x6eb: {  	v0 =	vadd.s32 $0x2800, v0;
	v11 =	vld.idx.msk [tilespmem:v2+s6+$0x0], $0xffff  }
0x6ec: {  	v4 =	vadd.s32 $0x2800, v12;
	v2 =	vadd.s32 $0x2800, v14;
	v14 =	vld.idx.msk [tilespmem:v3+s6+$0x0], $0xffff  }
0x6ed: {  	v9 =	vadd.f32 v10, v9;
	v10 =	vld.idx.msk [tilespmem:v30+s6+$0x0], $0xffff  }
0x6ee: {  	v3 =	vadd.s32 $0x2800, v17;
	v13 =	vld.idx.msk [tilespmem:v1+s6+$0x0], $0xffff  }
0x6ef: {  	v1 =	vadd.s32 $0x2800, v16;
	v16 =	vld.idx.msk [tilespmem:v5+s6+$0x0], $0xffff  }
0x6f0: {  	v12 =	vld.idx.msk [tilespmem:v0+s6+$0x0], $0xffff  }
0x6f1: {  	v8 =	vadd.f32 v8, v54;
	v9 =	vmul.f32 $5.000000000e-01, v9;
	v0 =	vadd.s32 $0x2800, v15;
	v15 =	vld.idx.msk [tilespmem:v4+s6+$0x0], $0xffff  }
0x6f2: {  	s7 =	simm.s32 $0x13B20;
	v6 =	vadd.f32 v6, v57;
	v5 =	vadd.s32 $0x2800, v19;
	v17 =	vld.idx.msk [tilespmem:v2+s6+$0x0], $0xffff  }
0x6f3: {  	v8 =	vmul.f32 $5.000000000e-01, v8;
	[tilespmem:s7+$0xC0] =	vst v9;
	v9 =	vadd.f32 v52, v56;
	v2 =	vadd.s32 $0x2800, v20;
	v20 =	vld.idx.msk [tilespmem:v3+s6+$0x0], $0xffff  }
0x6f4: {  	v7 =	vadd.f32 v7, v10;
	v10 =	vadd.f32 v11, v58;
	v11 =	vld.idx.msk [tilespmem:v37+s6+$0x0], $0xffff  }
0x6f5: {  	[tilespmem:s7+$0xFFFFFF50] =	vst v8;
	v4 =	vadd.s32 $0x2800, v18;
	v8 =	vmul.f32 $5.000000000e-01, v9;
	v9 =	vld.idx.msk [tilespmem:v36+s6+$0x0], $0xffff  }
0x6f6: {  	v6 =	vmul.f32 $5.000000000e-01, v6;
	v19 =	vld.idx.msk [tilespmem:v1+s6+$0x0], $0xffff  }
0x6f7: {  	v62 =	vadd.s32 $0x2800, v23;
	v63 =	vadd.s32 $0x2800, v24;
	v24 =	vld.idx.msk [tilespmem:v5+s6+$0x0], $0xffff  }
0x6f8: {  	[tilespmem:s7+$0xFFFFFF80] =	vst v6;
	v6 =	vmul.f32 $5.000000000e-01, v10;
	v10 =	vadd.f32 v13, v60;
	v13 =	vld.idx.msk [tilespmem:v39+s6+$0x0], $0xffff  }
0x6f9: {  	v1 =	vadd.s32 $0x2800, v22;
	v18 =	vld.idx.msk [tilespmem:v0+s6+$0x0], $0xffff  }
0x6fa: {  	v22 =	vld.idx.msk [tilespmem:v4+s6+$0x0], $0xffff  }
0x6fb: {  	v5 =	vld.idx.msk [tilespmem:v2+s6+$0x0], $0xffff  }
0x6fc: {  	v2 =	vld.idx.msk [tilespmem:v62+s6+$0x0], $0xffff  }
0x6fd: {  	[tilespmem:s7+$0xFFFFFF70] =	vst v8;
	v8 =	vadd.f32 v12, v59;
	v12 =	vld.idx.msk [tilespmem:v38+s6+$0x0], $0xffff  }
0x6fe: {  	v7 =	vmul.f32 $5.000000000e-01, v7;
	v0 =	vadd.s32 $0x2800, v21;
	v3 =	vld.idx.msk [tilespmem:v1+s6+$0x0], $0xffff  }
0x6ff: {  	v25 =	vadd.s32 $0x2800, v25;
	v1 =	vld.idx.msk [tilespmem:v63+s6+$0x0], $0xffff  }
0x700: {  	[tilespmem:s7+$0xFFFFFF90] =	vst v7;
	v7 =	vmul.f32 $5.000000000e-01, v8;
	v8 =	vadd.f32 v14, v61;
	v63 =	vld.idx.msk [tilespmem:v35+s6+$0x0], $0xffff  }
0x701: {  	[tilespmem:s7+$0xFFFFFFA0] =	vst v6;
	v21 =	vadd.f32 v50, v53;
	v14 =	vld.idx.msk [tilespmem:v40+s6+$0x0], $0xffff  }
0x702: {  	v6 =	vmul.f32 $5.000000000e-01, v10;
	[tilespmem:s7+$0xFFFFFFB0] =	vst v7;
	v7 =	vmul.f32 $5.000000000e-01, v8;
	v8 =	vadd.f32 v16, v9;
	v16 =	vld.idx.msk [tilespmem:v42+s6+$0x0], $0xffff  }
0x703: {  	v4 =	vld.idx.msk [tilespmem:v0+s6+$0x0], $0xffff  }
0x704: {  	v21 =	vmul.f32 $5.000000000e-01, v21;
	[tilespmem:s7+$0xFFFFFFC0] =	vst v6;
	v0 =	vld.idx.msk [tilespmem:v25+s6+$0x0], $0xffff;
	v25 =	vadd.f32 v51, v55  }
0x705: {  	[tilespmem:s7+$0xFFFFFFD0] =	vst v7;
	v7 =	vmul.f32 $5.000000000e-01, v8;
	v8 =	vadd.f32 v18, v12;
	v10 =	vadd.f32 v15, v63;
	v15 =	vld.idx.msk [tilespmem:v41+s6+$0x0], $0xffff  }
0x706: {  	[tilespmem:s7+$0xFFFFFF40] =	vst v21;
	v9 =	vadd.f32 v17, v11;
	v11 =	vld.idx.msk [tilespmem:v43+s6+$0x0], $0xffff;
	v62 =	vmul.f32 $5.000000000e-01, v25  }
0x707: {  	v12 =	vadd.f32 v19, v13;
	[tilespmem:s7+$0xFFFFFFF0] =	vst v7;
	v13 =	vmul.f32 $5.000000000e-01, v8;
	v8 =	vld.idx.msk [tilespmem:v46+s6+$0x0], $0xffff;
	v6 =	vmul.f32 $5.000000000e-01, v10  }
0x708: {  	[tilespmem:s7+$0xFFFFFF60] =	vst v62;
	v10 =	vld.idx.msk [tilespmem:v44+s6+$0x0], $0xffff  }
0x709: {  	v14 =	vadd.f32 v20, v14;
	[tilespmem:s7+$0xFFFFFFE0] =	vst v6;
	v6 =	vmul.f32 $5.000000000e-01, v9;
	v9 =	vld.idx.msk [tilespmem:v45+s6+$0x0], $0xffff  }
0x70a: {  	v12 =	vmul.f32 $5.000000000e-01, v12;
	v7 =	vld.idx.msk [tilespmem:v47+s6+$0x0], $0xffff;
	[tilespmem:s7+$0x10] =	vst v13;
	v15 =	vadd.f32 v22, v15  }
0x70b: {  	s8 =	simm.s32 $0x0;
	s9 =	simm.s32 $0xEE90;
	v13 =	vmul.f32 $5.000000000e-01, v14;
	v14 =	vadd.f32 v24, v16;
	[tilespmem:s7+$0x0] =	vst v6;
	v6 =	vld.idx.msk [tilespmem:v48+s6+$0x0], $0xffff  }
.LBB2_45:
0x70c: {  	v16 =	vld [tilespmem:s9+$0xC0];
	s8 =	sadd.s32 $0x190, s8;
	[tilespmem:s7+$0x20] =	vst v12;
	v12 =	vmul.f32 $5.000000000e-01, v15;
	v5 =	vadd.f32 v5, v11;
	s5 =	sadd.s32 $0x190, s5  }
0x70d: {  	v4 =	vadd.f32 v4, v10;
	v11 =	vld [tilespmem:s5+$0xC0];
	p0 =	slt.u32 s8, $0x2580;
	[tilespmem:s7+$0x30] =	vst v13;
	v13 =	vmul.f32 $5.000000000e-01, v14  }
0x70e: {  	v3 =	vadd.f32 v3, v9;
	v10 =	vld [tilespmem:s9+$0xFFFFFF40];
	[tilespmem:s7+$0x40] =	vst v12;
	v5 =	vmul.f32 $5.000000000e-01, v5  }
0x70f: {  	v4 =	vmul.f32 $5.000000000e-01, v4;
	v2 =	vadd.f32 v2, v8;
	v9 =	vld [tilespmem:s9+$0xFFFFFF50];
	[tilespmem:s7+$0x50] =	vst v13  }
0x710: {  	v3 =	vmul.f32 $5.000000000e-01, v3;
	v1 =	vadd.f32 v1, v7;
	v8 =	vld [tilespmem:s9+$0xFFFFFF60];
	[tilespmem:s7+$0x60] =	vst v5  }
0x711: {  	v2 =	vmul.f32 $5.000000000e-01, v2;
	v0 =	vadd.f32 v0, v6;
	v5 =	vld [tilespmem:s9+$0xFFFFFF70];
	v7 =	vadd.s32 $0x2800, v16;
	[tilespmem:s7+$0x70] =	vst v4  }
0x712: {  	v1 =	vmul.f32 $5.000000000e-01, v1;
	v4 =	vld [tilespmem:s9+$0xFFFFFF80];
	[tilespmem:s7+$0x80] =	vst v3  }
0x713: {  	v0 =	vmul.f32 $5.000000000e-01, v0;
	v3 =	vadd.s32 $0x2800, v10;
	v6 =	vld [tilespmem:s9+$0xFFFFFF90];
	[tilespmem:s7+$0x90] =	vst v2  }
0x714: {  	v2 =	vadd.s32 $0x2800, v9;
	v9 =	vld [tilespmem:s9+$0xFFFFFFA0];
	[tilespmem:s7+$0xA0] =	vst v1  }
0x715: {  	v1 =	vadd.s32 $0x2800, v8;
	v8 =	vld.idx.msk [tilespmem:v11+s6+$0x0], $0xffff;
	[tilespmem:s7+$0xB0] =	vst v0  }
0x716: {  	v0 =	vadd.s32 $0x2800, v5;
	v5 =	vld.idx.msk [tilespmem:v7+s6+$0x0], $0xffff  }
0x717: {  	v4 =	vadd.s32 $0x2800, v4;
	v7 =	vld [tilespmem:s9+$0xFFFFFFB0]  }
0x718: {  	v12 =	vadd.s32 $0x2800, v6;
	v6 =	vld [tilespmem:s9+$0xFFFFFFC0]  }
0x719: {  	v13 =	vadd.s32 $0x2800, v9;
	v9 =	vld [tilespmem:s9+$0xFFFFFFD0]  }
0x71a: {  	v10 =	vld [tilespmem:s9+$0xFFFFFFE0]  }
0x71b: {  	v11 =	vld [tilespmem:s9+$0xFFFFFFF0]  }
0x71c: {  	v5 =	vadd.f32 v5, v8;
	v14 =	vadd.s32 $0x2800, v7;
	v7 =	vld [tilespmem:s9+$0x0]  }
0x71d: {  	v15 =	vadd.s32 $0x2800, v6;
	v6 =	vld [tilespmem:s9+$0x10]  }
0x71e: {  	v5 =	vmul.f32 $5.000000000e-01, v5;
	v16 =	vadd.s32 $0x2800, v9;
	v8 =	vld [tilespmem:s9+$0x20]  }
0x71f: {  	s7 =	sadd.s32 $0x190, s7;
	v17 =	vadd.s32 $0x2800, v10;
	v9 =	vld [tilespmem:s9+$0x30]  }
0x720: {  	v18 =	vadd.s32 $0x2800, v11;
	v10 =	vld [tilespmem:s9+$0x40];
	[tilespmem:s7+$0xC0] =	vst v5  }
0x721: {  	v5 =	vadd.s32 $0x2800, v7;
	v7 =	vld [tilespmem:s9+$0x50]  }
0x722: {  	v19 =	vadd.s32 $0x2800, v6;
	v6 =	vld [tilespmem:s9+$0x60]  }
0x723: {  	v20 =	vadd.s32 $0x2800, v8;
	v8 =	vld [tilespmem:s9+$0x70]  }
0x724: {  	v21 =	vadd.s32 $0x2800, v9;
	v9 =	vld [tilespmem:s9+$0x80]  }
0x725: {  	v22 =	vadd.s32 $0x2800, v10;
	v10 =	vld [tilespmem:s9+$0x90]  }
0x726: {  	v23 =	vadd.s32 $0x2800, v7;
	v7 =	vld [tilespmem:s9+$0xA0]  }
0x727: {  	v24 =	vadd.s32 $0x2800, v6;
	v6 =	vld [tilespmem:s9+$0xB0]  }
0x728: {  	v25 =	vld [tilespmem:s5+$0xFFFFFF50];
	v26 =	vadd.s32 $0x2800, v8  }
0x729: {  	v27 =	vld [tilespmem:s5+$0xFFFFFF60];
	v28 =	vadd.s32 $0x2800, v9  }
0x72a: {  	v29 =	vld [tilespmem:s5+$0xFFFFFF70];
	v30 =	vadd.s32 $0x2800, v10  }
0x72b: {  	v31 =	vld [tilespmem:s5+$0xFFFFFF80];
	v32 =	vadd.s32 $0x2800, v7  }
0x72c: {  	v33 =	vld [tilespmem:s5+$0xFFFFFF90];
	v34 =	vadd.s32 $0x2800, v6  }
0x72d: {  	v35 =	vld [tilespmem:s5+$0xFFFFFFA0]  }
0x72e: {  	v36 =	vld [tilespmem:s5+$0xFFFFFFB0]  }
0x72f: {  	v37 =	vld [tilespmem:s5+$0xFFFFFFC0]  }
0x730: {  	v38 =	vld [tilespmem:s5+$0xFFFFFFD0]  }
0x731: {  	v39 =	vld [tilespmem:s5+$0xFFFFFFE0]  }
0x732: {  	v40 =	vld [tilespmem:s5+$0xFFFFFFF0]  }
0x733: {  	v41 =	vld [tilespmem:s5+$0x0]  }
0x734: {  	v42 =	vld [tilespmem:s5+$0x10]  }
0x735: {  	v43 =	vld [tilespmem:s5+$0x20]  }
0x736: {  	v44 =	vld [tilespmem:s5+$0x30]  }
0x737: {  	v45 =	vld [tilespmem:s5+$0x40]  }
0x738: {  	v46 =	vld [tilespmem:s5+$0x50]  }
0x739: {  	v11 =	vld [tilespmem:s5+$0x60]  }
0x73a: {  	v10 =	vld [tilespmem:s5+$0x70]  }
0x73b: {  	v9 =	vld [tilespmem:s5+$0x80]  }
0x73c: {  	v8 =	vld [tilespmem:s5+$0x90]  }
0x73d: {  	v7 =	vld [tilespmem:s5+$0xA0]  }
0x73e: {  	v6 =	vld [tilespmem:s5+$0xB0]  }
0x73f: {  	v47 =	vld [tilespmem:s5+$0xFFFFFF40]  }
0x740: {  	v48 =	vld.idx.msk [tilespmem:v3+s6+$0x0], $0xffff  }
0x741: {  	v49 =	vld.idx.msk [tilespmem:v2+s6+$0x0], $0xffff  }
0x742: {  	v50 =	vld.idx.msk [tilespmem:v1+s6+$0x0], $0xffff  }
0x743: {  	v51 =	vld.idx.msk [tilespmem:v0+s6+$0x0], $0xffff  }
0x744: {  	v52 =	vld.idx.msk [tilespmem:v4+s6+$0x0], $0xffff  }
0x745: {  	v12 =	vld.idx.msk [tilespmem:v12+s6+$0x0], $0xffff  }
0x746: {  	v13 =	vld.idx.msk [tilespmem:v13+s6+$0x0], $0xffff  }
0x747: {  	v14 =	vld.idx.msk [tilespmem:v14+s6+$0x0], $0xffff  }
0x748: {  	v15 =	vld.idx.msk [tilespmem:v15+s6+$0x0], $0xffff  }
0x749: {  	v16 =	vld.idx.msk [tilespmem:v16+s6+$0x0], $0xffff  }
0x74a: {  	v17 =	vld.idx.msk [tilespmem:v17+s6+$0x0], $0xffff  }
0x74b: {  	v18 =	vld.idx.msk [tilespmem:v18+s6+$0x0], $0xffff  }
0x74c: {  	v53 =	vld.idx.msk [tilespmem:v5+s6+$0x0], $0xffff  }
0x74d: {  	v19 =	vld.idx.msk [tilespmem:v19+s6+$0x0], $0xffff  }
0x74e: {  	v20 =	vld.idx.msk [tilespmem:v20+s6+$0x0], $0xffff  }
0x74f: {  	v21 =	vld.idx.msk [tilespmem:v21+s6+$0x0], $0xffff  }
0x750: {  	v22 =	vld.idx.msk [tilespmem:v22+s6+$0x0], $0xffff  }
0x751: {  	v23 =	vld.idx.msk [tilespmem:v23+s6+$0x0], $0xffff  }
0x752: {  	v5 =	vld.idx.msk [tilespmem:v24+s6+$0x0], $0xffff  }
0x753: {  	v4 =	vld.idx.msk [tilespmem:v26+s6+$0x0], $0xffff  }
0x754: {  	v3 =	vld.idx.msk [tilespmem:v28+s6+$0x0], $0xffff  }
0x755: {  	v2 =	vld.idx.msk [tilespmem:v30+s6+$0x0], $0xffff  }
0x756: {  	v1 =	vld.idx.msk [tilespmem:v32+s6+$0x0], $0xffff  }
0x757: {  	v0 =	vld.idx.msk [tilespmem:v34+s6+$0x0], $0xffff  }
0x758: {  	v24 =	vld.idx.msk [tilespmem:v47+s6+$0x0], $0xffff  }
0x759: {  	v25 =	vld.idx.msk [tilespmem:v25+s6+$0x0], $0xffff  }
0x75a: {  	v26 =	vld.idx.msk [tilespmem:v27+s6+$0x0], $0xffff  }
0x75b: {  	v27 =	vld.idx.msk [tilespmem:v29+s6+$0x0], $0xffff  }
0x75c: {  	v28 =	vld.idx.msk [tilespmem:v31+s6+$0x0], $0xffff  }
0x75d: {  	v29 =	vld.idx.msk [tilespmem:v33+s6+$0x0], $0xffff  }
0x75e: {  	v24 =	vadd.f32 v48, v24;
	v30 =	vld.idx.msk [tilespmem:v35+s6+$0x0], $0xffff  }
0x75f: {  	v25 =	vadd.f32 v49, v25;
	v31 =	vld.idx.msk [tilespmem:v36+s6+$0x0], $0xffff  }
0x760: {  	v24 =	vmul.f32 $5.000000000e-01, v24;
	v26 =	vadd.f32 v50, v26;
	v32 =	vld.idx.msk [tilespmem:v37+s6+$0x0], $0xffff  }
0x761: {  	v25 =	vmul.f32 $5.000000000e-01, v25;
	v27 =	vadd.f32 v51, v27;
	v33 =	vld.idx.msk [tilespmem:v38+s6+$0x0], $0xffff  }
0x762: {  	[tilespmem:s7+$0xFFFFFF40] =	vst v24;
	v24 =	vmul.f32 $5.000000000e-01, v26;
	v26 =	vadd.f32 v52, v28;
	v28 =	vld.idx.msk [tilespmem:v39+s6+$0x0], $0xffff  }
0x763: {  	v12 =	vadd.f32 v12, v29;
	[tilespmem:s7+$0xFFFFFF50] =	vst v25;
	v25 =	vmul.f32 $5.000000000e-01, v27;
	v27 =	vld.idx.msk [tilespmem:v40+s6+$0x0], $0xffff  }
0x764: {  	v13 =	vadd.f32 v13, v30;
	[tilespmem:s7+$0xFFFFFF60] =	vst v24;
	v24 =	vmul.f32 $5.000000000e-01, v26;
	v26 =	vld.idx.msk [tilespmem:v41+s6+$0x0], $0xffff  }
0x765: {  	v12 =	vmul.f32 $5.000000000e-01, v12;
	v14 =	vadd.f32 v14, v31;
	[tilespmem:s7+$0xFFFFFF70] =	vst v25;
	v25 =	vld.idx.msk [tilespmem:v42+s6+$0x0], $0xffff  }
0x766: {  	v13 =	vmul.f32 $5.000000000e-01, v13;
	v15 =	vadd.f32 v15, v32;
	[tilespmem:s7+$0xFFFFFF80] =	vst v24;
	v24 =	vld.idx.msk [tilespmem:v43+s6+$0x0], $0xffff  }
0x767: {  	[tilespmem:s7+$0xFFFFFF90] =	vst v12;
	v12 =	vmul.f32 $5.000000000e-01, v14;
	v14 =	vadd.f32 v16, v33;
	v16 =	vld.idx.msk [tilespmem:v44+s6+$0x0], $0xffff  }
0x768: {  	[tilespmem:s7+$0xFFFFFFA0] =	vst v13;
	v13 =	vmul.f32 $5.000000000e-01, v15;
	v15 =	vadd.f32 v17, v28;
	v17 =	vld.idx.msk [tilespmem:v45+s6+$0x0], $0xffff  }
0x769: {  	[tilespmem:s7+$0xFFFFFFB0] =	vst v12;
	v12 =	vmul.f32 $5.000000000e-01, v14;
	v14 =	vadd.f32 v18, v27;
	v18 =	vld.idx.msk [tilespmem:v46+s6+$0x0], $0xffff  }
0x76a: {  	[tilespmem:s7+$0xFFFFFFC0] =	vst v13;
	v13 =	vmul.f32 $5.000000000e-01, v15;
	v15 =	vadd.f32 v53, v26;
	v11 =	vld.idx.msk [tilespmem:v11+s6+$0x0], $0xffff  }
.Ltmp22:
0x76b: {  	[tilespmem:s7+$0xFFFFFFD0] =	vst v12;
	v12 =	vmul.f32 $5.000000000e-01, v14;
	v14 =	vadd.f32 v19, v25;
	v10 =	vld.idx.msk [tilespmem:v10+s6+$0x0], $0xffff;
	(pc) =	sbr.rel @p0 .LBB2_45-.Ltmp22, $4  }
0x76c: {  	[tilespmem:s7+$0xFFFFFFE0] =	vst v13;
	v13 =	vmul.f32 $5.000000000e-01, v15;
	v15 =	vadd.f32 v20, v24;
	v9 =	vld.idx.msk [tilespmem:v9+s6+$0x0], $0xffff  }
0x76d: {  	v16 =	vadd.f32 v21, v16;
	[tilespmem:s7+$0xFFFFFFF0] =	vst v12;
	v14 =	vmul.f32 $5.000000000e-01, v14;
	v8 =	vld.idx.msk [tilespmem:v8+s6+$0x0], $0xffff  }
0x76e: {  	[tilespmem:s7+$0x0] =	vst v13;
	v12 =	vmul.f32 $5.000000000e-01, v15;
	v15 =	vadd.f32 v22, v17;
	v7 =	vld.idx.msk [tilespmem:v7+s6+$0x0], $0xffff  }
0x76f: {  	s9 =	sadd.s32 $0x190, s9;
	v13 =	vmul.f32 $5.000000000e-01, v16;
	[tilespmem:s7+$0x10] =	vst v14;
	v14 =	vadd.f32 v23, v18;
	v6 =	vld.idx.msk [tilespmem:v6+s6+$0x0], $0xffff  }
0x770: {  	[tilespmem:s7+$0x20] =	vst v12;
	v12 =	vmul.f32 $5.000000000e-01, v15;
	v5 =	vadd.f32 v5, v11  }
0x771: {  	v4 =	vadd.f32 v4, v10;
	[tilespmem:s7+$0x30] =	vst v13;
	v11 =	vmul.f32 $5.000000000e-01, v14  }
0x772: {  	v3 =	vadd.f32 v3, v9;
	[tilespmem:s7+$0x40] =	vst v12;
	v5 =	vmul.f32 $5.000000000e-01, v5  }
0x773: {  	v4 =	vmul.f32 $5.000000000e-01, v4;
	v2 =	vadd.f32 v2, v8;
	[tilespmem:s7+$0x50] =	vst v11  }
0x774: {  	v3 =	vmul.f32 $5.000000000e-01, v3;
	v1 =	vadd.f32 v1, v7;
	[tilespmem:s7+$0x60] =	vst v5  }
0x775: {  	[tilespmem:s7+$0x70] =	vst v4;
	v2 =	vmul.f32 $5.000000000e-01, v2;
	v0 =	vadd.f32 v0, v6  }
0x776: {  	[tilespmem:s7+$0x80] =	vst v3;
	v1 =	vmul.f32 $5.000000000e-01, v1  }
0x777: {  	[tilespmem:s7+$0x90] =	vst v2;
	v0 =	vmul.f32 $5.000000000e-01, v0  }
0x778: {  	s5 =	sadd.s32 s2, s4;
	[tilespmem:s7+$0xA0] =	vst v1  }
0x779: {  	s4 =	simm.s32 $0x0;
	s6 =	simm.s32 $0x13A60;
	s31 =	simm.s32 $0x114D0;
	[tilespmem:s7+$0xB0] =	vst v0  }
0x77a: {  	[hbm4b:s5+s4] =	stream.linear.scatter [tilespmem:s6], [sflag:$0x1], $0x2710, $0x38;
	[tilespmem:$0x1E780] =	vst v63  }
0x77b: {  	s5 =	simm.s32 $0xC6B0;
	v0 =	vld [tilespmem:s31+$0x0]  }
0x77c: {  	v1 =	vld [tilespmem:s5+$0x0]  }
0x77d: {  	v2 =	vld [tilespmem:s31+$0xFFFFFE80]  }
0x77e: {  	v3 =	vld [tilespmem:s31+$0xFFFFFE90]  }
0x77f: {  	v4 =	vld [tilespmem:s31+$0xFFFFFEA0]  }
0x780: {  	v5 =	vld [tilespmem:s31+$0xFFFFFEB0]  }
0x781: {  	v6 =	vld [tilespmem:s31+$0xFFFFFEC0]  }
0x782: {  	v7 =	vld [tilespmem:s31+$0xFFFFFED0]  }
0x783: {  	v8 =	vld [tilespmem:s31+$0xFFFFFEE0]  }
0x784: {  	v11 =	vld [tilespmem:s31+$0xFFFFFF10]  }
0x785: {  	v12 =	vld [tilespmem:s31+$0xFFFFFF20]  }
0x786: {  	v13 =	vld [tilespmem:s31+$0xFFFFFF30]  }
0x787: {  	v14 =	vld [tilespmem:s31+$0xFFFFFF40]  }
0x788: {  	v15 =	vld [tilespmem:s31+$0xFFFFFF50]  }
0x789: {  	v16 =	vld [tilespmem:s31+$0xFFFFFF60]  }
0x78a: {  	v17 =	vld [tilespmem:s31+$0xFFFFFF70]  }
0x78b: {  	v18 =	vld [tilespmem:s31+$0xFFFFFF80]  }
0x78c: {  	v19 =	vld [tilespmem:s31+$0xFFFFFF90]  }
0x78d: {  	v20 =	vld [tilespmem:s31+$0xFFFFFFA0]  }
0x78e: {  	v21 =	vld [tilespmem:s31+$0xFFFFFFB0]  }
0x78f: {  	v22 =	vld [tilespmem:s31+$0xFFFFFFC0]  }
0x790: {  	v23 =	vld [tilespmem:s31+$0xFFFFFFD0]  }
0x791: {  	v24 =	vld [tilespmem:s31+$0xFFFFFFE0]  }
0x792: {  	v25 =	vld [tilespmem:s31+$0xFFFFFFF0]  }
0x793: {  	v26 =	vld [tilespmem:s5+$0xFFFFFE90]  }
0x794: {  	v27 =	vld [tilespmem:s5+$0xFFFFFEA0]  }
0x795: {  	v28 =	vld [tilespmem:s5+$0xFFFFFEB0]  }
0x796: {  	v29 =	vld [tilespmem:s5+$0xFFFFFEC0]  }
0x797: {  	v30 =	vld [tilespmem:s5+$0xFFFFFED0]  }
0x798: {  	v31 =	vld [tilespmem:s5+$0xFFFFFEE0]  }
0x799: {  	v32 =	vld [tilespmem:s5+$0xFFFFFEF0]  }
0x79a: {  	v33 =	vld [tilespmem:s5+$0xFFFFFF00]  }
0x79b: {  	v34 =	vld [tilespmem:s5+$0xFFFFFF10]  }
0x79c: {  	v35 =	vld [tilespmem:s5+$0xFFFFFF20]  }
0x79d: {  	v36 =	vld [tilespmem:s5+$0xFFFFFF30]  }
0x79e: {  	v37 =	vld [tilespmem:s5+$0xFFFFFF40]  }
0x79f: {  	v38 =	vld [tilespmem:s5+$0xFFFFFF50]  }
0x7a0: {  	v39 =	vld [tilespmem:s5+$0xFFFFFF60]  }
0x7a1: {  	v40 =	vld [tilespmem:s5+$0xFFFFFF70]  }
0x7a2: {  	v41 =	vld [tilespmem:s5+$0xFFFFFF80]  }
0x7a3: {  	v42 =	vld [tilespmem:s5+$0xFFFFFF90]  }
0x7a4: {  	v43 =	vld [tilespmem:s5+$0xFFFFFFA0]  }
0x7a5: {  	v49 =	vld [tilespmem:s5+$0xFFFFFE80]  }
0x7a6: {  	v44 =	vld [tilespmem:s5+$0xFFFFFFB0]  }
0x7a7: {  	v45 =	vld [tilespmem:s5+$0xFFFFFFC0]  }
0x7a8: {  	v46 =	vld [tilespmem:s5+$0xFFFFFFD0]  }
0x7a9: {  	v47 =	vld [tilespmem:s5+$0xFFFFFFE0]  }
0x7aa: {  	v48 =	vld [tilespmem:s5+$0xFFFFFFF0]  }
0x7ab: {  	v9 =	vld.idx.msk [tilespmem:v1+s4+$0x0], $0xffff  }
0x7ac: {  	v1 =	vld [tilespmem:s31+$0xFFFFFF00]  }
0x7ad: {  	v53 =	vld.idx.msk [tilespmem:v49+s4+$0x0], $0xffff  }
0x7ae: {  	v54 =	vld.idx.msk [tilespmem:v26+s4+$0x0], $0xffff  }
0x7af: {  	v55 =	vld.idx.msk [tilespmem:v27+s4+$0x0], $0xffff  }
0x7b0: {  	v56 =	vld.idx.msk [tilespmem:v28+s4+$0x0], $0xffff  }
0x7b1: {  	v0 =	vadd.s32 $0x2800, v0;
	v57 =	vld.idx.msk [tilespmem:v29+s4+$0x0], $0xffff  }
0x7b2: {  	v58 =	vld.idx.msk [tilespmem:v31+s4+$0x0], $0xffff  }
0x7b3: {  	v2 =	vadd.s32 $0x2800, v2;
	v59 =	vld.idx.msk [tilespmem:v32+s4+$0x0], $0xffff  }
0x7b4: {  	v3 =	vadd.s32 $0x2800, v3;
	v60 =	vld.idx.msk [tilespmem:v33+s4+$0x0], $0xffff  }
0x7b5: {  	v4 =	vadd.s32 $0x2800, v4;
	v61 =	vld.idx.msk [tilespmem:v34+s4+$0x0], $0xffff  }
0x7b6: {  	v5 =	vadd.s32 $0x2800, v5;
	v10 =	vld.idx.msk [tilespmem:v0+s4+$0x0], $0xffff  }
0x7b7: {  	v6 =	vadd.s32 $0x2800, v6;
	v0 =	vld [tilespmem:s31+$0xFFFFFEF0]  }
0x7b8: {  	v7 =	vadd.s32 $0x2800, v7;
	v50 =	vld.idx.msk [tilespmem:v2+s4+$0x0], $0xffff  }
0x7b9: {  	v2 =	vadd.s32 $0x2800, v8;
	v8 =	vld.idx.msk [tilespmem:v3+s4+$0x0], $0xffff  }
0x7ba: {  	v51 =	vld.idx.msk [tilespmem:v4+s4+$0x0], $0xffff;
	v3 =	vadd.s32 $0x2800, v11  }
0x7bb: {  	v52 =	vld.idx.msk [tilespmem:v5+s4+$0x0], $0xffff  }
0x7bc: {  	v6 =	vld.idx.msk [tilespmem:v6+s4+$0x0], $0xffff;
	v1 =	vadd.s32 $0x2800, v1  }
0x7bd: {  	v7 =	vld.idx.msk [tilespmem:v7+s4+$0x0], $0xffff;
	v5 =	vadd.s32 $0x2800, v13  }
0x7be: {  	v0 =	vadd.s32 $0x2800, v0;
	v11 =	vld.idx.msk [tilespmem:v2+s4+$0x0], $0xffff  }
0x7bf: {  	v4 =	vadd.s32 $0x2800, v12;
	v2 =	vadd.s32 $0x2800, v14;
	v14 =	vld.idx.msk [tilespmem:v3+s4+$0x0], $0xffff  }
0x7c0: {  	v9 =	vadd.f32 v10, v9;
	v10 =	vld.idx.msk [tilespmem:v30+s4+$0x0], $0xffff  }
0x7c1: {  	v3 =	vadd.s32 $0x2800, v17;
	v13 =	vld.idx.msk [tilespmem:v1+s4+$0x0], $0xffff  }
0x7c2: {  	v1 =	vadd.s32 $0x2800, v16;
	v16 =	vld.idx.msk [tilespmem:v5+s4+$0x0], $0xffff  }
0x7c3: {  	v12 =	vld.idx.msk [tilespmem:v0+s4+$0x0], $0xffff  }
0x7c4: {  	v8 =	vadd.f32 v8, v54;
	v9 =	vmul.f32 $5.000000000e-01, v9;
	v0 =	vadd.s32 $0x2800, v15;
	v15 =	vld.idx.msk [tilespmem:v4+s4+$0x0], $0xffff  }
0x7c5: {  	s6 =	simm.s32 $0x162F0;
	v6 =	vadd.f32 v6, v57;
	v5 =	vadd.s32 $0x2800, v19;
	v17 =	vld.idx.msk [tilespmem:v2+s4+$0x0], $0xffff  }
0x7c6: {  	v8 =	vmul.f32 $5.000000000e-01, v8;
	[tilespmem:s6+$0x0] =	vst v9;
	v9 =	vadd.f32 v52, v56;
	v2 =	vadd.s32 $0x2800, v20;
	v20 =	vld.idx.msk [tilespmem:v3+s4+$0x0], $0xffff  }
0x7c7: {  	v7 =	vadd.f32 v7, v10;
	v10 =	vadd.f32 v11, v58;
	v11 =	vld.idx.msk [tilespmem:v37+s4+$0x0], $0xffff  }
0x7c8: {  	[tilespmem:s6+$0xFFFFFE90] =	vst v8;
	v4 =	vadd.s32 $0x2800, v18;
	v8 =	vmul.f32 $5.000000000e-01, v9;
	v9 =	vld.idx.msk [tilespmem:v36+s4+$0x0], $0xffff  }
0x7c9: {  	v6 =	vmul.f32 $5.000000000e-01, v6;
	v19 =	vld.idx.msk [tilespmem:v1+s4+$0x0], $0xffff  }
0x7ca: {  	v62 =	vadd.s32 $0x2800, v23;
	v63 =	vadd.s32 $0x2800, v24;
	v24 =	vld.idx.msk [tilespmem:v5+s4+$0x0], $0xffff  }
0x7cb: {  	[tilespmem:s6+$0xFFFFFEC0] =	vst v6;
	v6 =	vmul.f32 $5.000000000e-01, v10;
	v10 =	vadd.f32 v13, v60;
	v13 =	vld.idx.msk [tilespmem:v39+s4+$0x0], $0xffff  }
0x7cc: {  	v1 =	vadd.s32 $0x2800, v22;
	v18 =	vld.idx.msk [tilespmem:v0+s4+$0x0], $0xffff  }
0x7cd: {  	v22 =	vld.idx.msk [tilespmem:v4+s4+$0x0], $0xffff  }
0x7ce: {  	v5 =	vld.idx.msk [tilespmem:v2+s4+$0x0], $0xffff  }
0x7cf: {  	v2 =	vld.idx.msk [tilespmem:v62+s4+$0x0], $0xffff  }
0x7d0: {  	[tilespmem:s6+$0xFFFFFEB0] =	vst v8;
	v8 =	vadd.f32 v12, v59;
	v12 =	vld.idx.msk [tilespmem:v38+s4+$0x0], $0xffff  }
0x7d1: {  	v7 =	vmul.f32 $5.000000000e-01, v7;
	v0 =	vadd.s32 $0x2800, v21;
	v3 =	vld.idx.msk [tilespmem:v1+s4+$0x0], $0xffff  }
0x7d2: {  	v25 =	vadd.s32 $0x2800, v25;
	v1 =	vld.idx.msk [tilespmem:v63+s4+$0x0], $0xffff  }
0x7d3: {  	[tilespmem:s6+$0xFFFFFED0] =	vst v7;
	v7 =	vmul.f32 $5.000000000e-01, v8;
	v8 =	vadd.f32 v14, v61;
	v63 =	vld.idx.msk [tilespmem:v35+s4+$0x0], $0xffff  }
0x7d4: {  	[tilespmem:s6+$0xFFFFFEE0] =	vst v6;
	v21 =	vadd.f32 v50, v53;
	v14 =	vld.idx.msk [tilespmem:v40+s4+$0x0], $0xffff  }
0x7d5: {  	v6 =	vmul.f32 $5.000000000e-01, v10;
	[tilespmem:s6+$0xFFFFFEF0] =	vst v7;
	v7 =	vmul.f32 $5.000000000e-01, v8;
	v8 =	vadd.f32 v16, v9;
	v16 =	vld.idx.msk [tilespmem:v42+s4+$0x0], $0xffff  }
0x7d6: {  	v4 =	vld.idx.msk [tilespmem:v0+s4+$0x0], $0xffff  }
0x7d7: {  	v21 =	vmul.f32 $5.000000000e-01, v21;
	[tilespmem:s6+$0xFFFFFF00] =	vst v6;
	v0 =	vld.idx.msk [tilespmem:v25+s4+$0x0], $0xffff;
	v25 =	vadd.f32 v51, v55  }
0x7d8: {  	[tilespmem:s6+$0xFFFFFF10] =	vst v7;
	v7 =	vmul.f32 $5.000000000e-01, v8;
	v8 =	vadd.f32 v18, v12;
	v10 =	vadd.f32 v15, v63;
	v15 =	vld.idx.msk [tilespmem:v41+s4+$0x0], $0xffff  }
0x7d9: {  	[tilespmem:s6+$0xFFFFFE80] =	vst v21;
	v9 =	vadd.f32 v17, v11;
	v11 =	vld.idx.msk [tilespmem:v43+s4+$0x0], $0xffff;
	v62 =	vmul.f32 $5.000000000e-01, v25  }
0x7da: {  	v12 =	vadd.f32 v19, v13;
	[tilespmem:s6+$0xFFFFFF30] =	vst v7;
	v13 =	vmul.f32 $5.000000000e-01, v8;
	v8 =	vld.idx.msk [tilespmem:v46+s4+$0x0], $0xffff;
	v6 =	vmul.f32 $5.000000000e-01, v10  }
0x7db: {  	[tilespmem:s6+$0xFFFFFEA0] =	vst v62;
	v10 =	vld.idx.msk [tilespmem:v44+s4+$0x0], $0xffff  }
0x7dc: {  	v14 =	vadd.f32 v20, v14;
	[tilespmem:s6+$0xFFFFFF20] =	vst v6;
	v6 =	vmul.f32 $5.000000000e-01, v9;
	v9 =	vld.idx.msk [tilespmem:v45+s4+$0x0], $0xffff  }
0x7dd: {  	v12 =	vmul.f32 $5.000000000e-01, v12;
	v7 =	vld.idx.msk [tilespmem:v47+s4+$0x0], $0xffff;
	[tilespmem:s6+$0xFFFFFF50] =	vst v13;
	v15 =	vadd.f32 v22, v15  }
0x7de: {  	s8 =	simm.s32 $0x11660;
	s7 =	simm.s32 $0x2710;
	v13 =	vmul.f32 $5.000000000e-01, v14;
	v14 =	vadd.f32 v24, v16;
	[tilespmem:s6+$0xFFFFFF40] =	vst v6;
	v6 =	vld.idx.msk [tilespmem:v48+s4+$0x0], $0xffff  }
.LBB2_47:
0x7df: {  	v16 =	vld [tilespmem:s8+$0x0];
	s7 =	sadd.s32 $0x190, s7;
	[tilespmem:s6+$0xFFFFFF60] =	vst v12;
	v12 =	vmul.f32 $5.000000000e-01, v15;
	v5 =	vadd.f32 v5, v11;
	s5 =	sadd.s32 $0x190, s5  }
0x7e0: {  	v4 =	vadd.f32 v4, v10;
	v11 =	vld [tilespmem:s5+$0x0];
	p0 =	slt.u32 s7, $0x4C90;
	[tilespmem:s6+$0xFFFFFF70] =	vst v13;
	v13 =	vmul.f32 $5.000000000e-01, v14  }
0x7e1: {  	v3 =	vadd.f32 v3, v9;
	v10 =	vld [tilespmem:s8+$0xFFFFFE80];
	[tilespmem:s6+$0xFFFFFF80] =	vst v12;
	v5 =	vmul.f32 $5.000000000e-01, v5  }
0x7e2: {  	v4 =	vmul.f32 $5.000000000e-01, v4;
	v2 =	vadd.f32 v2, v8;
	v9 =	vld [tilespmem:s8+$0xFFFFFE90];
	[tilespmem:s6+$0xFFFFFF90] =	vst v13  }
0x7e3: {  	v3 =	vmul.f32 $5.000000000e-01, v3;
	v1 =	vadd.f32 v1, v7;
	v8 =	vld [tilespmem:s8+$0xFFFFFEA0];
	[tilespmem:s6+$0xFFFFFFA0] =	vst v5  }
0x7e4: {  	v2 =	vmul.f32 $5.000000000e-01, v2;
	v0 =	vadd.f32 v0, v6;
	v5 =	vld [tilespmem:s8+$0xFFFFFEB0];
	v7 =	vadd.s32 $0x2800, v16;
	[tilespmem:s6+$0xFFFFFFB0] =	vst v4  }
0x7e5: {  	v1 =	vmul.f32 $5.000000000e-01, v1;
	v4 =	vld [tilespmem:s8+$0xFFFFFEC0];
	[tilespmem:s6+$0xFFFFFFC0] =	vst v3  }
0x7e6: {  	v0 =	vmul.f32 $5.000000000e-01, v0;
	v3 =	vadd.s32 $0x2800, v10;
	v6 =	vld [tilespmem:s8+$0xFFFFFED0];
	[tilespmem:s6+$0xFFFFFFD0] =	vst v2  }
0x7e7: {  	v2 =	vadd.s32 $0x2800, v9;
	v9 =	vld [tilespmem:s8+$0xFFFFFEE0];
	[tilespmem:s6+$0xFFFFFFE0] =	vst v1  }
0x7e8: {  	v1 =	vadd.s32 $0x2800, v8;
	v8 =	vld.idx.msk [tilespmem:v11+s4+$0x0], $0xffff;
	[tilespmem:s6+$0xFFFFFFF0] =	vst v0  }
0x7e9: {  	v0 =	vadd.s32 $0x2800, v5;
	v5 =	vld.idx.msk [tilespmem:v7+s4+$0x0], $0xffff  }
0x7ea: {  	v4 =	vadd.s32 $0x2800, v4;
	v7 =	vld [tilespmem:s8+$0xFFFFFEF0]  }
0x7eb: {  	v12 =	vadd.s32 $0x2800, v6;
	v6 =	vld [tilespmem:s8+$0xFFFFFF00]  }
0x7ec: {  	v13 =	vadd.s32 $0x2800, v9;
	v9 =	vld [tilespmem:s8+$0xFFFFFF10]  }
0x7ed: {  	v10 =	vld [tilespmem:s8+$0xFFFFFF20]  }
0x7ee: {  	v11 =	vld [tilespmem:s8+$0xFFFFFF30]  }
0x7ef: {  	v5 =	vadd.f32 v5, v8;
	v14 =	vadd.s32 $0x2800, v7;
	v7 =	vld [tilespmem:s8+$0xFFFFFF40]  }
0x7f0: {  	v15 =	vadd.s32 $0x2800, v6;
	v6 =	vld [tilespmem:s8+$0xFFFFFF50]  }
0x7f1: {  	v5 =	vmul.f32 $5.000000000e-01, v5;
	v16 =	vadd.s32 $0x2800, v9;
	v8 =	vld [tilespmem:s8+$0xFFFFFF60]  }
0x7f2: {  	s6 =	sadd.s32 $0x190, s6;
	v17 =	vadd.s32 $0x2800, v10;
	v9 =	vld [tilespmem:s8+$0xFFFFFF70]  }
0x7f3: {  	v18 =	vadd.s32 $0x2800, v11;
	v10 =	vld [tilespmem:s8+$0xFFFFFF80];
	[tilespmem:s6+$0x0] =	vst v5  }
0x7f4: {  	v5 =	vadd.s32 $0x2800, v7;
	v7 =	vld [tilespmem:s8+$0xFFFFFF90]  }
0x7f5: {  	v19 =	vadd.s32 $0x2800, v6;
	v6 =	vld [tilespmem:s8+$0xFFFFFFA0]  }
0x7f6: {  	v20 =	vadd.s32 $0x2800, v8;
	v8 =	vld [tilespmem:s8+$0xFFFFFFB0]  }
0x7f7: {  	v21 =	vadd.s32 $0x2800, v9;
	v9 =	vld [tilespmem:s8+$0xFFFFFFC0]  }
0x7f8: {  	v22 =	vadd.s32 $0x2800, v10;
	v10 =	vld [tilespmem:s8+$0xFFFFFFD0]  }
0x7f9: {  	v23 =	vadd.s32 $0x2800, v7;
	v7 =	vld [tilespmem:s8+$0xFFFFFFE0]  }
0x7fa: {  	v24 =	vadd.s32 $0x2800, v6;
	v6 =	vld [tilespmem:s8+$0xFFFFFFF0]  }
0x7fb: {  	v25 =	vld [tilespmem:s5+$0xFFFFFE90];
	v26 =	vadd.s32 $0x2800, v8  }
0x7fc: {  	v27 =	vld [tilespmem:s5+$0xFFFFFEA0];
	v28 =	vadd.s32 $0x2800, v9  }
0x7fd: {  	v29 =	vld [tilespmem:s5+$0xFFFFFEB0];
	v30 =	vadd.s32 $0x2800, v10  }
0x7fe: {  	v31 =	vld [tilespmem:s5+$0xFFFFFEC0];
	v32 =	vadd.s32 $0x2800, v7  }
0x7ff: {  	v33 =	vld [tilespmem:s5+$0xFFFFFED0];
	v34 =	vadd.s32 $0x2800, v6  }
0x800: {  	v35 =	vld [tilespmem:s5+$0xFFFFFEE0]  }
0x801: {  	v36 =	vld [tilespmem:s5+$0xFFFFFEF0]  }
0x802: {  	v37 =	vld [tilespmem:s5+$0xFFFFFF00]  }
0x803: {  	v38 =	vld [tilespmem:s5+$0xFFFFFF10]  }
0x804: {  	v39 =	vld [tilespmem:s5+$0xFFFFFF20]  }
0x805: {  	v40 =	vld [tilespmem:s5+$0xFFFFFF30]  }
0x806: {  	v41 =	vld [tilespmem:s5+$0xFFFFFF40]  }
0x807: {  	v42 =	vld [tilespmem:s5+$0xFFFFFF50]  }
0x808: {  	v43 =	vld [tilespmem:s5+$0xFFFFFF60]  }
0x809: {  	v44 =	vld [tilespmem:s5+$0xFFFFFF70]  }
0x80a: {  	v45 =	vld [tilespmem:s5+$0xFFFFFF80]  }
0x80b: {  	v46 =	vld [tilespmem:s5+$0xFFFFFF90]  }
0x80c: {  	v11 =	vld [tilespmem:s5+$0xFFFFFFA0]  }
0x80d: {  	v10 =	vld [tilespmem:s5+$0xFFFFFFB0]  }
0x80e: {  	v9 =	vld [tilespmem:s5+$0xFFFFFFC0]  }
0x80f: {  	v8 =	vld [tilespmem:s5+$0xFFFFFFD0]  }
0x810: {  	v7 =	vld [tilespmem:s5+$0xFFFFFFE0]  }
0x811: {  	v6 =	vld [tilespmem:s5+$0xFFFFFFF0]  }
0x812: {  	v47 =	vld [tilespmem:s5+$0xFFFFFE80]  }
0x813: {  	v48 =	vld.idx.msk [tilespmem:v3+s4+$0x0], $0xffff  }
0x814: {  	v49 =	vld.idx.msk [tilespmem:v2+s4+$0x0], $0xffff  }
0x815: {  	v50 =	vld.idx.msk [tilespmem:v1+s4+$0x0], $0xffff  }
0x816: {  	v51 =	vld.idx.msk [tilespmem:v0+s4+$0x0], $0xffff  }
0x817: {  	v52 =	vld.idx.msk [tilespmem:v4+s4+$0x0], $0xffff  }
0x818: {  	v12 =	vld.idx.msk [tilespmem:v12+s4+$0x0], $0xffff  }
0x819: {  	v13 =	vld.idx.msk [tilespmem:v13+s4+$0x0], $0xffff  }
0x81a: {  	v14 =	vld.idx.msk [tilespmem:v14+s4+$0x0], $0xffff  }
0x81b: {  	v15 =	vld.idx.msk [tilespmem:v15+s4+$0x0], $0xffff  }
0x81c: {  	v16 =	vld.idx.msk [tilespmem:v16+s4+$0x0], $0xffff  }
0x81d: {  	v17 =	vld.idx.msk [tilespmem:v17+s4+$0x0], $0xffff  }
0x81e: {  	v18 =	vld.idx.msk [tilespmem:v18+s4+$0x0], $0xffff  }
0x81f: {  	v53 =	vld.idx.msk [tilespmem:v5+s4+$0x0], $0xffff  }
0x820: {  	v19 =	vld.idx.msk [tilespmem:v19+s4+$0x0], $0xffff  }
0x821: {  	v20 =	vld.idx.msk [tilespmem:v20+s4+$0x0], $0xffff  }
0x822: {  	v21 =	vld.idx.msk [tilespmem:v21+s4+$0x0], $0xffff  }
0x823: {  	v22 =	vld.idx.msk [tilespmem:v22+s4+$0x0], $0xffff  }
0x824: {  	v23 =	vld.idx.msk [tilespmem:v23+s4+$0x0], $0xffff  }
0x825: {  	v5 =	vld.idx.msk [tilespmem:v24+s4+$0x0], $0xffff  }
0x826: {  	v4 =	vld.idx.msk [tilespmem:v26+s4+$0x0], $0xffff  }
0x827: {  	v3 =	vld.idx.msk [tilespmem:v28+s4+$0x0], $0xffff  }
0x828: {  	v2 =	vld.idx.msk [tilespmem:v30+s4+$0x0], $0xffff  }
0x829: {  	v1 =	vld.idx.msk [tilespmem:v32+s4+$0x0], $0xffff  }
0x82a: {  	v0 =	vld.idx.msk [tilespmem:v34+s4+$0x0], $0xffff  }
0x82b: {  	v24 =	vld.idx.msk [tilespmem:v47+s4+$0x0], $0xffff  }
0x82c: {  	v25 =	vld.idx.msk [tilespmem:v25+s4+$0x0], $0xffff  }
0x82d: {  	v26 =	vld.idx.msk [tilespmem:v27+s4+$0x0], $0xffff  }
0x82e: {  	v27 =	vld.idx.msk [tilespmem:v29+s4+$0x0], $0xffff  }
0x82f: {  	v28 =	vld.idx.msk [tilespmem:v31+s4+$0x0], $0xffff  }
0x830: {  	v29 =	vld.idx.msk [tilespmem:v33+s4+$0x0], $0xffff  }
0x831: {  	v24 =	vadd.f32 v48, v24;
	v30 =	vld.idx.msk [tilespmem:v35+s4+$0x0], $0xffff  }
0x832: {  	v25 =	vadd.f32 v49, v25;
	v31 =	vld.idx.msk [tilespmem:v36+s4+$0x0], $0xffff  }
0x833: {  	v24 =	vmul.f32 $5.000000000e-01, v24;
	v26 =	vadd.f32 v50, v26;
	v32 =	vld.idx.msk [tilespmem:v37+s4+$0x0], $0xffff  }
0x834: {  	v25 =	vmul.f32 $5.000000000e-01, v25;
	v27 =	vadd.f32 v51, v27;
	v33 =	vld.idx.msk [tilespmem:v38+s4+$0x0], $0xffff  }
0x835: {  	[tilespmem:s6+$0xFFFFFE80] =	vst v24;
	v24 =	vmul.f32 $5.000000000e-01, v26;
	v26 =	vadd.f32 v52, v28;
	v28 =	vld.idx.msk [tilespmem:v39+s4+$0x0], $0xffff  }
0x836: {  	v12 =	vadd.f32 v12, v29;
	[tilespmem:s6+$0xFFFFFE90] =	vst v25;
	v25 =	vmul.f32 $5.000000000e-01, v27;
	v27 =	vld.idx.msk [tilespmem:v40+s4+$0x0], $0xffff  }
0x837: {  	v13 =	vadd.f32 v13, v30;
	[tilespmem:s6+$0xFFFFFEA0] =	vst v24;
	v24 =	vmul.f32 $5.000000000e-01, v26;
	v26 =	vld.idx.msk [tilespmem:v41+s4+$0x0], $0xffff  }
0x838: {  	v12 =	vmul.f32 $5.000000000e-01, v12;
	v14 =	vadd.f32 v14, v31;
	[tilespmem:s6+$0xFFFFFEB0] =	vst v25;
	v25 =	vld.idx.msk [tilespmem:v42+s4+$0x0], $0xffff  }
0x839: {  	v13 =	vmul.f32 $5.000000000e-01, v13;
	v15 =	vadd.f32 v15, v32;
	[tilespmem:s6+$0xFFFFFEC0] =	vst v24;
	v24 =	vld.idx.msk [tilespmem:v43+s4+$0x0], $0xffff  }
0x83a: {  	[tilespmem:s6+$0xFFFFFED0] =	vst v12;
	v12 =	vmul.f32 $5.000000000e-01, v14;
	v14 =	vadd.f32 v16, v33;
	v16 =	vld.idx.msk [tilespmem:v44+s4+$0x0], $0xffff  }
0x83b: {  	[tilespmem:s6+$0xFFFFFEE0] =	vst v13;
	v13 =	vmul.f32 $5.000000000e-01, v15;
	v15 =	vadd.f32 v17, v28;
	v17 =	vld.idx.msk [tilespmem:v45+s4+$0x0], $0xffff  }
0x83c: {  	[tilespmem:s6+$0xFFFFFEF0] =	vst v12;
	v12 =	vmul.f32 $5.000000000e-01, v14;
	v14 =	vadd.f32 v18, v27;
	v18 =	vld.idx.msk [tilespmem:v46+s4+$0x0], $0xffff  }
0x83d: {  	[tilespmem:s6+$0xFFFFFF00] =	vst v13;
	v13 =	vmul.f32 $5.000000000e-01, v15;
	v15 =	vadd.f32 v53, v26;
	v11 =	vld.idx.msk [tilespmem:v11+s4+$0x0], $0xffff  }
.Ltmp23:
0x83e: {  	[tilespmem:s6+$0xFFFFFF10] =	vst v12;
	v12 =	vmul.f32 $5.000000000e-01, v14;
	v14 =	vadd.f32 v19, v25;
	v10 =	vld.idx.msk [tilespmem:v10+s4+$0x0], $0xffff;
	(pc) =	sbr.rel @p0 .LBB2_47-.Ltmp23, $4  }
0x83f: {  	[tilespmem:s6+$0xFFFFFF20] =	vst v13;
	v13 =	vmul.f32 $5.000000000e-01, v15;
	v15 =	vadd.f32 v20, v24;
	v9 =	vld.idx.msk [tilespmem:v9+s4+$0x0], $0xffff  }
0x840: {  	v16 =	vadd.f32 v21, v16;
	[tilespmem:s6+$0xFFFFFF30] =	vst v12;
	v14 =	vmul.f32 $5.000000000e-01, v14;
	v8 =	vld.idx.msk [tilespmem:v8+s4+$0x0], $0xffff  }
0x841: {  	[tilespmem:s6+$0xFFFFFF40] =	vst v13;
	v12 =	vmul.f32 $5.000000000e-01, v15;
	v15 =	vadd.f32 v22, v17;
	v7 =	vld.idx.msk [tilespmem:v7+s4+$0x0], $0xffff  }
0x842: {  	s8 =	sadd.s32 $0x190, s8;
	v13 =	vmul.f32 $5.000000000e-01, v16;
	[tilespmem:s6+$0xFFFFFF50] =	vst v14;
	v14 =	vadd.f32 v23, v18;
	v6 =	vld.idx.msk [tilespmem:v6+s4+$0x0], $0xffff  }
0x843: {  	[tilespmem:s6+$0xFFFFFF60] =	vst v12;
	v62 =	vmul.f32 $5.000000000e-01, v15;
	v5 =	vadd.f32 v5, v11  }
0x844: {  	v4 =	vadd.f32 v4, v10;
	[tilespmem:s6+$0xFFFFFF70] =	vst v13;
	v63 =	vmul.f32 $5.000000000e-01, v14  }
0x845: {  	v3 =	vadd.f32 v3, v9;
	[tilespmem:s6+$0xFFFFFF80] =	vst v62;
	v5 =	vmul.f32 $5.000000000e-01, v5  }
0x846: {  	v4 =	vmul.f32 $5.000000000e-01, v4;
	v2 =	vadd.f32 v2, v8;
	[tilespmem:s6+$0xFFFFFF90] =	vst v63  }
0x847: {  	v3 =	vmul.f32 $5.000000000e-01, v3;
	v1 =	vadd.f32 v1, v7;
	[tilespmem:s6+$0xFFFFFFA0] =	vst v5  }
0x848: {  	[tilespmem:s6+$0xFFFFFFB0] =	vst v4;
	v2 =	vmul.f32 $5.000000000e-01, v2;
	v0 =	vadd.f32 v0, v6  }
0x849: {  	[tilespmem:s6+$0xFFFFFFC0] =	vst v3;
	v1 =	vmul.f32 $5.000000000e-01, v1  }
0x84a: {  	[tilespmem:s6+$0xFFFFFFD0] =	vst v2;
	v0 =	vmul.f32 $5.000000000e-01, v0  }
0x84b: {  	s2 =	sadd.s32 s2, s3;
	[tilespmem:s6+$0xFFFFFFE0] =	vst v1  }
0x84c: {  	s29 =	simm.s32 $0x0;
	s4 =	simm.s32 $0x16170;
	s30 =	simm.s32 $0x1;
	[tilespmem:s6+$0xFFFFFFF0] =	vst v0  }
0x84d: {  	[hbm4b:s2+s29] =	stream.linear.scatter [tilespmem:s4], [sflag:$0x2], $0x2710, $0x38;
	[tilespmem:$0x1E780] =	vst v63  }
0x84e: {  	_ =	swait.ge [sflag:s30], $0x2710  }
0x84f: {  	[sflag:s30] =	ssyncset.done $0x0  }
0x850: {  	s31 =	simm.s32 $0x2;
	[sflag:s30] =	ssyncadd.s32 $0xFFFFD8F0  }
0x851: {  	_ =	swait.ge [sflag:s31], $0x2710  }
0x852: {  	[sflag:s31] =	ssyncset.done $0x0  }
0x853: {  	[sflag:s31] =	ssyncadd.s32 $0xFFFFD8F0  }
0x854: {  	_ =	sfence.sel $0x180000  }
0x855: {  	[bflag:$0x0] =	sbarrier.arrive $0xFFFF  }
0x856: {  	p0 =	sne.s32 s0, $0x0;
	_ =	strace $0x90000047  }
0x857: {  	s0 =	sadd.s32 @!p0 $0x100000, s1;
	[bflag:$0x2] =	sbarrier.arrive $0xFFFF  }
0x858: {  	[sflag:s0] =	ssyncadd.tile.s32 @!p0 $0x1;
	_ =	shalt  }
.Lfunc_end2:
_tile_overlayer_lowered:
.L_overlay_start_2:
0x859: {  	(tag) =	ssettag $0x2  }
0x85a: {  	s0 =	rddreg [dreg:$0x0];
	s2 =	stileid.u32  }
0x85b: {  	s1 =	rddreg [dreg:$0x1];
	p0 =	sne.s32 s2, $0x0  }
0x85c: {  	s3 =	rddreg [dreg:$0x2];
	[bflag:$0x3] =	sbarrier.arrive $0xFFFF;
	s2 =	simm.s32 @!p0 $0x1C05  }
0x85d: {  	[timem:s3], [sflag:s2] =	dma.local @!p0 [hbm:s0], s1  }
0x85e: {  	s0 =	simm.s32 @!p0 $0x5  }
0x85f: {  	_ =	swait.ge @!p0 [sflag:s0], s1  }
0x860: {  	s1 =	ssub.s32 @!p0 $0x0, s1;
	[sflag:s0] =	ssyncset.done @!p0 $0x0  }
0x861: {  	[sflag:s0] =	ssyncadd.s32 @!p0 s1  }
0x862: {  	[bflag:$0x3] =	sbarrier.arrive $0xFFFF  }
0x863: {  	_ =	shalt  }

</sc_bundles>
